<compile_context>
chip_gen: v7x
topology: tpu7x:2x2x1
jax: 0.10.2.dev20260603
libtpu: 0.0.44.dev20260713+nightly
codegen_flags: <defaults>
</compile_context>

<pallas_src>
import functools

import jax
import jax.numpy as jnp
from jax import lax
from jax.experimental import pallas as pl
from jax.experimental.pallas import tpu as pltpu
from jax.experimental.pallas import tpu_sc as plsc

B, T, ENC, FILT = 4, 4096, 1024, 1024
N = B * T
NBUCKETS = 256

NC, NS, L = 2, 16, 16
NW = NC * NS
ROWS_PER_W = N // NW
CHUNK = 32
NCHUNKS = ROWS_PER_W // CHUNK


def _sc_body(v_hbm, bk_hbm, emb_hbm, out_hbm,
             v_v, bk_v, idx_v, buf0, buf1, sem0, sem1):
  cid = lax.axis_index("c")
  sid = lax.axis_index("s")
  wid = sid * NC + cid
  base = wid * ROWS_PER_W

  pltpu.sync_copy(v_hbm.at[pl.ds(base, ROWS_PER_W)], v_v)
  pltpu.sync_copy(bk_hbm, bk_v)

  def search(r, carry):
    v = v_v[pl.ds(r * L, L)]
    idx = jnp.zeros((L,), jnp.int32)
    for step in (128, 64, 32, 16, 8, 4, 2, 1):
      cand = idx + step
      bval = plsc.load_gather(bk_v, [cand - 1])
      idx = jnp.where(bval < v, cand, idx)
    idx_v[pl.ds(r * L, L)] = jnp.minimum(idx, NBUCKETS - 1)
    return carry

  lax.fori_loop(0, ROWS_PER_W // L, search, 0)

  prev = None
  for c in range(NCHUNKS):
    buf, sem = (buf0, sem0) if c % 2 == 0 else (buf1, sem1)
    h = pltpu.async_copy(emb_hbm.at[idx_v.at[pl.ds(c * CHUNK, CHUNK)]],
                         buf, sem)
    if prev is not None:
      ph, pbuf, pc = prev
      ph.wait()
      pltpu.sync_copy(pbuf, out_hbm.at[pl.ds(base + pc * CHUNK, CHUNK)])
    prev = (h, buf, c)
  ph, pbuf, pc = prev
  ph.wait()
  pltpu.sync_copy(pbuf, out_hbm.at[pl.ds(base + pc * CHUNK, CHUNK)])


def _sc_gather(v, buckets, emb):
  run = functools.partial(
      pl.kernel,
      out_type=jax.ShapeDtypeStruct((N, ENC), jnp.float32),
      mesh=plsc.VectorSubcoreMesh(core_axis_name="c", subcore_axis_name="s",
                                  num_cores=NC, num_subcores=NS),
      compiler_params=pltpu.CompilerParams(needs_layout_passes=False),
      scratch_types=[
          pltpu.VMEM((ROWS_PER_W,), jnp.float32),
          pltpu.VMEM((NBUCKETS,), jnp.float32),
          pltpu.VMEM((ROWS_PER_W,), jnp.int32),
          pltpu.VMEM((CHUNK, ENC), jnp.float32),
          pltpu.VMEM((CHUNK, ENC), jnp.float32),
          pltpu.SemaphoreType.DMA,
          pltpu.SemaphoreType.DMA,
      ],
  )(_sc_body)
  return run(v, buckets, emb)


TR = 512
NT = N // TR
TPB = T // TR


def _ln(h, g, b):
  mu = jnp.mean(h, axis=-1, keepdims=True)
  var = jnp.mean((h - mu) ** 2, axis=-1, keepdims=True)
  return (h - mu) * lax.rsqrt(var + 1e-5) * g + b


def _dot(a, w):
  return lax.dot_general(a, w, (((1,), (0,)), ((), ())),
                         preferred_element_type=jnp.float32)


F8 = jnp.float8_e4m3fn
SA = 2.0 ** 3
SB = 2.0 ** 9
SWH = 2.0 ** 13
SWL = 2.0 ** 22


def _conv3c(xa, whi_ref, wlo8_ref, whi8_ref, rc):
  hi = xa.astype(jnp.bfloat16)
  x8 = (xa * SA).astype(F8)
  l8 = ((xa - hi.astype(jnp.float32)) * SB).astype(F8)
  cat = lambda t: jnp.concatenate([t[0:rc], t[1:rc + 1], t[2:rc + 2]], axis=1)
  return (_dot(cat(hi), whi_ref[...])
          + _dot(cat(x8), wlo8_ref[...]) * jnp.float32(1 / (SA * SWL))
          + _dot(cat(l8), whi8_ref[...]) * jnp.float32(1 / (SB * SWH)))


CHUNKS1 = [(0, 128), (128, 128), (256, 128), (384, TR + 2 - 384)]
CHUNKS2 = [(0, 128), (128, 128), (256, 128), (384, TR - 384)]

WPR = 1024


def _wprep_body(w1_ref, w2_ref, w1h_ref, w1l8_ref, w1h8_ref,
                w2h_ref, w2l8_ref, w2h8_ref):
  for src, dh, dl8, dh8 in ((w1_ref, w1h_ref, w1l8_ref, w1h8_ref),
                            (w2_ref, w2h_ref, w2l8_ref, w2h8_ref)):
    w = src[...]
    hi = w.astype(jnp.bfloat16)
    dh[...] = hi
    dl8[...] = ((w - hi.astype(jnp.float32)) * SWL).astype(F8)
    dh8[...] = (hi.astype(jnp.float32) * SWH).astype(F8)


def _wprep(w1r, w2r):
  blk = lambda: pl.BlockSpec((WPR, FILT), lambda i: (i, 0))
  nw = 3 * ENC // WPR
  sd = lambda dt: jax.ShapeDtypeStruct((3 * ENC, FILT), dt)
  return pl.pallas_call(
      _wprep_body,
      grid=(nw,),
      in_specs=[blk(), blk()],
      out_specs=[blk(), blk(), blk(), blk(), blk(), blk()],
      out_shape=[sd(jnp.bfloat16), sd(F8), sd(F8),
                 sd(jnp.bfloat16), sd(F8), sd(F8)],
  )(w1r, w2r)


def _tc_body(xc_ref, halo_ref, w1h_ref, w1l8_ref, w1h8_ref,
             w2h_ref, w2l8_ref, w2h8_ref,
             b1_ref, g1_ref, be1_ref, b2_ref, g2_ref, be2_ref,
             wl_ref, bl_ref, out_ref, xw, h1s):
  xw[0:2, :] = halo_ref[0, 0:2, :]
  xw[2:TR + 2, :] = xc_ref[...]
  xw[TR + 2:TR + 4, :] = halo_ref[0, 2:4, :]

  ib = pl.program_id(0) % TPB

  for r0, rc in CHUNKS1:
    acc = _conv3c(xw[r0:r0 + rc + 2, :], w1h_ref, w1l8_ref, w1h8_ref, rc)
    h = jnp.maximum(acc + b1_ref[...], 0.0)
    h1n = _ln(h, g1_ref[...], be1_ref[...])
    row = lax.broadcasted_iota(jnp.int32, (rc, 1), 0) + r0
    edge = ((ib == 0) & (row == 0)) | ((ib == TPB - 1) & (row == TR + 1))
    h1s[r0:r0 + rc, :] = jnp.where(edge, 0.0, h1n)

  for r0, rc in CHUNKS2:
    acc2 = _conv3c(h1s[r0:r0 + rc + 2, :], w2h_ref, w2l8_ref, w2h8_ref, rc)
    h2 = jnp.maximum(acc2 + b2_ref[...], 0.0)
    h2n = _ln(h2, g2_ref[...], be2_ref[...])
    ans = jnp.sum(h2n * wl_ref[...], axis=-1) + bl_ref[0, 0]
    out_ref[0, 0, r0:r0 + rc] = ans


def _tc_predictor(xb, halos, w1h, w1l8, w1h8, w2h, w2l8, w2h8,
                  b1, g1, be1, b2, g2, be2, wl, bl):
  full = lambda shape: pl.BlockSpec(shape, lambda i: (0,) * len(shape))
  return pl.pallas_call(
      _tc_body,
      grid=(NT,),
      in_specs=[
          pl.BlockSpec((TR, ENC), lambda i: (i, 0)),
          pl.BlockSpec((1, 4, ENC), lambda i: (i, 0, 0)),
          full((3 * ENC, FILT)), full((3 * ENC, FILT)), full((3 * ENC, FILT)),
          full((3 * FILT, FILT)), full((3 * FILT, FILT)), full((3 * FILT, FILT)),
          full((1, FILT)), full((1, FILT)), full((1, FILT)),
          full((1, FILT)), full((1, FILT)), full((1, FILT)),
          full((1, FILT)),
          full((1, 1)),
      ],
      out_specs=pl.BlockSpec((1, 1, TR), lambda i: (i, 0, 0)),
      out_shape=jax.ShapeDtypeStruct((NT, 1, TR), jnp.float32),
      scratch_shapes=[
          pltpu.VMEM((TR + 4, ENC), jnp.float32),
          pltpu.VMEM((TR + 2, FILT), jnp.float32),
      ],
  )(xb, halos, w1h, w1l8, w1h8, w2h, w2l8, w2h8,
    b1, g1, be1, b2, g2, be2, wl, bl)


def kernel(x, target, emb, W1, b1, g1, be1, W2, b2, g2, be2, Wl, bl, buckets):
  v = jnp.log1p(target).reshape(N)
  xb = x.reshape(N, ENC)
  z2 = jnp.zeros((B, 2, ENC), x.dtype)
  lefts = jnp.stack(
      [x[:, j * TR - 2:j * TR] if j > 0 else z2 for j in range(TPB)], 1)
  rights = jnp.stack(
      [x[:, (j + 1) * TR:(j + 1) * TR + 2] if j < TPB - 1 else z2
       for j in range(TPB)], 1)
  halos = jnp.concatenate([lefts, rights], 2).reshape(NT, 4, ENC)

  w1h, w1l8, w1h8, w2h, w2l8, w2h8 = _wprep(
      W1.reshape(3 * ENC, FILT), W2.reshape(3 * FILT, FILT))

  v, w1h = lax.optimization_barrier((v, w1h))
  out_emb = _sc_gather(v, buckets, emb)

  ans = _tc_predictor(
      xb, halos, w1h, w1l8, w1h8, w2h, w2l8, w2h8,
      b1.reshape(1, FILT), g1.reshape(1, FILT), be1.reshape(1, FILT),
      b2.reshape(1, FILT), g2.reshape(1, FILT), be2.reshape(1, FILT),
      Wl.reshape(1, FILT), bl.reshape(1, 1))

  return (out_emb.reshape(B, T, ENC), ans.reshape(B, T))

# --- scband reference (transcript-rebuilt; emitter-appended) ---
"""Pipeline reference for scband-predictor-24026047053996 (READ-ONLY COPY).

The authoritative reference and input builder live on the scoring server;
editing this copy changes nothing except your own understanding.
"""

import jax, jax.numpy as jnp
import numpy as np

BUCKETS = 256
MIN_BUCKET = 1
MAX_BUCKET = 32768
ALPHA = 1.0
PAD = 0
ENC = 1024
FILT = 1024
KERN = 3


def _conv1d(x, W, b):
    # x: [B, T, Cin], W: [K, Cin, Cout], torch Conv1d with padding=(K-1)//2 ('SAME' for odd K)
    y = jax.lax.conv_general_dilated(x, W, window_strides=(1,), padding='SAME',
                                     dimension_numbers=('NHC', 'HIO', 'NHC'))
    return y + b


def _layernorm(x, g, b, eps=1e-5):
    mu = jnp.mean(x, axis=-1, keepdims=True)
    var = jnp.var(x, axis=-1, keepdims=True)
    return (x - mu) / jnp.sqrt(var + eps) * g + b


def _dur_predictor(x, p):
    # FastSpeech-style duration predictor: conv -> relu -> LN -> (dropout=eval noop) x2 -> linear -> squeeze
    h = _conv1d(x, p['W1'], p['b1'])
    h = jax.nn.relu(h)
    h = _layernorm(h, p['g1'], p['be1'])
    h = _conv1d(h, p['W2'], p['b2'])
    h = jax.nn.relu(h)
    h = _layernorm(h, p['g2'], p['be2'])
    ans = h @ p['Wl'] + p['bl']
    return ans[..., 0]


def setup_inputs(seed: int = 0):
    key = jax.random.key(seed)
    ks = jax.random.split(key, 12)
    B, T = 4, 4096
    x = jax.random.normal(ks[0], (B, T, ENC), dtype=jnp.float32)
    # durations: positive values spanning the log1p bucket range
    target = jax.random.uniform(ks[1], (B, T), dtype=jnp.float32) * 1000.0
    emb = jax.random.normal(ks[2], (BUCKETS, ENC), dtype=jnp.float32)
    emb = emb.at[PAD].set(0.0)  # padding_idx row zeroed
    s1 = 1.0 / np.sqrt(ENC * KERN)
    W1 = jax.random.uniform(ks[3], (KERN, ENC, FILT), minval=-s1, maxval=s1, dtype=jnp.float32)
    b1 = jax.random.uniform(ks[4], (FILT,), minval=-s1, maxval=s1, dtype=jnp.float32)
    s2 = 1.0 / np.sqrt(FILT * KERN)
    W2 = jax.random.uniform(ks[5], (KERN, FILT, FILT), minval=-s2, maxval=s2, dtype=jnp.float32)
    b2 = jax.random.uniform(ks[6], (FILT,), minval=-s2, maxval=s2, dtype=jnp.float32)
    g1 = jnp.ones((FILT,), jnp.float32)
    be1 = jnp.zeros((FILT,), jnp.float32)
    g2 = jnp.ones((FILT,), jnp.float32)
    be2 = jnp.zeros((FILT,), jnp.float32)
    sl = 1.0 / np.sqrt(FILT)
    Wl = jax.random.uniform(ks[7], (FILT, 1), minval=-sl, maxval=sl, dtype=jnp.float32)
    bl = jax.random.uniform(ks[8], (1,), minval=-sl, maxval=sl, dtype=jnp.float32)
    buckets = jnp.linspace(np.log1p(MIN_BUCKET), np.log1p(MAX_BUCKET + 1), BUCKETS).astype(jnp.float32)
    return {"x": x, "target": target, "emb": emb, "W1": W1, "b1": b1, "g1": g1, "be1": be1,
            "W2": W2, "b2": b2, "g2": g2, "be2": be2, "Wl": Wl, "bl": bl, "buckets": buckets}


def reference(x, target, emb, W1, b1, g1, be1, W2, b2, g2, be2, Wl, bl, buckets):
    p = dict(W1=W1, b1=b1, g1=g1, be1=be1, W2=W2, b2=b2, g2=g2, be2=be2, Wl=Wl, bl=bl)
    ans = _dur_predictor(x, p)
    # target is not None branch: bucketize(log1p(target), buckets) then embedding lookup
    # torch.bucketize(v, b, right=False): b[i-1] < v <= b[i]  ==  searchsorted side='left'
    idx = jnp.searchsorted(buckets, jnp.log1p(target), side='left')
    output = jnp.take(emb, idx, axis=0)
    return (output, ans)

if __name__ == "__main__":
    import jax
    _d = setup_inputs()
    print(jax.jit(kernel)(*tuple(_d.values())))

</pallas_src>

<mosaic_0001>
#map = affine_map<(d0, d1) -> (0)>
#map1 = affine_map<(d0, d1) -> (0, 0)>
module attributes {stable_mosaic.version = 14 : i64} {
  func.func @_sc_body(%arg0: i32, %arg1: i32, %arg2: memref<16384xf32, #tpu.memory_space<hbm>>, %arg3: memref<256xf32, #tpu.memory_space<hbm>>, %arg4: memref<256x1024xf32, #tpu.memory_space<hbm>>, %arg5: memref<16384x1024xf32, #tpu.memory_space<hbm>>, %arg6: memref<512xf32, #tpu.memory_space<vmem>>, %arg7: memref<256xf32, #tpu.memory_space<vmem>>, %arg8: memref<512xi32, #tpu.memory_space<vmem>>, %arg9: memref<32x1024xf32, #tpu.memory_space<vmem>>, %arg10: memref<32x1024xf32, #tpu.memory_space<vmem>>, %arg11: memref<!tpu.dma_semaphore, #tpu.memory_space<semaphore_mem>>, %arg12: memref<!tpu.dma_semaphore, #tpu.memory_space<semaphore_mem>>) attributes {dimension_semantics = [#tpu.dimension_semantics<core_parallel>, #tpu.dimension_semantics<subcore_parallel>], iteration_bounds = array<i64: 2, 16>, scalar_prefetch = 0 : i64, scratch_operands = 7 : i64, tpu.core_type = #tpu.core_type<sc_vector_subcore>, window_params = [{transform_indices = #map}, {transform_indices = #map}, {transform_indices = #map1}, {transform_indices = #map1}]} {
    %mul3A = arith.constant 2 : i32
    %mul3A_0 = arith.muli %arg1, %mul3A : i32
    %add3A = arith.addi %mul3A_0, %arg0 : i32
    %mul3A_1 = arith.constant 512 : i32
    %mul3A_2 = arith.muli %add3A, %mul3A_1 : i32
    "tpu.region"() ({
      %run_scoped3A = tpu.sem_alloc : memref<!tpu.dma_semaphore, #tpu.memory_space<semaphore_mem>>
      %dma_start3A_198 = tpu.memref_slice %arg2[%mul3A_2] : memref<16384xf32, #tpu.memory_space<hbm>> -> memref<512xf32, #tpu.memory_space<hbm>>
      %dma_start3A_199 = tpu.memref_slice %arg2[%mul3A_2] : memref<16384xf32, #tpu.memory_space<hbm>> -> memref<512xf32, #tpu.memory_space<hbm>>
      tpu.enqueue_dma source(%dma_start3A_199 : memref<512xf32, #tpu.memory_space<hbm>>) target(%arg6 : memref<512xf32, #tpu.memory_space<vmem>>) target_semaphore(%run_scoped3A : memref<!tpu.dma_semaphore, #tpu.memory_space<semaphore_mem>>)
      %dma_wait3A_200 = tpu.memref_slice %arg2[%mul3A_2] : memref<16384xf32, #tpu.memory_space<hbm>> -> memref<512xf32, #tpu.memory_space<hbm>>
      %dma_wait3A_201 = tpu.memref_slice %arg2[%mul3A_2] : memref<16384xf32, #tpu.memory_space<hbm>> -> memref<512xf32, #tpu.memory_space<hbm>>
      tpu.wait_dma2 semaphore(%run_scoped3A : memref<!tpu.dma_semaphore, #tpu.memory_space<semaphore_mem>>) src(%dma_wait3A_201 : memref<512xf32, #tpu.memory_space<hbm>>) dst(%arg6 : memref<512xf32, #tpu.memory_space<vmem>>)
      tpu.yield
    }) : () -> ()
    "tpu.region"() ({
      %run_scoped3A = tpu.sem_alloc : memref<!tpu.dma_semaphore, #tpu.memory_space<semaphore_mem>>
      tpu.enqueue_dma source(%arg3 : memref<256xf32, #tpu.memory_space<hbm>>) target(%arg7 : memref<256xf32, #tpu.memory_space<vmem>>) target_semaphore(%run_scoped3A : memref<!tpu.dma_semaphore, #tpu.memory_space<semaphore_mem>>)
      tpu.wait_dma2 semaphore(%run_scoped3A : memref<!tpu.dma_semaphore, #tpu.memory_space<semaphore_mem>>) src(%arg3 : memref<256xf32, #tpu.memory_space<hbm>>) dst(%arg7 : memref<256xf32, #tpu.memory_space<vmem>>)
      tpu.yield
    }) : () -> ()
    %scan3A = arith.constant 0 : i32
    %scan3A_3 = arith.constant 0 : i32
    %scan3A_4 = arith.constant 32 : i32
    %scan3A_5 = arith.addi %scan3A_3, %scan3A_4 : i32
    %scan3A_6 = arith.constant 1 : i32
    scf.for %scan3A_198 = %scan3A_3 to %scan3A_5 step %scan3A_6  : i32 {
      %mul3A_199 = arith.constant 16 : i32
      %mul3A_200 = arith.muli %scan3A_198, %mul3A_199 : i32
      %get3A = arith.index_cast %mul3A_200 : i32 to index
      %get3A_201 = tpu.vector_load %arg6[%get3A] {strides = array<i32>} : memref<512xf32, #tpu.memory_space<vmem>>, vector<16xf32>,
      %broadcast_in_dim3A = arith.constant 0 : i32
      %broadcast_in_dim3A_202 = vector.broadcast %broadcast_in_dim3A : i32 to vector<16xi32>
      %add3A_203 = arith.constant 128 : i32
      %add3A_204 = vector.broadcast %add3A_203 : i32 to vector<16xi32>
      %add3A_205 = arith.addi %broadcast_in_dim3A_202, %add3A_204 : vector<16xi32>
      %sub3A = arith.constant 1 : i32
      %sub3A_206 = vector.broadcast %sub3A : i32 to vector<16xi32>
      %sub3A_207 = arith.subi %add3A_205, %sub3A_206 : vector<16xi32>
      %gather3A = tpu.vector_load_idx %arg7[%sub3A_207] : memref<256xf32, #tpu.memory_space<vmem>>[vector<16xi32>], vector<16xf32>,
      %lt3A = arith.cmpf olt, %gather3A, %get3A_201 : vector<16xf32>
      %select_n3A = arith.select %lt3A, %add3A_205, %broadcast_in_dim3A_202 : vector<16xi1>, vector<16xi32>
      %add3A_208 = arith.constant 64 : i32
      %add3A_209 = vector.broadcast %add3A_208 : i32 to vector<16xi32>
      %add3A_210 = arith.addi %select_n3A, %add3A_209 : vector<16xi32>
      %sub3A_211 = arith.constant 1 : i32
      %sub3A_212 = vector.broadcast %sub3A_211 : i32 to vector<16xi32>
      %sub3A_213 = arith.subi %add3A_210, %sub3A_212 : vector<16xi32>
      %gather3A_214 = tpu.vector_load_idx %arg7[%sub3A_213] : memref<256xf32, #tpu.memory_space<vmem>>[vector<16xi32>], vector<16xf32>,
      %lt3A_215 = arith.cmpf olt, %gather3A_214, %get3A_201 : vector<16xf32>
      %select_n3A_216 = arith.select %lt3A_215, %add3A_210, %select_n3A : vector<16xi1>, vector<16xi32>
      %add3A_217 = arith.constant 32 : i32
      %add3A_218 = vector.broadcast %add3A_217 : i32 to vector<16xi32>
      %add3A_219 = arith.addi %select_n3A_216, %add3A_218 : vector<16xi32>
      %sub3A_220 = arith.constant 1 : i32
      %sub3A_221 = vector.broadcast %sub3A_220 : i32 to vector<16xi32>
      %sub3A_222 = arith.subi %add3A_219, %sub3A_221 : vector<16xi32>
      %gather3A_223 = tpu.vector_load_idx %arg7[%sub3A_222] : memref<256xf32, #tpu.memory_space<vmem>>[vector<16xi32>], vector<16xf32>,
      %lt3A_224 = arith.cmpf olt, %gather3A_223, %get3A_201 : vector<16xf32>
      %select_n3A_225 = arith.select %lt3A_224, %add3A_219, %select_n3A_216 : vector<16xi1>, vector<16xi32>
      %add3A_226 = arith.constant 16 : i32
      %add3A_227 = vector.broadcast %add3A_226 : i32 to vector<16xi32>
      %add3A_228 = arith.addi %select_n3A_225, %add3A_227 : vector<16xi32>
      %sub3A_229 = arith.constant 1 : i32
      %sub3A_230 = vector.broadcast %sub3A_229 : i32 to vector<16xi32>
      %sub3A_231 = arith.subi %add3A_228, %sub3A_230 : vector<16xi32>
      %gather3A_232 = tpu.vector_load_idx %arg7[%sub3A_231] : memref<256xf32, #tpu.memory_space<vmem>>[vector<16xi32>], vector<16xf32>,
      %lt3A_233 = arith.cmpf olt, %gather3A_232, %get3A_201 : vector<16xf32>
      %select_n3A_234 = arith.select %lt3A_233, %add3A_228, %select_n3A_225 : vector<16xi1>, vector<16xi32>
      %add3A_235 = arith.constant 8 : i32
      %add3A_236 = vector.broadcast %add3A_235 : i32 to vector<16xi32>
      %add3A_237 = arith.addi %select_n3A_234, %add3A_236 : vector<16xi32>
      %sub3A_238 = arith.constant 1 : i32
      %sub3A_239 = vector.broadcast %sub3A_238 : i32 to vector<16xi32>
      %sub3A_240 = arith.subi %add3A_237, %sub3A_239 : vector<16xi32>
      %gather3A_241 = tpu.vector_load_idx %arg7[%sub3A_240] : memref<256xf32, #tpu.memory_space<vmem>>[vector<16xi32>], vector<16xf32>,
      %lt3A_242 = arith.cmpf olt, %gather3A_241, %get3A_201 : vector<16xf32>
      %select_n3A_243 = arith.select %lt3A_242, %add3A_237, %select_n3A_234 : vector<16xi1>, vector<16xi32>
      %add3A_244 = arith.constant 4 : i32
      %add3A_245 = vector.broadcast %add3A_244 : i32 to vector<16xi32>
      %add3A_246 = arith.addi %select_n3A_243, %add3A_245 : vector<16xi32>
      %sub3A_247 = arith.constant 1 : i32
      %sub3A_248 = vector.broadcast %sub3A_247 : i32 to vector<16xi32>
      %sub3A_249 = arith.subi %add3A_246, %sub3A_248 : vector<16xi32>
      %gather3A_250 = tpu.vector_load_idx %arg7[%sub3A_249] : memref<256xf32, #tpu.memory_space<vmem>>[vector<16xi32>], vector<16xf32>,
      %lt3A_251 = arith.cmpf olt, %gather3A_250, %get3A_201 : vector<16xf32>
      %select_n3A_252 = arith.select %lt3A_251, %add3A_246, %select_n3A_243 : vector<16xi1>, vector<16xi32>
      %add3A_253 = arith.constant 2 : i32
      %add3A_254 = vector.broadcast %add3A_253 : i32 to vector<16xi32>
      %add3A_255 = arith.addi %select_n3A_252, %add3A_254 : vector<16xi32>
      %sub3A_256 = arith.constant 1 : i32
      %sub3A_257 = vector.broadcast %sub3A_256 : i32 to vector<16xi32>
      %sub3A_258 = arith.subi %add3A_255, %sub3A_257 : vector<16xi32>
      %gather3A_259 = tpu.vector_load_idx %arg7[%sub3A_258] : memref<256xf32, #tpu.memory_space<vmem>>[vector<16xi32>], vector<16xf32>,
      %lt3A_260 = arith.cmpf olt, %gather3A_259, %get3A_201 : vector<16xf32>
      %select_n3A_261 = arith.select %lt3A_260, %add3A_255, %select_n3A_252 : vector<16xi1>, vector<16xi32>
      %add3A_262 = arith.constant 1 : i32
      %add3A_263 = vector.broadcast %add3A_262 : i32 to vector<16xi32>
      %add3A_264 = arith.addi %select_n3A_261, %add3A_263 : vector<16xi32>
      %sub3A_265 = arith.constant 1 : i32
      %sub3A_266 = vector.broadcast %sub3A_265 : i32 to vector<16xi32>
      %sub3A_267 = arith.subi %add3A_264, %sub3A_266 : vector<16xi32>
      %gather3A_268 = tpu.vector_load_idx %arg7[%sub3A_267] : memref<256xf32, #tpu.memory_space<vmem>>[vector<16xi32>], vector<16xf32>,
      %lt3A_269 = arith.cmpf olt, %gather3A_268, %get3A_201 : vector<16xf32>
      %select_n3A_270 = arith.select %lt3A_269, %add3A_264, %select_n3A_261 : vector<16xi1>, vector<16xi32>
      %min3A = arith.constant 255 : i32
      %min3A_271 = vector.broadcast %min3A : i32 to vector<16xi32>
      %min3A_272 = arith.minsi %select_n3A_270, %min3A_271 : vector<16xi32>
      %mul3A_273 = arith.constant 16 : i32
      %mul3A_274 = arith.muli %scan3A_198, %mul3A_273 : i32
      %swap3A = arith.index_cast %mul3A_274 : i32 to index
      %swap3A_275 = tpu.vector_load %arg8[%swap3A] {strides = array<i32>} : memref<512xi32, #tpu.memory_space<vmem>>, vector<16xi32>,
      tpu.vector_store %arg8[%swap3A], %min3A_272 {strides = array<i32>} : memref<512xi32, #tpu.memory_space<vmem>>, vector<16xi32>,
    }
    %scan3A_7 = arith.constant 32 : i32
    %dma_start3A = arith.constant 0 : i32
    %dma_start3A_8 = tpu.memref_slice %arg8[%dma_start3A] : memref<512xi32, #tpu.memory_space<vmem>> -> memref<32xi32, #tpu.memory_space<vmem>>
    %dma_start3A_9 = arith.constant 0 : i32
    %dma_start3A_10 = arith.constant 0 : i32
    %dma_start3A_11 = tpu.memref_slice %arg4[%dma_start3A_9, %dma_start3A_10] : memref<256x1024xf32, #tpu.memory_space<hbm>> -> memref<256x1024xf32, #tpu.memory_space<hbm>>
    tpu.enqueue_indirect_dma source(%dma_start3A_11 : memref<256x1024xf32, #tpu.memory_space<hbm>>) target(%arg9 : memref<32x1024xf32, #tpu.memory_space<vmem>>) offsets(%dma_start3A_8 : memref<32xi32, #tpu.memory_space<vmem>>) semaphore(%arg11 : memref<!tpu.dma_semaphore, #tpu.memory_space<semaphore_mem>>)
    %dma_start3A_12 = arith.constant 32 : i32
    %dma_start3A_13 = tpu.memref_slice %arg8[%dma_start3A_12] : memref<512xi32, #tpu.memory_space<vmem>> -> memref<32xi32, #tpu.memory_space<vmem>>
    %dma_start3A_14 = arith.constant 0 : i32
    %dma_start3A_15 = arith.constant 0 : i32
    %dma_start3A_16 = tpu.memref_slice %arg4[%dma_start3A_14, %dma_start3A_15] : memref<256x1024xf32, #tpu.memory_space<hbm>> -> memref<256x1024xf32, #tpu.memory_space<hbm>>
    tpu.enqueue_indirect_dma source(%dma_start3A_16 : memref<256x1024xf32, #tpu.memory_space<hbm>>) target(%arg10 : memref<32x1024xf32, #tpu.memory_space<vmem>>) offsets(%dma_start3A_13 : memref<32xi32, #tpu.memory_space<vmem>>) semaphore(%arg12 : memref<!tpu.dma_semaphore, #tpu.memory_space<semaphore_mem>>)
    %dma_wait3A = arith.constant 0 : i32
    %dma_wait3A_17 = tpu.memref_slice %arg8[%dma_wait3A] : memref<512xi32, #tpu.memory_space<vmem>> -> memref<32xi32, #tpu.memory_space<vmem>>
    %dma_wait3A_18 = arith.constant 0 : i32
    %dma_wait3A_19 = arith.constant 0 : i32
    %dma_wait3A_20 = tpu.memref_slice %arg4[%dma_wait3A_18, %dma_wait3A_19] : memref<256x1024xf32, #tpu.memory_space<hbm>> -> memref<256x1024xf32, #tpu.memory_space<hbm>>
    tpu.wait_indirect_dma semaphore(%arg11 : memref<!tpu.dma_semaphore, #tpu.memory_space<semaphore_mem>>) src(%dma_wait3A_20 : memref<256x1024xf32, #tpu.memory_space<hbm>>) dst(%arg9 : memref<32x1024xf32, #tpu.memory_space<vmem>>)
    %add3A_21 = arith.constant 0 : i32
    %add3A_22 = arith.addi %mul3A_2, %add3A_21 : i32
    "tpu.region"() ({
      %run_scoped3A = tpu.sem_alloc : memref<!tpu.dma_semaphore, #tpu.memory_space<semaphore_mem>>
      %dma_start3A_198 = arith.constant 0 : i32
      %dma_start3A_199 = tpu.memref_slice %arg5[%add3A_22, %dma_start3A_198] : memref<16384x1024xf32, #tpu.memory_space<hbm>> -> memref<32x1024xf32, #tpu.memory_space<hbm>>
      %dma_start3A_200 = arith.constant 0 : i32
      %dma_start3A_201 = tpu.memref_slice %arg5[%add3A_22, %dma_start3A_200] : memref<16384x1024xf32, #tpu.memory_space<hbm>> -> memref<32x1024xf32, #tpu.memory_space<hbm>>
      tpu.enqueue_dma source(%arg9 : memref<32x1024xf32, #tpu.memory_space<vmem>>) target(%dma_start3A_201 : memref<32x1024xf32, #tpu.memory_space<hbm>>) target_semaphore(%run_scoped3A : memref<!tpu.dma_semaphore, #tpu.memory_space<semaphore_mem>>)
      %dma_wait3A_202 = arith.constant 0 : i32
      %dma_wait3A_203 = tpu.memref_slice %arg5[%add3A_22, %dma_wait3A_202] : memref<16384x1024xf32, #tpu.memory_space<hbm>> -> memref<32x1024xf32, #tpu.memory_space<hbm>>
      %dma_wait3A_204 = arith.constant 0 : i32
      %dma_wait3A_205 = tpu.memref_slice %arg5[%add3A_22, %dma_wait3A_204] : memref<16384x1024xf32, #tpu.memory_space<hbm>> -> memref<32x1024xf32, #tpu.memory_space<hbm>>
      tpu.wait_dma2 semaphore(%run_scoped3A : memref<!tpu.dma_semaphore, #tpu.memory_space<semaphore_mem>>) src(%arg9 : memref<32x1024xf32, #tpu.memory_space<vmem>>) dst(%dma_wait3A_205 : memref<32x1024xf32, #tpu.memory_space<hbm>>)
      tpu.yield
    }) : () -> ()
    %dma_start3A_23 = arith.constant 64 : i32
    %dma_start3A_24 = tpu.memref_slice %arg8[%dma_start3A_23] : memref<512xi32, #tpu.memory_space<vmem>> -> memref<32xi32, #tpu.memory_space<vmem>>
    %dma_start3A_25 = arith.constant 0 : i32
    %dma_start3A_26 = arith.constant 0 : i32
    %dma_start3A_27 = tpu.memref_slice %arg4[%dma_start3A_25, %dma_start3A_26] : memref<256x1024xf32, #tpu.memory_space<hbm>> -> memref<256x1024xf32, #tpu.memory_space<hbm>>
    tpu.enqueue_indirect_dma source(%dma_start3A_27 : memref<256x1024xf32, #tpu.memory_space<hbm>>) target(%arg9 : memref<32x1024xf32, #tpu.memory_space<vmem>>) offsets(%dma_start3A_24 : memref<32xi32, #tpu.memory_space<vmem>>) semaphore(%arg11 : memref<!tpu.dma_semaphore, #tpu.memory_space<semaphore_mem>>)
    %dma_wait3A_28 = arith.constant 32 : i32
    %dma_wait3A_29 = tpu.memref_slice %arg8[%dma_wait3A_28] : memref<512xi32, #tpu.memory_space<vmem>> -> memref<32xi32, #tpu.memory_space<vmem>>
    %dma_wait3A_30 = arith.constant 0 : i32
    %dma_wait3A_31 = arith.constant 0 : i32
    %dma_wait3A_32 = tpu.memref_slice %arg4[%dma_wait3A_30, %dma_wait3A_31] : memref<256x1024xf32, #tpu.memory_space<hbm>> -> memref<256x1024xf32, #tpu.memory_space<hbm>>
    tpu.wait_indirect_dma semaphore(%arg12 : memref<!tpu.dma_semaphore, #tpu.memory_space<semaphore_mem>>) src(%dma_wait3A_32 : memref<256x1024xf32, #tpu.memory_space<hbm>>) dst(%arg10 : memref<32x1024xf32, #tpu.memory_space<vmem>>)
    %add3A_33 = arith.constant 32 : i32
    %add3A_34 = arith.addi %mul3A_2, %add3A_33 : i32
    "tpu.region"() ({
      %run_scoped3A = tpu.sem_alloc : memref<!tpu.dma_semaphore, #tpu.memory_space<semaphore_mem>>
      %dma_start3A_198 = arith.constant 0 : i32
      %dma_start3A_199 = tpu.memref_slice %arg5[%add3A_34, %dma_start3A_198] : memref<16384x1024xf32, #tpu.memory_space<hbm>> -> memref<32x1024xf32, #tpu.memory_space<hbm>>
      %dma_start3A_200 = arith.constant 0 : i32
      %dma_start3A_201 = tpu.memref_slice %arg5[%add3A_34, %dma_start3A_200] : memref<16384x1024xf32, #tpu.memory_space<hbm>> -> memref<32x1024xf32, #tpu.memory_space<hbm>>
      tpu.enqueue_dma source(%arg10 : memref<32x1024xf32, #tpu.memory_space<vmem>>) target(%dma_start3A_201 : memref<32x1024xf32, #tpu.memory_space<hbm>>) target_semaphore(%run_scoped3A : memref<!tpu.dma_semaphore, #tpu.memory_space<semaphore_mem>>)
      %dma_wait3A_202 = arith.constant 0 : i32
      %dma_wait3A_203 = tpu.memref_slice %arg5[%add3A_34, %dma_wait3A_202] : memref<16384x1024xf32, #tpu.memory_space<hbm>> -> memref<32x1024xf32, #tpu.memory_space<hbm>>
      %dma_wait3A_204 = arith.constant 0 : i32
      %dma_wait3A_205 = tpu.memref_slice %arg5[%add3A_34, %dma_wait3A_204] : memref<16384x1024xf32, #tpu.memory_space<hbm>> -> memref<32x1024xf32, #tpu.memory_space<hbm>>
      tpu.wait_dma2 semaphore(%run_scoped3A : memref<!tpu.dma_semaphore, #tpu.memory_space<semaphore_mem>>) src(%arg10 : memref<32x1024xf32, #tpu.memory_space<vmem>>) dst(%dma_wait3A_205 : memref<32x1024xf32, #tpu.memory_space<hbm>>)
      tpu.yield
    }) : () -> ()
    %dma_start3A_35 = arith.constant 96 : i32
    %dma_start3A_36 = tpu.memref_slice %arg8[%dma_start3A_35] : memref<512xi32, #tpu.memory_space<vmem>> -> memref<32xi32, #tpu.memory_space<vmem>>
    %dma_start3A_37 = arith.constant 0 : i32
    %dma_start3A_38 = arith.constant 0 : i32
    %dma_start3A_39 = tpu.memref_slice %arg4[%dma_start3A_37, %dma_start3A_38] : memref<256x1024xf32, #tpu.memory_space<hbm>> -> memref<256x1024xf32, #tpu.memory_space<hbm>>
    tpu.enqueue_indirect_dma source(%dma_start3A_39 : memref<256x1024xf32, #tpu.memory_space<hbm>>) target(%arg10 : memref<32x1024xf32, #tpu.memory_space<vmem>>) offsets(%dma_start3A_36 : memref<32xi32, #tpu.memory_space<vmem>>) semaphore(%arg12 : memref<!tpu.dma_semaphore, #tpu.memory_space<semaphore_mem>>)
    %dma_wait3A_40 = arith.constant 64 : i32
    %dma_wait3A_41 = tpu.memref_slice %arg8[%dma_wait3A_40] : memref<512xi32, #tpu.memory_space<vmem>> -> memref<32xi32, #tpu.memory_space<vmem>>
    %dma_wait3A_42 = arith.constant 0 : i32
    %dma_wait3A_43 = arith.constant 0 : i32
    %dma_wait3A_44 = tpu.memref_slice %arg4[%dma_wait3A_42, %dma_wait3A_43] : memref<256x1024xf32, #tpu.memory_space<hbm>> -> memref<256x1024xf32, #tpu.memory_space<hbm>>
    tpu.wait_indirect_dma semaphore(%arg11 : memref<!tpu.dma_semaphore, #tpu.memory_space<semaphore_mem>>) src(%dma_wait3A_44 : memref<256x1024xf32, #tpu.memory_space<hbm>>) dst(%arg9 : memref<32x1024xf32, #tpu.memory_space<vmem>>)
    %add3A_45 = arith.constant 64 : i32
    %add3A_46 = arith.addi %mul3A_2, %add3A_45 : i32
    "tpu.region"() ({
      %run_scoped3A = tpu.sem_alloc : memref<!tpu.dma_semaphore, #tpu.memory_space<semaphore_mem>>
      %dma_start3A_198 = arith.constant 0 : i32
      %dma_start3A_199 = tpu.memref_slice %arg5[%add3A_46, %dma_start3A_198] : memref<16384x1024xf32, #tpu.memory_space<hbm>> -> memref<32x1024xf32, #tpu.memory_space<hbm>>
      %dma_start3A_200 = arith.constant 0 : i32
      %dma_start3A_201 = tpu.memref_slice %arg5[%add3A_46, %dma_start3A_200] : memref<16384x1024xf32, #tpu.memory_space<hbm>> -> memref<32x1024xf32, #tpu.memory_space<hbm>>
      tpu.enqueue_dma source(%arg9 : memref<32x1024xf32, #tpu.memory_space<vmem>>) target(%dma_start3A_201 : memref<32x1024xf32, #tpu.memory_space<hbm>>) target_semaphore(%run_scoped3A : memref<!tpu.dma_semaphore, #tpu.memory_space<semaphore_mem>>)
      %dma_wait3A_202 = arith.constant 0 : i32
      %dma_wait3A_203 = tpu.memref_slice %arg5[%add3A_46, %dma_wait3A_202] : memref<16384x1024xf32, #tpu.memory_space<hbm>> -> memref<32x1024xf32, #tpu.memory_space<hbm>>
      %dma_wait3A_204 = arith.constant 0 : i32
      %dma_wait3A_205 = tpu.memref_slice %arg5[%add3A_46, %dma_wait3A_204] : memref<16384x1024xf32, #tpu.memory_space<hbm>> -> memref<32x1024xf32, #tpu.memory_space<hbm>>
      tpu.wait_dma2 semaphore(%run_scoped3A : memref<!tpu.dma_semaphore, #tpu.memory_space<semaphore_mem>>) src(%arg9 : memref<32x1024xf32, #tpu.memory_space<vmem>>) dst(%dma_wait3A_205 : memref<32x1024xf32, #tpu.memory_space<hbm>>)
      tpu.yield
    }) : () -> ()
    %dma_start3A_47 = arith.constant 128 : i32
    %dma_start3A_48 = tpu.memref_slice %arg8[%dma_start3A_47] : memref<512xi32, #tpu.memory_space<vmem>> -> memref<32xi32, #tpu.memory_space<vmem>>
    %dma_start3A_49 = arith.constant 0 : i32
    %dma_start3A_50 = arith.constant 0 : i32
    %dma_start3A_51 = tpu.memref_slice %arg4[%dma_start3A_49, %dma_start3A_50] : memref<256x1024xf32, #tpu.memory_space<hbm>> -> memref<256x1024xf32, #tpu.memory_space<hbm>>
    tpu.enqueue_indirect_dma source(%dma_start3A_51 : memref<256x1024xf32, #tpu.memory_space<hbm>>) target(%arg9 : memref<32x1024xf32, #tpu.memory_space<vmem>>) offsets(%dma_start3A_48 : memref<32xi32, #tpu.memory_space<vmem>>) semaphore(%arg11 : memref<!tpu.dma_semaphore, #tpu.memory_space<semaphore_mem>>)
    %dma_wait3A_52 = arith.constant 96 : i32
    %dma_wait3A_53 = tpu.memref_slice %arg8[%dma_wait3A_52] : memref<512xi32, #tpu.memory_space<vmem>> -> memref<32xi32, #tpu.memory_space<vmem>>
    %dma_wait3A_54 = arith.constant 0 : i32
    %dma_wait3A_55 = arith.constant 0 : i32
    %dma_wait3A_56 = tpu.memref_slice %arg4[%dma_wait3A_54, %dma_wait3A_55] : memref<256x1024xf32, #tpu.memory_space<hbm>> -> memref<256x1024xf32, #tpu.memory_space<hbm>>
    tpu.wait_indirect_dma semaphore(%arg12 : memref<!tpu.dma_semaphore, #tpu.memory_space<semaphore_mem>>) src(%dma_wait3A_56 : memref<256x1024xf32, #tpu.memory_space<hbm>>) dst(%arg10 : memref<32x1024xf32, #tpu.memory_space<vmem>>)
    %add3A_57 = arith.constant 96 : i32
    %add3A_58 = arith.addi %mul3A_2, %add3A_57 : i32
    "tpu.region"() ({
      %run_scoped3A = tpu.sem_alloc : memref<!tpu.dma_semaphore, #tpu.memory_space<semaphore_mem>>
      %dma_start3A_198 = arith.constant 0 : i32
      %dma_start3A_199 = tpu.memref_slice %arg5[%add3A_58, %dma_start3A_198] : memref<16384x1024xf32, #tpu.memory_space<hbm>> -> memref<32x1024xf32, #tpu.memory_space<hbm>>
      %dma_start3A_200 = arith.constant 0 : i32
      %dma_start3A_201 = tpu.memref_slice %arg5[%add3A_58, %dma_start3A_200] : memref<16384x1024xf32, #tpu.memory_space<hbm>> -> memref<32x1024xf32, #tpu.memory_space<hbm>>
      tpu.enqueue_dma source(%arg10 : memref<32x1024xf32, #tpu.memory_space<vmem>>) target(%dma_start3A_201 : memref<32x1024xf32, #tpu.memory_space<hbm>>) target_semaphore(%run_scoped3A : memref<!tpu.dma_semaphore, #tpu.memory_space<semaphore_mem>>)
      %dma_wait3A_202 = arith.constant 0 : i32
      %dma_wait3A_203 = tpu.memref_slice %arg5[%add3A_58, %dma_wait3A_202] : memref<16384x1024xf32, #tpu.memory_space<hbm>> -> memref<32x1024xf32, #tpu.memory_space<hbm>>
      %dma_wait3A_204 = arith.constant 0 : i32
      %dma_wait3A_205 = tpu.memref_slice %arg5[%add3A_58, %dma_wait3A_204] : memref<16384x1024xf32, #tpu.memory_space<hbm>> -> memref<32x1024xf32, #tpu.memory_space<hbm>>
      tpu.wait_dma2 semaphore(%run_scoped3A : memref<!tpu.dma_semaphore, #tpu.memory_space<semaphore_mem>>) src(%arg10 : memref<32x1024xf32, #tpu.memory_space<vmem>>) dst(%dma_wait3A_205 : memref<32x1024xf32, #tpu.memory_space<hbm>>)
      tpu.yield
    }) : () -> ()
    %dma_start3A_59 = arith.constant 160 : i32
    %dma_start3A_60 = tpu.memref_slice %arg8[%dma_start3A_59] : memref<512xi32, #tpu.memory_space<vmem>> -> memref<32xi32, #tpu.memory_space<vmem>>
    %dma_start3A_61 = arith.constant 0 : i32
    %dma_start3A_62 = arith.constant 0 : i32
    %dma_start3A_63 = tpu.memref_slice %arg4[%dma_start3A_61, %dma_start3A_62] : memref<256x1024xf32, #tpu.memory_space<hbm>> -> memref<256x1024xf32, #tpu.memory_space<hbm>>
    tpu.enqueue_indirect_dma source(%dma_start3A_63 : memref<256x1024xf32, #tpu.memory_space<hbm>>) target(%arg10 : memref<32x1024xf32, #tpu.memory_space<vmem>>) offsets(%dma_start3A_60 : memref<32xi32, #tpu.memory_space<vmem>>) semaphore(%arg12 : memref<!tpu.dma_semaphore, #tpu.memory_space<semaphore_mem>>)
    %dma_wait3A_64 = arith.constant 128 : i32
    %dma_wait3A_65 = tpu.memref_slice %arg8[%dma_wait3A_64] : memref<512xi32, #tpu.memory_space<vmem>> -> memref<32xi32, #tpu.memory_space<vmem>>
    %dma_wait3A_66 = arith.constant 0 : i32
    %dma_wait3A_67 = arith.constant 0 : i32
    %dma_wait3A_68 = tpu.memref_slice %arg4[%dma_wait3A_66, %dma_wait3A_67] : memref<256x1024xf32, #tpu.memory_space<hbm>> -> memref<256x1024xf32, #tpu.memory_space<hbm>>
    tpu.wait_indirect_dma semaphore(%arg11 : memref<!tpu.dma_semaphore, #tpu.memory_space<semaphore_mem>>) src(%dma_wait3A_68 : memref<256x1024xf32, #tpu.memory_space<hbm>>) dst(%arg9 : memref<32x1024xf32, #tpu.memory_space<vmem>>)
    %add3A_69 = arith.constant 128 : i32
    %add3A_70 = arith.addi %mul3A_2, %add3A_69 : i32
    "tpu.region"() ({
      %run_scoped3A = tpu.sem_alloc : memref<!tpu.dma_semaphore, #tpu.memory_space<semaphore_mem>>
      %dma_start3A_198 = arith.constant 0 : i32
      %dma_start3A_199 = tpu.memref_slice %arg5[%add3A_70, %dma_start3A_198] : memref<16384x1024xf32, #tpu.memory_space<hbm>> -> memref<32x1024xf32, #tpu.memory_space<hbm>>
      %dma_start3A_200 = arith.constant 0 : i32
      %dma_start3A_201 = tpu.memref_slice %arg5[%add3A_70, %dma_start3A_200] : memref<16384x1024xf32, #tpu.memory_space<hbm>> -> memref<32x1024xf32, #tpu.memory_space<hbm>>
      tpu.enqueue_dma source(%arg9 : memref<32x1024xf32, #tpu.memory_space<vmem>>) target(%dma_start3A_201 : memref<32x1024xf32, #tpu.memory_space<hbm>>) target_semaphore(%run_scoped3A : memref<!tpu.dma_semaphore, #tpu.memory_space<semaphore_mem>>)
      %dma_wait3A_202 = arith.constant 0 : i32
      %dma_wait3A_203 = tpu.memref_slice %arg5[%add3A_70, %dma_wait3A_202] : memref<16384x1024xf32, #tpu.memory_space<hbm>> -> memref<32x1024xf32, #tpu.memory_space<hbm>>
      %dma_wait3A_204 = arith.constant 0 : i32
      %dma_wait3A_205 = tpu.memref_slice %arg5[%add3A_70, %dma_wait3A_204] : memref<16384x1024xf32, #tpu.memory_space<hbm>> -> memref<32x1024xf32, #tpu.memory_space<hbm>>
      tpu.wait_dma2 semaphore(%run_scoped3A : memref<!tpu.dma_semaphore, #tpu.memory_space<semaphore_mem>>) src(%arg9 : memref<32x1024xf32, #tpu.memory_space<vmem>>) dst(%dma_wait3A_205 : memref<32x1024xf32, #tpu.memory_space<hbm>>)
      tpu.yield
    }) : () -> ()
    %dma_start3A_71 = arith.constant 192 : i32
    %dma_start3A_72 = tpu.memref_slice %arg8[%dma_start3A_71] : memref<512xi32, #tpu.memory_space<vmem>> -> memref<32xi32, #tpu.memory_space<vmem>>
    %dma_start3A_73 = arith.constant 0 : i32
    %dma_start3A_74 = arith.constant 0 : i32
    %dma_start3A_75 = tpu.memref_slice %arg4[%dma_start3A_73, %dma_start3A_74] : memref<256x1024xf32, #tpu.memory_space<hbm>> -> memref<256x1024xf32, #tpu.memory_space<hbm>>
    tpu.enqueue_indirect_dma source(%dma_start3A_75 : memref<256x1024xf32, #tpu.memory_space<hbm>>) target(%arg9 : memref<32x1024xf32, #tpu.memory_space<vmem>>) offsets(%dma_start3A_72 : memref<32xi32, #tpu.memory_space<vmem>>) semaphore(%arg11 : memref<!tpu.dma_semaphore, #tpu.memory_space<semaphore_mem>>)
    %dma_wait3A_76 = arith.constant 160 : i32
    %dma_wait3A_77 = tpu.memref_slice %arg8[%dma_wait3A_76] : memref<512xi32, #tpu.memory_space<vmem>> -> memref<32xi32, #tpu.memory_space<vmem>>
    %dma_wait3A_78 = arith.constant 0 : i32
    %dma_wait3A_79 = arith.constant 0 : i32
    %dma_wait3A_80 = tpu.memref_slice %arg4[%dma_wait3A_78, %dma_wait3A_79] : memref<256x1024xf32, #tpu.memory_space<hbm>> -> memref<256x1024xf32, #tpu.memory_space<hbm>>
    tpu.wait_indirect_dma semaphore(%arg12 : memref<!tpu.dma_semaphore, #tpu.memory_space<semaphore_mem>>) src(%dma_wait3A_80 : memref<256x1024xf32, #tpu.memory_space<hbm>>) dst(%arg10 : memref<32x1024xf32, #tpu.memory_space<vmem>>)
    %add3A_81 = arith.constant 160 : i32
    %add3A_82 = arith.addi %mul3A_2, %add3A_81 : i32
    "tpu.region"() ({
      %run_scoped3A = tpu.sem_alloc : memref<!tpu.dma_semaphore, #tpu.memory_space<semaphore_mem>>
      %dma_start3A_198 = arith.constant 0 : i32
      %dma_start3A_199 = tpu.memref_slice %arg5[%add3A_82, %dma_start3A_198] : memref<16384x1024xf32, #tpu.memory_space<hbm>> -> memref<32x1024xf32, #tpu.memory_space<hbm>>
      %dma_start3A_200 = arith.constant 0 : i32
      %dma_start3A_201 = tpu.memref_slice %arg5[%add3A_82, %dma_start3A_200] : memref<16384x1024xf32, #tpu.memory_space<hbm>> -> memref<32x1024xf32, #tpu.memory_space<hbm>>
      tpu.enqueue_dma source(%arg10 : memref<32x1024xf32, #tpu.memory_space<vmem>>) target(%dma_start3A_201 : memref<32x1024xf32, #tpu.memory_space<hbm>>) target_semaphore(%run_scoped3A : memref<!tpu.dma_semaphore, #tpu.memory_space<semaphore_mem>>)
      %dma_wait3A_202 = arith.constant 0 : i32
      %dma_wait3A_203 = tpu.memref_slice %arg5[%add3A_82, %dma_wait3A_202] : memref<16384x1024xf32, #tpu.memory_space<hbm>> -> memref<32x1024xf32, #tpu.memory_space<hbm>>
      %dma_wait3A_204 = arith.constant 0 : i32
      %dma_wait3A_205 = tpu.memref_slice %arg5[%add3A_82, %dma_wait3A_204] : memref<16384x1024xf32, #tpu.memory_space<hbm>> -> memref<32x1024xf32, #tpu.memory_space<hbm>>
      tpu.wait_dma2 semaphore(%run_scoped3A : memref<!tpu.dma_semaphore, #tpu.memory_space<semaphore_mem>>) src(%arg10 : memref<32x1024xf32, #tpu.memory_space<vmem>>) dst(%dma_wait3A_205 : memref<32x1024xf32, #tpu.memory_space<hbm>>)
      tpu.yield
    }) : () -> ()
    %dma_start3A_83 = arith.constant 224 : i32
    %dma_start3A_84 = tpu.memref_slice %arg8[%dma_start3A_83] : memref<512xi32, #tpu.memory_space<vmem>> -> memref<32xi32, #tpu.memory_space<vmem>>
    %dma_start3A_85 = arith.constant 0 : i32
    %dma_start3A_86 = arith.constant 0 : i32
    %dma_start3A_87 = tpu.memref_slice %arg4[%dma_start3A_85, %dma_start3A_86] : memref<256x1024xf32, #tpu.memory_space<hbm>> -> memref<256x1024xf32, #tpu.memory_space<hbm>>
    tpu.enqueue_indirect_dma source(%dma_start3A_87 : memref<256x1024xf32, #tpu.memory_space<hbm>>) target(%arg10 : memref<32x1024xf32, #tpu.memory_space<vmem>>) offsets(%dma_start3A_84 : memref<32xi32, #tpu.memory_space<vmem>>) semaphore(%arg12 : memref<!tpu.dma_semaphore, #tpu.memory_space<semaphore_mem>>)
    %dma_wait3A_88 = arith.constant 192 : i32
    %dma_wait3A_89 = tpu.memref_slice %arg8[%dma_wait3A_88] : memref<512xi32, #tpu.memory_space<vmem>> -> memref<32xi32, #tpu.memory_space<vmem>>
    %dma_wait3A_90 = arith.constant 0 : i32
    %dma_wait3A_91 = arith.constant 0 : i32
    %dma_wait3A_92 = tpu.memref_slice %arg4[%dma_wait3A_90, %dma_wait3A_91] : memref<256x1024xf32, #tpu.memory_space<hbm>> -> memref<256x1024xf32, #tpu.memory_space<hbm>>
    tpu.wait_indirect_dma semaphore(%arg11 : memref<!tpu.dma_semaphore, #tpu.memory_space<semaphore_mem>>) src(%dma_wait3A_92 : memref<256x1024xf32, #tpu.memory_space<hbm>>) dst(%arg9 : memref<32x1024xf32, #tpu.memory_space<vmem>>)
    %add3A_93 = arith.constant 192 : i32
    %add3A_94 = arith.addi %mul3A_2, %add3A_93 : i32
    "tpu.region"() ({
      %run_scoped3A = tpu.sem_alloc : memref<!tpu.dma_semaphore, #tpu.memory_space<semaphore_mem>>
      %dma_start3A_198 = arith.constant 0 : i32
      %dma_start3A_199 = tpu.memref_slice %arg5[%add3A_94, %dma_start3A_198] : memref<16384x1024xf32, #tpu.memory_space<hbm>> -> memref<32x1024xf32, #tpu.memory_space<hbm>>
      %dma_start3A_200 = arith.constant 0 : i32
      %dma_start3A_201 = tpu.memref_slice %arg5[%add3A_94, %dma_start3A_200] : memref<16384x1024xf32, #tpu.memory_space<hbm>> -> memref<32x1024xf32, #tpu.memory_space<hbm>>
      tpu.enqueue_dma source(%arg9 : memref<32x1024xf32, #tpu.memory_space<vmem>>) target(%dma_start3A_201 : memref<32x1024xf32, #tpu.memory_space<hbm>>) target_semaphore(%run_scoped3A : memref<!tpu.dma_semaphore, #tpu.memory_space<semaphore_mem>>)
      %dma_wait3A_202 = arith.constant 0 : i32
      %dma_wait3A_203 = tpu.memref_slice %arg5[%add3A_94, %dma_wait3A_202] : memref<16384x1024xf32, #tpu.memory_space<hbm>> -> memref<32x1024xf32, #tpu.memory_space<hbm>>
      %dma_wait3A_204 = arith.constant 0 : i32
      %dma_wait3A_205 = tpu.memref_slice %arg5[%add3A_94, %dma_wait3A_204] : memref<16384x1024xf32, #tpu.memory_space<hbm>> -> memref<32x1024xf32, #tpu.memory_space<hbm>>
      tpu.wait_dma2 semaphore(%run_scoped3A : memref<!tpu.dma_semaphore, #tpu.memory_space<semaphore_mem>>) src(%arg9 : memref<32x1024xf32, #tpu.memory_space<vmem>>) dst(%dma_wait3A_205 : memref<32x1024xf32, #tpu.memory_space<hbm>>)
      tpu.yield
    }) : () -> ()
    %dma_start3A_95 = arith.constant 256 : i32
    %dma_start3A_96 = tpu.memref_slice %arg8[%dma_start3A_95] : memref<512xi32, #tpu.memory_space<vmem>> -> memref<32xi32, #tpu.memory_space<vmem>>
    %dma_start3A_97 = arith.constant 0 : i32
    %dma_start3A_98 = arith.constant 0 : i32
    %dma_start3A_99 = tpu.memref_slice %arg4[%dma_start3A_97, %dma_start3A_98] : memref<256x1024xf32, #tpu.memory_space<hbm>> -> memref<256x1024xf32, #tpu.memory_space<hbm>>
    tpu.enqueue_indirect_dma source(%dma_start3A_99 : memref<256x1024xf32, #tpu.memory_space<hbm>>) target(%arg9 : memref<32x1024xf32, #tpu.memory_space<vmem>>) offsets(%dma_start3A_96 : memref<32xi32, #tpu.memory_space<vmem>>) semaphore(%arg11 : memref<!tpu.dma_semaphore, #tpu.memory_space<semaphore_mem>>)
    %dma_wait3A_100 = arith.constant 224 : i32
    %dma_wait3A_101 = tpu.memref_slice %arg8[%dma_wait3A_100] : memref<512xi32, #tpu.memory_space<vmem>> -> memref<32xi32, #tpu.memory_space<vmem>>
    %dma_wait3A_102 = arith.constant 0 : i32
    %dma_wait3A_103 = arith.constant 0 : i32
    %dma_wait3A_104 = tpu.memref_slice %arg4[%dma_wait3A_102, %dma_wait3A_103] : memref<256x1024xf32, #tpu.memory_space<hbm>> -> memref<256x1024xf32, #tpu.memory_space<hbm>>
    tpu.wait_indirect_dma semaphore(%arg12 : memref<!tpu.dma_semaphore, #tpu.memory_space<semaphore_mem>>) src(%dma_wait3A_104 : memref<256x1024xf32, #tpu.memory_space<hbm>>) dst(%arg10 : memref<32x1024xf32, #tpu.memory_space<vmem>>)
    %add3A_105 = arith.constant 224 : i32
    %add3A_106 = arith.addi %mul3A_2, %add3A_105 : i32
    "tpu.region"() ({
      %run_scoped3A = tpu.sem_alloc : memref<!tpu.dma_semaphore, #tpu.memory_space<semaphore_mem>>
      %dma_start3A_198 = arith.constant 0 : i32
      %dma_start3A_199 = tpu.memref_slice %arg5[%add3A_106, %dma_start3A_198] : memref<16384x1024xf32, #tpu.memory_space<hbm>> -> memref<32x1024xf32, #tpu.memory_space<hbm>>
      %dma_start3A_200 = arith.constant 0 : i32
      %dma_start3A_201 = tpu.memref_slice %arg5[%add3A_106, %dma_start3A_200] : memref<16384x1024xf32, #tpu.memory_space<hbm>> -> memref<32x1024xf32, #tpu.memory_space<hbm>>
      tpu.enqueue_dma source(%arg10 : memref<32x1024xf32, #tpu.memory_space<vmem>>) target(%dma_start3A_201 : memref<32x1024xf32, #tpu.memory_space<hbm>>) target_semaphore(%run_scoped3A : memref<!tpu.dma_semaphore, #tpu.memory_space<semaphore_mem>>)
      %dma_wait3A_202 = arith.constant 0 : i32
      %dma_wait3A_203 = tpu.memref_slice %arg5[%add3A_106, %dma_wait3A_202] : memref<16384x1024xf32, #tpu.memory_space<hbm>> -> memref<32x1024xf32, #tpu.memory_space<hbm>>
      %dma_wait3A_204 = arith.constant 0 : i32
      %dma_wait3A_205 = tpu.memref_slice %arg5[%add3A_106, %dma_wait3A_204] : memref<16384x1024xf32, #tpu.memory_space<hbm>> -> memref<32x1024xf32, #tpu.memory_space<hbm>>
      tpu.wait_dma2 semaphore(%run_scoped3A : memref<!tpu.dma_semaphore, #tpu.memory_space<semaphore_mem>>) src(%arg10 : memref<32x1024xf32, #tpu.memory_space<vmem>>) dst(%dma_wait3A_205 : memref<32x1024xf32, #tpu.memory_space<hbm>>)
      tpu.yield
    }) : () -> ()
    %dma_start3A_107 = arith.constant 288 : i32
    %dma_start3A_108 = tpu.memref_slice %arg8[%dma_start3A_107] : memref<512xi32, #tpu.memory_space<vmem>> -> memref<32xi32, #tpu.memory_space<vmem>>
    %dma_start3A_109 = arith.constant 0 : i32
    %dma_start3A_110 = arith.constant 0 : i32
    %dma_start3A_111 = tpu.memref_slice %arg4[%dma_start3A_109, %dma_start3A_110] : memref<256x1024xf32, #tpu.memory_space<hbm>> -> memref<256x1024xf32, #tpu.memory_space<hbm>>
    tpu.enqueue_indirect_dma source(%dma_start3A_111 : memref<256x1024xf32, #tpu.memory_space<hbm>>) target(%arg10 : memref<32x1024xf32, #tpu.memory_space<vmem>>) offsets(%dma_start3A_108 : memref<32xi32, #tpu.memory_space<vmem>>) semaphore(%arg12 : memref<!tpu.dma_semaphore, #tpu.memory_space<semaphore_mem>>)
    %dma_wait3A_112 = arith.constant 256 : i32
    %dma_wait3A_113 = tpu.memref_slice %arg8[%dma_wait3A_112] : memref<512xi32, #tpu.memory_space<vmem>> -> memref<32xi32, #tpu.memory_space<vmem>>
    %dma_wait3A_114 = arith.constant 0 : i32
    %dma_wait3A_115 = arith.constant 0 : i32
    %dma_wait3A_116 = tpu.memref_slice %arg4[%dma_wait3A_114, %dma_wait3A_115] : memref<256x1024xf32, #tpu.memory_space<hbm>> -> memref<256x1024xf32, #tpu.memory_space<hbm>>
    tpu.wait_indirect_dma semaphore(%arg11 : memref<!tpu.dma_semaphore, #tpu.memory_space<semaphore_mem>>) src(%dma_wait3A_116 : memref<256x1024xf32, #tpu.memory_space<hbm>>) dst(%arg9 : memref<32x1024xf32, #tpu.memory_space<vmem>>)
    %add3A_117 = arith.constant 256 : i32
    %add3A_118 = arith.addi %mul3A_2, %add3A_117 : i32
    "tpu.region"() ({
      %run_scoped3A = tpu.sem_alloc : memref<!tpu.dma_semaphore, #tpu.memory_space<semaphore_mem>>
      %dma_start3A_198 = arith.constant 0 : i32
      %dma_start3A_199 = tpu.memref_slice %arg5[%add3A_118, %dma_start3A_198] : memref<16384x1024xf32, #tpu.memory_space<hbm>> -> memref<32x1024xf32, #tpu.memory_space<hbm>>
      %dma_start3A_200 = arith.constant 0 : i32
      %dma_start3A_201 = tpu.memref_slice %arg5[%add3A_118, %dma_start3A_200] : memref<16384x1024xf32, #tpu.memory_space<hbm>> -> memref<32x1024xf32, #tpu.memory_space<hbm>>
      tpu.enqueue_dma source(%arg9 : memref<32x1024xf32, #tpu.memory_space<vmem>>) target(%dma_start3A_201 : memref<32x1024xf32, #tpu.memory_space<hbm>>) target_semaphore(%run_scoped3A : memref<!tpu.dma_semaphore, #tpu.memory_space<semaphore_mem>>)
      %dma_wait3A_202 = arith.constant 0 : i32
      %dma_wait3A_203 = tpu.memref_slice %arg5[%add3A_118, %dma_wait3A_202] : memref<16384x1024xf32, #tpu.memory_space<hbm>> -> memref<32x1024xf32, #tpu.memory_space<hbm>>
      %dma_wait3A_204 = arith.constant 0 : i32
      %dma_wait3A_205 = tpu.memref_slice %arg5[%add3A_118, %dma_wait3A_204] : memref<16384x1024xf32, #tpu.memory_space<hbm>> -> memref<32x1024xf32, #tpu.memory_space<hbm>>
      tpu.wait_dma2 semaphore(%run_scoped3A : memref<!tpu.dma_semaphore, #tpu.memory_space<semaphore_mem>>) src(%arg9 : memref<32x1024xf32, #tpu.memory_space<vmem>>) dst(%dma_wait3A_205 : memref<32x1024xf32, #tpu.memory_space<hbm>>)
      tpu.yield
    }) : () -> ()
    %dma_start3A_119 = arith.constant 320 : i32
    %dma_start3A_120 = tpu.memref_slice %arg8[%dma_start3A_119] : memref<512xi32, #tpu.memory_space<vmem>> -> memref<32xi32, #tpu.memory_space<vmem>>
    %dma_start3A_121 = arith.constant 0 : i32
    %dma_start3A_122 = arith.constant 0 : i32
    %dma_start3A_123 = tpu.memref_slice %arg4[%dma_start3A_121, %dma_start3A_122] : memref<256x1024xf32, #tpu.memory_space<hbm>> -> memref<256x1024xf32, #tpu.memory_space<hbm>>
    tpu.enqueue_indirect_dma source(%dma_start3A_123 : memref<256x1024xf32, #tpu.memory_space<hbm>>) target(%arg9 : memref<32x1024xf32, #tpu.memory_space<vmem>>) offsets(%dma_start3A_120 : memref<32xi32, #tpu.memory_space<vmem>>) semaphore(%arg11 : memref<!tpu.dma_semaphore, #tpu.memory_space<semaphore_mem>>)
    %dma_wait3A_124 = arith.constant 288 : i32
    %dma_wait3A_125 = tpu.memref_slice %arg8[%dma_wait3A_124] : memref<512xi32, #tpu.memory_space<vmem>> -> memref<32xi32, #tpu.memory_space<vmem>>
    %dma_wait3A_126 = arith.constant 0 : i32
    %dma_wait3A_127 = arith.constant 0 : i32
    %dma_wait3A_128 = tpu.memref_slice %arg4[%dma_wait3A_126, %dma_wait3A_127] : memref<256x1024xf32, #tpu.memory_space<hbm>> -> memref<256x1024xf32, #tpu.memory_space<hbm>>
    tpu.wait_indirect_dma semaphore(%arg12 : memref<!tpu.dma_semaphore, #tpu.memory_space<semaphore_mem>>) src(%dma_wait3A_128 : memref<256x1024xf32, #tpu.memory_space<hbm>>) dst(%arg10 : memref<32x1024xf32, #tpu.memory_space<vmem>>)
    %add3A_129 = arith.constant 288 : i32
    %add3A_130 = arith.addi %mul3A_2, %add3A_129 : i32
    "tpu.region"() ({
      %run_scoped3A = tpu.sem_alloc : memref<!tpu.dma_semaphore, #tpu.memory_space<semaphore_mem>>
      %dma_start3A_198 = arith.constant 0 : i32
      %dma_start3A_199 = tpu.memref_slice %arg5[%add3A_130, %dma_start3A_198] : memref<16384x1024xf32, #tpu.memory_space<hbm>> -> memref<32x1024xf32, #tpu.memory_space<hbm>>
      %dma_start3A_200 = arith.constant 0 : i32
      %dma_start3A_201 = tpu.memref_slice %arg5[%add3A_130, %dma_start3A_200] : memref<16384x1024xf32, #tpu.memory_space<hbm>> -> memref<32x1024xf32, #tpu.memory_space<hbm>>
      tpu.enqueue_dma source(%arg10 : memref<32x1024xf32, #tpu.memory_space<vmem>>) target(%dma_start3A_201 : memref<32x1024xf32, #tpu.memory_space<hbm>>) target_semaphore(%run_scoped3A : memref<!tpu.dma_semaphore, #tpu.memory_space<semaphore_mem>>)
      %dma_wait3A_202 = arith.constant 0 : i32
      %dma_wait3A_203 = tpu.memref_slice %arg5[%add3A_130, %dma_wait3A_202] : memref<16384x1024xf32, #tpu.memory_space<hbm>> -> memref<32x1024xf32, #tpu.memory_space<hbm>>
      %dma_wait3A_204 = arith.constant 0 : i32
      %dma_wait3A_205 = tpu.memref_slice %arg5[%add3A_130, %dma_wait3A_204] : memref<16384x1024xf32, #tpu.memory_space<hbm>> -> memref<32x1024xf32, #tpu.memory_space<hbm>>
      tpu.wait_dma2 semaphore(%run_scoped3A : memref<!tpu.dma_semaphore, #tpu.memory_space<semaphore_mem>>) src(%arg10 : memref<32x1024xf32, #tpu.memory_space<vmem>>) dst(%dma_wait3A_205 : memref<32x1024xf32, #tpu.memory_space<hbm>>)
      tpu.yield
    }) : () -> ()
    %dma_start3A_131 = arith.constant 352 : i32
    %dma_start3A_132 = tpu.memref_slice %arg8[%dma_start3A_131] : memref<512xi32, #tpu.memory_space<vmem>> -> memref<32xi32, #tpu.memory_space<vmem>>
    %dma_start3A_133 = arith.constant 0 : i32
    %dma_start3A_134 = arith.constant 0 : i32
    %dma_start3A_135 = tpu.memref_slice %arg4[%dma_start3A_133, %dma_start3A_134] : memref<256x1024xf32, #tpu.memory_space<hbm>> -> memref<256x1024xf32, #tpu.memory_space<hbm>>
    tpu.enqueue_indirect_dma source(%dma_start3A_135 : memref<256x1024xf32, #tpu.memory_space<hbm>>) target(%arg10 : memref<32x1024xf32, #tpu.memory_space<vmem>>) offsets(%dma_start3A_132 : memref<32xi32, #tpu.memory_space<vmem>>) semaphore(%arg12 : memref<!tpu.dma_semaphore, #tpu.memory_space<semaphore_mem>>)
    %dma_wait3A_136 = arith.constant 320 : i32
    %dma_wait3A_137 = tpu.memref_slice %arg8[%dma_wait3A_136] : memref<512xi32, #tpu.memory_space<vmem>> -> memref<32xi32, #tpu.memory_space<vmem>>
    %dma_wait3A_138 = arith.constant 0 : i32
    %dma_wait3A_139 = arith.constant 0 : i32
    %dma_wait3A_140 = tpu.memref_slice %arg4[%dma_wait3A_138, %dma_wait3A_139] : memref<256x1024xf32, #tpu.memory_space<hbm>> -> memref<256x1024xf32, #tpu.memory_space<hbm>>
    tpu.wait_indirect_dma semaphore(%arg11 : memref<!tpu.dma_semaphore, #tpu.memory_space<semaphore_mem>>) src(%dma_wait3A_140 : memref<256x1024xf32, #tpu.memory_space<hbm>>) dst(%arg9 : memref<32x1024xf32, #tpu.memory_space<vmem>>)
    %add3A_141 = arith.constant 320 : i32
    %add3A_142 = arith.addi %mul3A_2, %add3A_141 : i32
    "tpu.region"() ({
      %run_scoped3A = tpu.sem_alloc : memref<!tpu.dma_semaphore, #tpu.memory_space<semaphore_mem>>
      %dma_start3A_198 = arith.constant 0 : i32
      %dma_start3A_199 = tpu.memref_slice %arg5[%add3A_142, %dma_start3A_198] : memref<16384x1024xf32, #tpu.memory_space<hbm>> -> memref<32x1024xf32, #tpu.memory_space<hbm>>
      %dma_start3A_200 = arith.constant 0 : i32
      %dma_start3A_201 = tpu.memref_slice %arg5[%add3A_142, %dma_start3A_200] : memref<16384x1024xf32, #tpu.memory_space<hbm>> -> memref<32x1024xf32, #tpu.memory_space<hbm>>
      tpu.enqueue_dma source(%arg9 : memref<32x1024xf32, #tpu.memory_space<vmem>>) target(%dma_start3A_201 : memref<32x1024xf32, #tpu.memory_space<hbm>>) target_semaphore(%run_scoped3A : memref<!tpu.dma_semaphore, #tpu.memory_space<semaphore_mem>>)
      %dma_wait3A_202 = arith.constant 0 : i32
      %dma_wait3A_203 = tpu.memref_slice %arg5[%add3A_142, %dma_wait3A_202] : memref<16384x1024xf32, #tpu.memory_space<hbm>> -> memref<32x1024xf32, #tpu.memory_space<hbm>>
      %dma_wait3A_204 = arith.constant 0 : i32
      %dma_wait3A_205 = tpu.memref_slice %arg5[%add3A_142, %dma_wait3A_204] : memref<16384x1024xf32, #tpu.memory_space<hbm>> -> memref<32x1024xf32, #tpu.memory_space<hbm>>
      tpu.wait_dma2 semaphore(%run_scoped3A : memref<!tpu.dma_semaphore, #tpu.memory_space<semaphore_mem>>) src(%arg9 : memref<32x1024xf32, #tpu.memory_space<vmem>>) dst(%dma_wait3A_205 : memref<32x1024xf32, #tpu.memory_space<hbm>>)
      tpu.yield
    }) : () -> ()
    %dma_start3A_143 = arith.constant 384 : i32
    %dma_start3A_144 = tpu.memref_slice %arg8[%dma_start3A_143] : memref<512xi32, #tpu.memory_space<vmem>> -> memref<32xi32, #tpu.memory_space<vmem>>
    %dma_start3A_145 = arith.constant 0 : i32
    %dma_start3A_146 = arith.constant 0 : i32
    %dma_start3A_147 = tpu.memref_slice %arg4[%dma_start3A_145, %dma_start3A_146] : memref<256x1024xf32, #tpu.memory_space<hbm>> -> memref<256x1024xf32, #tpu.memory_space<hbm>>
    tpu.enqueue_indirect_dma source(%dma_start3A_147 : memref<256x1024xf32, #tpu.memory_space<hbm>>) target(%arg9 : memref<32x1024xf32, #tpu.memory_space<vmem>>) offsets(%dma_start3A_144 : memref<32xi32, #tpu.memory_space<vmem>>) semaphore(%arg11 : memref<!tpu.dma_semaphore, #tpu.memory_space<semaphore_mem>>)
    %dma_wait3A_148 = arith.constant 352 : i32
    %dma_wait3A_149 = tpu.memref_slice %arg8[%dma_wait3A_148] : memref<512xi32, #tpu.memory_space<vmem>> -> memref<32xi32, #tpu.memory_space<vmem>>
    %dma_wait3A_150 = arith.constant 0 : i32
    %dma_wait3A_151 = arith.constant 0 : i32
    %dma_wait3A_152 = tpu.memref_slice %arg4[%dma_wait3A_150, %dma_wait3A_151] : memref<256x1024xf32, #tpu.memory_space<hbm>> -> memref<256x1024xf32, #tpu.memory_space<hbm>>
    tpu.wait_indirect_dma semaphore(%arg12 : memref<!tpu.dma_semaphore, #tpu.memory_space<semaphore_mem>>) src(%dma_wait3A_152 : memref<256x1024xf32, #tpu.memory_space<hbm>>) dst(%arg10 : memref<32x1024xf32, #tpu.memory_space<vmem>>)
    %add3A_153 = arith.constant 352 : i32
    %add3A_154 = arith.addi %mul3A_2, %add3A_153 : i32
    "tpu.region"() ({
      %run_scoped3A = tpu.sem_alloc : memref<!tpu.dma_semaphore, #tpu.memory_space<semaphore_mem>>
      %dma_start3A_198 = arith.constant 0 : i32
      %dma_start3A_199 = tpu.memref_slice %arg5[%add3A_154, %dma_start3A_198] : memref<16384x1024xf32, #tpu.memory_space<hbm>> -> memref<32x1024xf32, #tpu.memory_space<hbm>>
      %dma_start3A_200 = arith.constant 0 : i32
      %dma_start3A_201 = tpu.memref_slice %arg5[%add3A_154, %dma_start3A_200] : memref<16384x1024xf32, #tpu.memory_space<hbm>> -> memref<32x1024xf32, #tpu.memory_space<hbm>>
      tpu.enqueue_dma source(%arg10 : memref<32x1024xf32, #tpu.memory_space<vmem>>) target(%dma_start3A_201 : memref<32x1024xf32, #tpu.memory_space<hbm>>) target_semaphore(%run_scoped3A : memref<!tpu.dma_semaphore, #tpu.memory_space<semaphore_mem>>)
      %dma_wait3A_202 = arith.constant 0 : i32
      %dma_wait3A_203 = tpu.memref_slice %arg5[%add3A_154, %dma_wait3A_202] : memref<16384x1024xf32, #tpu.memory_space<hbm>> -> memref<32x1024xf32, #tpu.memory_space<hbm>>
      %dma_wait3A_204 = arith.constant 0 : i32
      %dma_wait3A_205 = tpu.memref_slice %arg5[%add3A_154, %dma_wait3A_204] : memref<16384x1024xf32, #tpu.memory_space<hbm>> -> memref<32x1024xf32, #tpu.memory_space<hbm>>
      tpu.wait_dma2 semaphore(%run_scoped3A : memref<!tpu.dma_semaphore, #tpu.memory_space<semaphore_mem>>) src(%arg10 : memref<32x1024xf32, #tpu.memory_space<vmem>>) dst(%dma_wait3A_205 : memref<32x1024xf32, #tpu.memory_space<hbm>>)
      tpu.yield
    }) : () -> ()
    %dma_start3A_155 = arith.constant 416 : i32
    %dma_start3A_156 = tpu.memref_slice %arg8[%dma_start3A_155] : memref<512xi32, #tpu.memory_space<vmem>> -> memref<32xi32, #tpu.memory_space<vmem>>
    %dma_start3A_157 = arith.constant 0 : i32
    %dma_start3A_158 = arith.constant 0 : i32
    %dma_start3A_159 = tpu.memref_slice %arg4[%dma_start3A_157, %dma_start3A_158] : memref<256x1024xf32, #tpu.memory_space<hbm>> -> memref<256x1024xf32, #tpu.memory_space<hbm>>
    tpu.enqueue_indirect_dma source(%dma_start3A_159 : memref<256x1024xf32, #tpu.memory_space<hbm>>) target(%arg10 : memref<32x1024xf32, #tpu.memory_space<vmem>>) offsets(%dma_start3A_156 : memref<32xi32, #tpu.memory_space<vmem>>) semaphore(%arg12 : memref<!tpu.dma_semaphore, #tpu.memory_space<semaphore_mem>>)
    %dma_wait3A_160 = arith.constant 384 : i32
    %dma_wait3A_161 = tpu.memref_slice %arg8[%dma_wait3A_160] : memref<512xi32, #tpu.memory_space<vmem>> -> memref<32xi32, #tpu.memory_space<vmem>>
    %dma_wait3A_162 = arith.constant 0 : i32
    %dma_wait3A_163 = arith.constant 0 : i32
    %dma_wait3A_164 = tpu.memref_slice %arg4[%dma_wait3A_162, %dma_wait3A_163] : memref<256x1024xf32, #tpu.memory_space<hbm>> -> memref<256x1024xf32, #tpu.memory_space<hbm>>
    tpu.wait_indirect_dma semaphore(%arg11 : memref<!tpu.dma_semaphore, #tpu.memory_space<semaphore_mem>>) src(%dma_wait3A_164 : memref<256x1024xf32, #tpu.memory_space<hbm>>) dst(%arg9 : memref<32x1024xf32, #tpu.memory_space<vmem>>)
    %add3A_165 = arith.constant 384 : i32
    %add3A_166 = arith.addi %mul3A_2, %add3A_165 : i32
    "tpu.region"() ({
      %run_scoped3A = tpu.sem_alloc : memref<!tpu.dma_semaphore, #tpu.memory_space<semaphore_mem>>
      %dma_start3A_198 = arith.constant 0 : i32
      %dma_start3A_199 = tpu.memref_slice %arg5[%add3A_166, %dma_start3A_198] : memref<16384x1024xf32, #tpu.memory_space<hbm>> -> memref<32x1024xf32, #tpu.memory_space<hbm>>
      %dma_start3A_200 = arith.constant 0 : i32
      %dma_start3A_201 = tpu.memref_slice %arg5[%add3A_166, %dma_start3A_200] : memref<16384x1024xf32, #tpu.memory_space<hbm>> -> memref<32x1024xf32, #tpu.memory_space<hbm>>
      tpu.enqueue_dma source(%arg9 : memref<32x1024xf32, #tpu.memory_space<vmem>>) target(%dma_start3A_201 : memref<32x1024xf32, #tpu.memory_space<hbm>>) target_semaphore(%run_scoped3A : memref<!tpu.dma_semaphore, #tpu.memory_space<semaphore_mem>>)
      %dma_wait3A_202 = arith.constant 0 : i32
      %dma_wait3A_203 = tpu.memref_slice %arg5[%add3A_166, %dma_wait3A_202] : memref<16384x1024xf32, #tpu.memory_space<hbm>> -> memref<32x1024xf32, #tpu.memory_space<hbm>>
      %dma_wait3A_204 = arith.constant 0 : i32
      %dma_wait3A_205 = tpu.memref_slice %arg5[%add3A_166, %dma_wait3A_204] : memref<16384x1024xf32, #tpu.memory_space<hbm>> -> memref<32x1024xf32, #tpu.memory_space<hbm>>
      tpu.wait_dma2 semaphore(%run_scoped3A : memref<!tpu.dma_semaphore, #tpu.memory_space<semaphore_mem>>) src(%arg9 : memref<32x1024xf32, #tpu.memory_space<vmem>>) dst(%dma_wait3A_205 : memref<32x1024xf32, #tpu.memory_space<hbm>>)
      tpu.yield
    }) : () -> ()
    %dma_start3A_167 = arith.constant 448 : i32
    %dma_start3A_168 = tpu.memref_slice %arg8[%dma_start3A_167] : memref<512xi32, #tpu.memory_space<vmem>> -> memref<32xi32, #tpu.memory_space<vmem>>
    %dma_start3A_169 = arith.constant 0 : i32
    %dma_start3A_170 = arith.constant 0 : i32
    %dma_start3A_171 = tpu.memref_slice %arg4[%dma_start3A_169, %dma_start3A_170] : memref<256x1024xf32, #tpu.memory_space<hbm>> -> memref<256x1024xf32, #tpu.memory_space<hbm>>
    tpu.enqueue_indirect_dma source(%dma_start3A_171 : memref<256x1024xf32, #tpu.memory_space<hbm>>) target(%arg9 : memref<32x1024xf32, #tpu.memory_space<vmem>>) offsets(%dma_start3A_168 : memref<32xi32, #tpu.memory_space<vmem>>) semaphore(%arg11 : memref<!tpu.dma_semaphore, #tpu.memory_space<semaphore_mem>>)
    %dma_wait3A_172 = arith.constant 416 : i32
    %dma_wait3A_173 = tpu.memref_slice %arg8[%dma_wait3A_172] : memref<512xi32, #tpu.memory_space<vmem>> -> memref<32xi32, #tpu.memory_space<vmem>>
    %dma_wait3A_174 = arith.constant 0 : i32
    %dma_wait3A_175 = arith.constant 0 : i32
    %dma_wait3A_176 = tpu.memref_slice %arg4[%dma_wait3A_174, %dma_wait3A_175] : memref<256x1024xf32, #tpu.memory_space<hbm>> -> memref<256x1024xf32, #tpu.memory_space<hbm>>
    tpu.wait_indirect_dma semaphore(%arg12 : memref<!tpu.dma_semaphore, #tpu.memory_space<semaphore_mem>>) src(%dma_wait3A_176 : memref<256x1024xf32, #tpu.memory_space<hbm>>) dst(%arg10 : memref<32x1024xf32, #tpu.memory_space<vmem>>)
    %add3A_177 = arith.constant 416 : i32
    %add3A_178 = arith.addi %mul3A_2, %add3A_177 : i32
    "tpu.region"() ({
      %run_scoped3A = tpu.sem_alloc : memref<!tpu.dma_semaphore, #tpu.memory_space<semaphore_mem>>
      %dma_start3A_198 = arith.constant 0 : i32
      %dma_start3A_199 = tpu.memref_slice %arg5[%add3A_178, %dma_start3A_198] : memref<16384x1024xf32, #tpu.memory_space<hbm>> -> memref<32x1024xf32, #tpu.memory_space<hbm>>
      %dma_start3A_200 = arith.constant 0 : i32
      %dma_start3A_201 = tpu.memref_slice %arg5[%add3A_178, %dma_start3A_200] : memref<16384x1024xf32, #tpu.memory_space<hbm>> -> memref<32x1024xf32, #tpu.memory_space<hbm>>
      tpu.enqueue_dma source(%arg10 : memref<32x1024xf32, #tpu.memory_space<vmem>>) target(%dma_start3A_201 : memref<32x1024xf32, #tpu.memory_space<hbm>>) target_semaphore(%run_scoped3A : memref<!tpu.dma_semaphore, #tpu.memory_space<semaphore_mem>>)
      %dma_wait3A_202 = arith.constant 0 : i32
      %dma_wait3A_203 = tpu.memref_slice %arg5[%add3A_178, %dma_wait3A_202] : memref<16384x1024xf32, #tpu.memory_space<hbm>> -> memref<32x1024xf32, #tpu.memory_space<hbm>>
      %dma_wait3A_204 = arith.constant 0 : i32
      %dma_wait3A_205 = tpu.memref_slice %arg5[%add3A_178, %dma_wait3A_204] : memref<16384x1024xf32, #tpu.memory_space<hbm>> -> memref<32x1024xf32, #tpu.memory_space<hbm>>
      tpu.wait_dma2 semaphore(%run_scoped3A : memref<!tpu.dma_semaphore, #tpu.memory_space<semaphore_mem>>) src(%arg10 : memref<32x1024xf32, #tpu.memory_space<vmem>>) dst(%dma_wait3A_205 : memref<32x1024xf32, #tpu.memory_space<hbm>>)
      tpu.yield
    }) : () -> ()
    %dma_start3A_179 = arith.constant 480 : i32
    %dma_start3A_180 = tpu.memref_slice %arg8[%dma_start3A_179] : memref<512xi32, #tpu.memory_space<vmem>> -> memref<32xi32, #tpu.memory_space<vmem>>
    %dma_start3A_181 = arith.constant 0 : i32
    %dma_start3A_182 = arith.constant 0 : i32
    %dma_start3A_183 = tpu.memref_slice %arg4[%dma_start3A_181, %dma_start3A_182] : memref<256x1024xf32, #tpu.memory_space<hbm>> -> memref<256x1024xf32, #tpu.memory_space<hbm>>
    tpu.enqueue_indirect_dma source(%dma_start3A_183 : memref<256x1024xf32, #tpu.memory_space<hbm>>) target(%arg10 : memref<32x1024xf32, #tpu.memory_space<vmem>>) offsets(%dma_start3A_180 : memref<32xi32, #tpu.memory_space<vmem>>) semaphore(%arg12 : memref<!tpu.dma_semaphore, #tpu.memory_space<semaphore_mem>>)
    %dma_wait3A_184 = arith.constant 448 : i32
    %dma_wait3A_185 = tpu.memref_slice %arg8[%dma_wait3A_184] : memref<512xi32, #tpu.memory_space<vmem>> -> memref<32xi32, #tpu.memory_space<vmem>>
    %dma_wait3A_186 = arith.constant 0 : i32
    %dma_wait3A_187 = arith.constant 0 : i32
    %dma_wait3A_188 = tpu.memref_slice %arg4[%dma_wait3A_186, %dma_wait3A_187] : memref<256x1024xf32, #tpu.memory_space<hbm>> -> memref<256x1024xf32, #tpu.memory_space<hbm>>
    tpu.wait_indirect_dma semaphore(%arg11 : memref<!tpu.dma_semaphore, #tpu.memory_space<semaphore_mem>>) src(%dma_wait3A_188 : memref<256x1024xf32, #tpu.memory_space<hbm>>) dst(%arg9 : memref<32x1024xf32, #tpu.memory_space<vmem>>)
    %add3A_189 = arith.constant 448 : i32
    %add3A_190 = arith.addi %mul3A_2, %add3A_189 : i32
    "tpu.region"() ({
      %run_scoped3A = tpu.sem_alloc : memref<!tpu.dma_semaphore, #tpu.memory_space<semaphore_mem>>
      %dma_start3A_198 = arith.constant 0 : i32
      %dma_start3A_199 = tpu.memref_slice %arg5[%add3A_190, %dma_start3A_198] : memref<16384x1024xf32, #tpu.memory_space<hbm>> -> memref<32x1024xf32, #tpu.memory_space<hbm>>
      %dma_start3A_200 = arith.constant 0 : i32
      %dma_start3A_201 = tpu.memref_slice %arg5[%add3A_190, %dma_start3A_200] : memref<16384x1024xf32, #tpu.memory_space<hbm>> -> memref<32x1024xf32, #tpu.memory_space<hbm>>
      tpu.enqueue_dma source(%arg9 : memref<32x1024xf32, #tpu.memory_space<vmem>>) target(%dma_start3A_201 : memref<32x1024xf32, #tpu.memory_space<hbm>>) target_semaphore(%run_scoped3A : memref<!tpu.dma_semaphore, #tpu.memory_space<semaphore_mem>>)
      %dma_wait3A_202 = arith.constant 0 : i32
      %dma_wait3A_203 = tpu.memref_slice %arg5[%add3A_190, %dma_wait3A_202] : memref<16384x1024xf32, #tpu.memory_space<hbm>> -> memref<32x1024xf32, #tpu.memory_space<hbm>>
      %dma_wait3A_204 = arith.constant 0 : i32
      %dma_wait3A_205 = tpu.memref_slice %arg5[%add3A_190, %dma_wait3A_204] : memref<16384x1024xf32, #tpu.memory_space<hbm>> -> memref<32x1024xf32, #tpu.memory_space<hbm>>
      tpu.wait_dma2 semaphore(%run_scoped3A : memref<!tpu.dma_semaphore, #tpu.memory_space<semaphore_mem>>) src(%arg9 : memref<32x1024xf32, #tpu.memory_space<vmem>>) dst(%dma_wait3A_205 : memref<32x1024xf32, #tpu.memory_space<hbm>>)
      tpu.yield
    }) : () -> ()
    %dma_wait3A_191 = arith.constant 480 : i32
    %dma_wait3A_192 = tpu.memref_slice %arg8[%dma_wait3A_191] : memref<512xi32, #tpu.memory_space<vmem>> -> memref<32xi32, #tpu.memory_space<vmem>>
    %dma_wait3A_193 = arith.constant 0 : i32
    %dma_wait3A_194 = arith.constant 0 : i32
    %dma_wait3A_195 = tpu.memref_slice %arg4[%dma_wait3A_193, %dma_wait3A_194] : memref<256x1024xf32, #tpu.memory_space<hbm>> -> memref<256x1024xf32, #tpu.memory_space<hbm>>
    tpu.wait_indirect_dma semaphore(%arg12 : memref<!tpu.dma_semaphore, #tpu.memory_space<semaphore_mem>>) src(%dma_wait3A_195 : memref<256x1024xf32, #tpu.memory_space<hbm>>) dst(%arg10 : memref<32x1024xf32, #tpu.memory_space<vmem>>)
    %add3A_196 = arith.constant 480 : i32
    %add3A_197 = arith.addi %mul3A_2, %add3A_196 : i32
    "tpu.region"() ({
      %run_scoped3A = tpu.sem_alloc : memref<!tpu.dma_semaphore, #tpu.memory_space<semaphore_mem>>
      %dma_start3A_198 = arith.constant 0 : i32
      %dma_start3A_199 = tpu.memref_slice %arg5[%add3A_197, %dma_start3A_198] : memref<16384x1024xf32, #tpu.memory_space<hbm>> -> memref<32x1024xf32, #tpu.memory_space<hbm>>
      %dma_start3A_200 = arith.constant 0 : i32
      %dma_start3A_201 = tpu.memref_slice %arg5[%add3A_197, %dma_start3A_200] : memref<16384x1024xf32, #tpu.memory_space<hbm>> -> memref<32x1024xf32, #tpu.memory_space<hbm>>
      tpu.enqueue_dma source(%arg10 : memref<32x1024xf32, #tpu.memory_space<vmem>>) target(%dma_start3A_201 : memref<32x1024xf32, #tpu.memory_space<hbm>>) target_semaphore(%run_scoped3A : memref<!tpu.dma_semaphore, #tpu.memory_space<semaphore_mem>>)
      %dma_wait3A_202 = arith.constant 0 : i32
      %dma_wait3A_203 = tpu.memref_slice %arg5[%add3A_197, %dma_wait3A_202] : memref<16384x1024xf32, #tpu.memory_space<hbm>> -> memref<32x1024xf32, #tpu.memory_space<hbm>>
      %dma_wait3A_204 = arith.constant 0 : i32
      %dma_wait3A_205 = tpu.memref_slice %arg5[%add3A_197, %dma_wait3A_204] : memref<16384x1024xf32, #tpu.memory_space<hbm>> -> memref<32x1024xf32, #tpu.memory_space<hbm>>
      tpu.wait_dma2 semaphore(%run_scoped3A : memref<!tpu.dma_semaphore, #tpu.memory_space<semaphore_mem>>) src(%arg10 : memref<32x1024xf32, #tpu.memory_space<vmem>>) dst(%dma_wait3A_205 : memref<32x1024xf32, #tpu.memory_space<hbm>>)
      tpu.yield
    }) : () -> ()
    return
  }
}

module attributes {stable_mosaic.version = 14 : i64} {
  func.func @_wprep_body(%arg0: i32, %arg1: memref<1024x1024xf32, #tpu.memory_space<vmem>>, %arg2: memref<1024x1024xf32, #tpu.memory_space<vmem>>, %arg3: memref<1024x1024xbf16, #tpu.memory_space<vmem>>, %arg4: memref<1024x1024xf8E4M3FN, #tpu.memory_space<vmem>>, %arg5: memref<1024x1024xf8E4M3FN, #tpu.memory_space<vmem>>, %arg6: memref<1024x1024xbf16, #tpu.memory_space<vmem>>, %arg7: memref<1024x1024xf8E4M3FN, #tpu.memory_space<vmem>>, %arg8: memref<1024x1024xf8E4M3FN, #tpu.memory_space<vmem>>) attributes {dimension_semantics = [#tpu.dimension_semantics<arbitrary>], iteration_bounds = array<i64: 3>, scalar_prefetch = 0 : i64, scratch_operands = 0 : i64, tpu.core_type = #tpu.core_type<tc>, window_params = [{transform_indices = @transform_0, window_bounds = array<i64: 1024, 1024>}, {transform_indices = @transform_1, window_bounds = array<i64: 1024, 1024>}, {transform_indices = @transform_2, window_bounds = array<i64: 1024, 1024>}, {transform_indices = @transform_3, window_bounds = array<i64: 1024, 1024>}, {transform_indices = @transform_4, window_bounds = array<i64: 1024, 1024>}, {transform_indices = @transform_5, window_bounds = array<i64: 1024, 1024>}, {transform_indices = @transform_6, window_bounds = array<i64: 1024, 1024>}, {transform_indices = @transform_7, window_bounds = array<i64: 1024, 1024>}]} {
    %get3A = arith.constant 0 : index
    %get3A_0 = arith.constant 0 : index
    %get3A_1 = vector.load %arg1[%get3A, %get3A_0] : memref<1024x1024xf32, #tpu.memory_space<vmem>>, vector<1024x1024xf32>
    %convert_element_type3A = arith.truncf %get3A_1 : vector<1024x1024xf32> to vector<1024x1024xbf16>
    %swap3A = arith.constant 0 : index
    %swap3A_2 = arith.constant 0 : index
    %swap3A_3 = vector.load %arg3[%swap3A, %swap3A_2] : memref<1024x1024xbf16, #tpu.memory_space<vmem>>, vector<1024x1024xbf16>
    tpu.vector_store %arg3[%swap3A, %swap3A_2], %convert_element_type3A {strides = array<i32>} : memref<1024x1024xbf16, #tpu.memory_space<vmem>>, vector<1024x1024xbf16>,
    %convert_element_type3A_4 = arith.extf %convert_element_type3A : vector<1024x1024xbf16> to vector<1024x1024xf32>
    %sub3A = arith.subf %get3A_1, %convert_element_type3A_4 : vector<1024x1024xf32>
    %mul3A = arith.constant 0x4A800000 : f32
    %mul3A_5 = vector.broadcast %mul3A : f32 to vector<1024x1024xf32>
    %mul3A_6 = arith.mulf %sub3A, %mul3A_5 : vector<1024x1024xf32>
    %convert_element_type3A_7 = arith.truncf %mul3A_6 : vector<1024x1024xf32> to vector<1024x1024xf8E4M3FN>
    %swap3A_8 = arith.constant 0 : index
    %swap3A_9 = arith.constant 0 : index
    %swap3A_10 = vector.load %arg4[%swap3A_8, %swap3A_9] : memref<1024x1024xf8E4M3FN, #tpu.memory_space<vmem>>, vector<1024x1024xf8E4M3FN>
    tpu.vector_store %arg4[%swap3A_8, %swap3A_9], %convert_element_type3A_7 {strides = array<i32>} : memref<1024x1024xf8E4M3FN, #tpu.memory_space<vmem>>, vector<1024x1024xf8E4M3FN>,
    %convert_element_type3A_11 = arith.extf %convert_element_type3A : vector<1024x1024xbf16> to vector<1024x1024xf32>
    %mul3A_12 = arith.constant 8.192000e+03 : f32
    %mul3A_13 = vector.broadcast %mul3A_12 : f32 to vector<1024x1024xf32>
    %mul3A_14 = arith.mulf %convert_element_type3A_11, %mul3A_13 : vector<1024x1024xf32>
    %convert_element_type3A_15 = arith.truncf %mul3A_14 : vector<1024x1024xf32> to vector<1024x1024xf8E4M3FN>
    %swap3A_16 = arith.constant 0 : index
    %swap3A_17 = arith.constant 0 : index
    %swap3A_18 = vector.load %arg5[%swap3A_16, %swap3A_17] : memref<1024x1024xf8E4M3FN, #tpu.memory_space<vmem>>, vector<1024x1024xf8E4M3FN>
    tpu.vector_store %arg5[%swap3A_16, %swap3A_17], %convert_element_type3A_15 {strides = array<i32>} : memref<1024x1024xf8E4M3FN, #tpu.memory_space<vmem>>, vector<1024x1024xf8E4M3FN>,
    %get3A_19 = arith.constant 0 : index
    %get3A_20 = arith.constant 0 : index
    %get3A_21 = vector.load %arg2[%get3A_19, %get3A_20] : memref<1024x1024xf32, #tpu.memory_space<vmem>>, vector<1024x1024xf32>
    %convert_element_type3A_22 = arith.truncf %get3A_21 : vector<1024x1024xf32> to vector<1024x1024xbf16>
    %swap3A_23 = arith.constant 0 : index
    %swap3A_24 = arith.constant 0 : index
    %swap3A_25 = vector.load %arg6[%swap3A_23, %swap3A_24] : memref<1024x1024xbf16, #tpu.memory_space<vmem>>, vector<1024x1024xbf16>
    tpu.vector_store %arg6[%swap3A_23, %swap3A_24], %convert_element_type3A_22 {strides = array<i32>} : memref<1024x1024xbf16, #tpu.memory_space<vmem>>, vector<1024x1024xbf16>,
    %convert_element_type3A_26 = arith.extf %convert_element_type3A_22 : vector<1024x1024xbf16> to vector<1024x1024xf32>
    %sub3A_27 = arith.subf %get3A_21, %convert_element_type3A_26 : vector<1024x1024xf32>
    %mul3A_28 = arith.constant 0x4A800000 : f32
    %mul3A_29 = vector.broadcast %mul3A_28 : f32 to vector<1024x1024xf32>
    %mul3A_30 = arith.mulf %sub3A_27, %mul3A_29 : vector<1024x1024xf32>
    %convert_element_type3A_31 = arith.truncf %mul3A_30 : vector<1024x1024xf32> to vector<1024x1024xf8E4M3FN>
    %swap3A_32 = arith.constant 0 : index
    %swap3A_33 = arith.constant 0 : index
    %swap3A_34 = vector.load %arg7[%swap3A_32, %swap3A_33] : memref<1024x1024xf8E4M3FN, #tpu.memory_space<vmem>>, vector<1024x1024xf8E4M3FN>
    tpu.vector_store %arg7[%swap3A_32, %swap3A_33], %convert_element_type3A_31 {strides = array<i32>} : memref<1024x1024xf8E4M3FN, #tpu.memory_space<vmem>>, vector<1024x1024xf8E4M3FN>,
    %convert_element_type3A_35 = arith.extf %convert_element_type3A_22 : vector<1024x1024xbf16> to vector<1024x1024xf32>
    %mul3A_36 = arith.constant 8.192000e+03 : f32
    %mul3A_37 = vector.broadcast %mul3A_36 : f32 to vector<1024x1024xf32>
    %mul3A_38 = arith.mulf %convert_element_type3A_35, %mul3A_37 : vector<1024x1024xf32>
    %convert_element_type3A_39 = arith.truncf %mul3A_38 : vector<1024x1024xf32> to vector<1024x1024xf8E4M3FN>
    %swap3A_40 = arith.constant 0 : index
    %swap3A_41 = arith.constant 0 : index
    %swap3A_42 = vector.load %arg8[%swap3A_40, %swap3A_41] : memref<1024x1024xf8E4M3FN, #tpu.memory_space<vmem>>, vector<1024x1024xf8E4M3FN>
    tpu.vector_store %arg8[%swap3A_40, %swap3A_41], %convert_element_type3A_39 {strides = array<i32>} : memref<1024x1024xf8E4M3FN, #tpu.memory_space<vmem>>, vector<1024x1024xf8E4M3FN>,
    return
  }
  func.func @transform_0(%arg0: i32) -> (i32, i32) {
    %c0_i32 = arith.constant 0 : i32
    %c0_i32_0 = arith.constant 0 : i32
    return %arg0, %c0_i32 : i32, i32
  }
  func.func @transform_1(%arg0: i32) -> (i32, i32) {
    %c0_i32 = arith.constant 0 : i32
    %c0_i32_0 = arith.constant 0 : i32
    return %arg0, %c0_i32 : i32, i32
  }
  func.func @transform_2(%arg0: i32) -> (i32, i32) {
    %c0_i32 = arith.constant 0 : i32
    %c0_i32_0 = arith.constant 0 : i32
    return %arg0, %c0_i32 : i32, i32
  }
  func.func @transform_3(%arg0: i32) -> (i32, i32) {
    %c0_i32 = arith.constant 0 : i32
    %c0_i32_0 = arith.constant 0 : i32
    return %arg0, %c0_i32 : i32, i32
  }
  func.func @transform_4(%arg0: i32) -> (i32, i32) {
    %c0_i32 = arith.constant 0 : i32
    %c0_i32_0 = arith.constant 0 : i32
    return %arg0, %c0_i32 : i32, i32
  }
  func.func @transform_5(%arg0: i32) -> (i32, i32) {
    %c0_i32 = arith.constant 0 : i32
    %c0_i32_0 = arith.constant 0 : i32
    return %arg0, %c0_i32 : i32, i32
  }
  func.func @transform_6(%arg0: i32) -> (i32, i32) {
    %c0_i32 = arith.constant 0 : i32
    %c0_i32_0 = arith.constant 0 : i32
    return %arg0, %c0_i32 : i32, i32
  }
  func.func @transform_7(%arg0: i32) -> (i32, i32) {
    %c0_i32 = arith.constant 0 : i32
    %c0_i32_0 = arith.constant 0 : i32
    return %arg0, %c0_i32 : i32, i32
  }
}

module attributes {stable_mosaic.version = 14 : i64} {
  func.func @_tc_body(%arg0: i32, %arg1: memref<512x1024xf32, #tpu.memory_space<vmem>>, %arg2: memref<1x4x1024xf32, #tpu.memory_space<vmem>>, %arg3: memref<3072x1024xbf16, #tpu.memory_space<vmem>>, %arg4: memref<3072x1024xf8E4M3FN, #tpu.memory_space<vmem>>, %arg5: memref<3072x1024xf8E4M3FN, #tpu.memory_space<vmem>>, %arg6: memref<3072x1024xbf16, #tpu.memory_space<vmem>>, %arg7: memref<3072x1024xf8E4M3FN, #tpu.memory_space<vmem>>, %arg8: memref<3072x1024xf8E4M3FN, #tpu.memory_space<vmem>>, %arg9: memref<1x1024xf32, #tpu.memory_space<vmem>>, %arg10: memref<1x1024xf32, #tpu.memory_space<vmem>>, %arg11: memref<1x1024xf32, #tpu.memory_space<vmem>>, %arg12: memref<1x1024xf32, #tpu.memory_space<vmem>>, %arg13: memref<1x1024xf32, #tpu.memory_space<vmem>>, %arg14: memref<1x1024xf32, #tpu.memory_space<vmem>>, %arg15: memref<1x1024xf32, #tpu.memory_space<vmem>>, %arg16: memref<1x1xf32, #tpu.memory_space<vmem>>, %arg17: memref<1x1x512xf32, #tpu.memory_space<vmem>>, %arg18: memref<516x1024xf32, #tpu.memory_space<vmem>>, %arg19: memref<514x1024xf32, #tpu.memory_space<vmem>>) attributes {dimension_semantics = [#tpu.dimension_semantics<arbitrary>], iteration_bounds = array<i64: 32>, scalar_prefetch = 0 : i64, scratch_operands = 2 : i64, tpu.core_type = #tpu.core_type<tc>, window_params = [{transform_indices = @transform_0, window_bounds = array<i64: 512, 1024>}, {transform_indices = @transform_1, window_bounds = array<i64: 1, 4, 1024>}, {pipeline_mode = #tpu.pipeline_mode<synchronous>, transform_indices = @transform_2, window_bounds = array<i64: 3072, 1024>}, {pipeline_mode = #tpu.pipeline_mode<synchronous>, transform_indices = @transform_3, window_bounds = array<i64: 3072, 1024>}, {pipeline_mode = #tpu.pipeline_mode<synchronous>, transform_indices = @transform_4, window_bounds = array<i64: 3072, 1024>}, {pipeline_mode = #tpu.pipeline_mode<synchronous>, transform_indices = @transform_5, window_bounds = array<i64: 3072, 1024>}, {pipeline_mode = #tpu.pipeline_mode<synchronous>, transform_indices = @transform_6, window_bounds = array<i64: 3072, 1024>}, {pipeline_mode = #tpu.pipeline_mode<synchronous>, transform_indices = @transform_7, window_bounds = array<i64: 3072, 1024>}, {pipeline_mode = #tpu.pipeline_mode<synchronous>, transform_indices = @transform_8, window_bounds = array<i64: 1, 1024>}, {pipeline_mode = #tpu.pipeline_mode<synchronous>, transform_indices = @transform_9, window_bounds = array<i64: 1, 1024>}, {pipeline_mode = #tpu.pipeline_mode<synchronous>, transform_indices = @transform_10, window_bounds = array<i64: 1, 1024>}, {pipeline_mode = #tpu.pipeline_mode<synchronous>, transform_indices = @transform_11, window_bounds = array<i64: 1, 1024>}, {pipeline_mode = #tpu.pipeline_mode<synchronous>, transform_indices = @transform_12, window_bounds = array<i64: 1, 1024>}, {pipeline_mode = #tpu.pipeline_mode<synchronous>, transform_indices = @transform_13, window_bounds = array<i64: 1, 1024>}, {pipeline_mode = #tpu.pipeline_mode<synchronous>, transform_indices = @transform_14, window_bounds = array<i64: 1, 1024>}, {pipeline_mode = #tpu.pipeline_mode<synchronous>, transform_indices = @transform_15, window_bounds = array<i64: 1, 1>}, {transform_indices = @transform_16, window_bounds = array<i64: 1, 1, 512>}]} {
    %get3A = arith.constant 0 : index
    %get3A_0 = arith.constant 0 : index
    %get3A_1 = arith.constant 0 : index
    %get3A_2 = vector.load %arg2[%get3A, %get3A_0, %get3A_1] : memref<1x4x1024xf32, #tpu.memory_space<vmem>>, vector<1x2x1024xf32>
    %get3A_3 = vector.shape_cast %get3A_2 : vector<1x2x1024xf32> to vector<2x1024xf32>
    %swap3A = arith.constant 0 : index
    %swap3A_4 = arith.constant 0 : index
    %swap3A_5 = vector.load %arg18[%swap3A, %swap3A_4] : memref<516x1024xf32, #tpu.memory_space<vmem>>, vector<2x1024xf32>
    tpu.vector_store %arg18[%swap3A, %swap3A_4], %get3A_3 {strides = array<i32>} : memref<516x1024xf32, #tpu.memory_space<vmem>>, vector<2x1024xf32>,
    %get3A_6 = arith.constant 0 : index
    %get3A_7 = arith.constant 0 : index
    %get3A_8 = vector.load %arg1[%get3A_6, %get3A_7] : memref<512x1024xf32, #tpu.memory_space<vmem>>, vector<512x1024xf32>
    %swap3A_9 = arith.constant 2 : index
    %swap3A_10 = arith.constant 0 : index
    %swap3A_11 = vector.load %arg18[%swap3A_9, %swap3A_10] : memref<516x1024xf32, #tpu.memory_space<vmem>>, vector<512x1024xf32>
    tpu.vector_store %arg18[%swap3A_9, %swap3A_10], %get3A_8 {strides = array<i32>} : memref<516x1024xf32, #tpu.memory_space<vmem>>, vector<512x1024xf32>,
    %get3A_12 = arith.constant 0 : index
    %get3A_13 = arith.constant 2 : index
    %get3A_14 = arith.constant 0 : index
    %get3A_15 = vector.load %arg2[%get3A_12, %get3A_13, %get3A_14] : memref<1x4x1024xf32, #tpu.memory_space<vmem>>, vector<1x2x1024xf32>
    %get3A_16 = vector.shape_cast %get3A_15 : vector<1x2x1024xf32> to vector<2x1024xf32>
    %swap3A_17 = arith.constant 514 : index
    %swap3A_18 = arith.constant 0 : index
    %swap3A_19 = vector.load %arg18[%swap3A_17, %swap3A_18] : memref<516x1024xf32, #tpu.memory_space<vmem>>, vector<2x1024xf32>
    tpu.vector_store %arg18[%swap3A_17, %swap3A_18], %get3A_16 {strides = array<i32>} : memref<516x1024xf32, #tpu.memory_space<vmem>>, vector<2x1024xf32>,
    %jit3A = arith.constant 8 : i32
    %eq3A = arith.constant 0 : i32
    %eq3A_20 = arith.cmpi eq, %jit3A, %eq3A : i32
    %jit3A_21 = arith.constant 1 : i32
    %select_n3A = arith.select %eq3A_20, %jit3A_21, %jit3A : i32
    %rem3A = arith.remsi %arg0, %select_n3A : i32
    %ne3A = arith.constant 0 : i32
    %ne3A_22 = arith.cmpi ne, %rem3A, %ne3A : i32
    %lt3A = arith.constant 0 : i32
    %lt3A_23 = arith.cmpi slt, %rem3A, %lt3A : i32
    %lt3A_24 = arith.constant 0 : i32
    %lt3A_25 = arith.cmpi slt, %select_n3A, %lt3A_24 : i32
    %ne3A_26 = arith.xori %lt3A_23, %lt3A_25 : i1
    %and3A = arith.andi %ne3A_26, %ne3A_22 : i1
    %add3A = arith.addi %rem3A, %select_n3A : i32
    %select_n3A_27 = arith.select %and3A, %add3A, %rem3A : i32
    %get3A_28 = arith.constant 0 : index
    %get3A_29 = arith.constant 0 : index
    %get3A_30 = vector.load %arg18[%get3A_28, %get3A_29] : memref<516x1024xf32, #tpu.memory_space<vmem>>, vector<130x1024xf32>
    %convert_element_type3A = arith.truncf %get3A_30 : vector<130x1024xf32> to vector<130x1024xbf16>
    %mul3A = arith.constant 8.000000e+00 : f32
    %mul3A_31 = vector.broadcast %mul3A : f32 to vector<130x1024xf32>
    %mul3A_32 = arith.mulf %get3A_30, %mul3A_31 : vector<130x1024xf32>
    %convert_element_type3A_33 = arith.truncf %mul3A_32 : vector<130x1024xf32> to vector<130x1024xf8E4M3FN>
    %convert_element_type3A_34 = arith.extf %convert_element_type3A : vector<130x1024xbf16> to vector<130x1024xf32>
    %sub3A = arith.subf %get3A_30, %convert_element_type3A_34 : vector<130x1024xf32>
    %mul3A_35 = arith.constant 5.120000e+02 : f32
    %mul3A_36 = vector.broadcast %mul3A_35 : f32 to vector<130x1024xf32>
    %mul3A_37 = arith.mulf %sub3A, %mul3A_36 : vector<130x1024xf32>
    %convert_element_type3A_38 = arith.truncf %mul3A_37 : vector<130x1024xf32> to vector<130x1024xf8E4M3FN>
    %slice3A = vector.extract_strided_slice %convert_element_type3A {offsets = [0, 0], sizes = [128, 1024], strides = [1, 1]} : vector<130x1024xbf16> to vector<128x1024xbf16>
    %slice3A_39 = vector.extract_strided_slice %convert_element_type3A {offsets = [1, 0], sizes = [128, 1024], strides = [1, 1]} : vector<130x1024xbf16> to vector<128x1024xbf16>
    %slice3A_40 = vector.extract_strided_slice %convert_element_type3A {offsets = [2, 0], sizes = [128, 1024], strides = [1, 1]} : vector<130x1024xbf16> to vector<128x1024xbf16>
    %concatenate3A = tpu.concatenate %slice3A, %slice3A_39, %slice3A_40 in 1 : vector<128x1024xbf16>, vector<128x1024xbf16>, vector<128x1024xbf16> -> vector<128x3072xbf16>
    %get3A_41 = arith.constant 0 : index
    %get3A_42 = arith.constant 0 : index
    %get3A_43 = vector.load %arg3[%get3A_41, %get3A_42] : memref<3072x1024xbf16, #tpu.memory_space<vmem>>, vector<3072x1024xbf16>
    %dot_general3A = arith.constant dense<0.000000e+00> : vector<128x1024xf32>
    %dot_general3A_44 = tpu.matmul %concatenate3A, %get3A_43, %dot_general3A {dimension_numbers = #tpu.dot_dimension_numbers<[1], [0], [0], [1], [0, 0, 1, 1], [], []>, transpose_lhs_hint = false} : vector<128x3072xbf16>, vector<3072x1024xbf16>, vector<128x1024xf32> -> vector<128x1024xf32>
    %slice3A_45 = vector.extract_strided_slice %convert_element_type3A_33 {offsets = [0, 0], sizes = [128, 1024], strides = [1, 1]} : vector<130x1024xf8E4M3FN> to vector<128x1024xf8E4M3FN>
    %slice3A_46 = vector.extract_strided_slice %convert_element_type3A_33 {offsets = [1, 0], sizes = [128, 1024], strides = [1, 1]} : vector<130x1024xf8E4M3FN> to vector<128x1024xf8E4M3FN>
    %slice3A_47 = vector.extract_strided_slice %convert_element_type3A_33 {offsets = [2, 0], sizes = [128, 1024], strides = [1, 1]} : vector<130x1024xf8E4M3FN> to vector<128x1024xf8E4M3FN>
    %concatenate3A_48 = tpu.concatenate %slice3A_45, %slice3A_46, %slice3A_47 in 1 : vector<128x1024xf8E4M3FN>, vector<128x1024xf8E4M3FN>, vector<128x1024xf8E4M3FN> -> vector<128x3072xf8E4M3FN>
    %get3A_49 = arith.constant 0 : index
    %get3A_50 = arith.constant 0 : index
    %get3A_51 = vector.load %arg4[%get3A_49, %get3A_50] : memref<3072x1024xf8E4M3FN, #tpu.memory_space<vmem>>, vector<3072x1024xf8E4M3FN>
    %dot_general3A_52 = arith.constant dense<0.000000e+00> : vector<128x1024xf32>
    %dot_general3A_53 = tpu.matmul %concatenate3A_48, %get3A_51, %dot_general3A_52 {dimension_numbers = #tpu.dot_dimension_numbers<[1], [0], [0], [1], [0, 0, 1, 1], [], []>, transpose_lhs_hint = false} : vector<128x3072xf8E4M3FN>, vector<3072x1024xf8E4M3FN>, vector<128x1024xf32> -> vector<128x1024xf32>
    %mul3A_54 = arith.constant 2.98023224E-8 : f32
    %mul3A_55 = vector.broadcast %mul3A_54 : f32 to vector<128x1024xf32>
    %mul3A_56 = arith.mulf %dot_general3A_53, %mul3A_55 : vector<128x1024xf32>
    %add3A_57 = arith.addf %dot_general3A_44, %mul3A_56 : vector<128x1024xf32>
    %slice3A_58 = vector.extract_strided_slice %convert_element_type3A_38 {offsets = [0, 0], sizes = [128, 1024], strides = [1, 1]} : vector<130x1024xf8E4M3FN> to vector<128x1024xf8E4M3FN>
    %slice3A_59 = vector.extract_strided_slice %convert_element_type3A_38 {offsets = [1, 0], sizes = [128, 1024], strides = [1, 1]} : vector<130x1024xf8E4M3FN> to vector<128x1024xf8E4M3FN>
    %slice3A_60 = vector.extract_strided_slice %convert_element_type3A_38 {offsets = [2, 0], sizes = [128, 1024], strides = [1, 1]} : vector<130x1024xf8E4M3FN> to vector<128x1024xf8E4M3FN>
    %concatenate3A_61 = tpu.concatenate %slice3A_58, %slice3A_59, %slice3A_60 in 1 : vector<128x1024xf8E4M3FN>, vector<128x1024xf8E4M3FN>, vector<128x1024xf8E4M3FN> -> vector<128x3072xf8E4M3FN>
    %get3A_62 = arith.constant 0 : index
    %get3A_63 = arith.constant 0 : index
    %get3A_64 = vector.load %arg5[%get3A_62, %get3A_63] : memref<3072x1024xf8E4M3FN, #tpu.memory_space<vmem>>, vector<3072x1024xf8E4M3FN>
    %dot_general3A_65 = arith.constant dense<0.000000e+00> : vector<128x1024xf32>
    %dot_general3A_66 = tpu.matmul %concatenate3A_61, %get3A_64, %dot_general3A_65 {dimension_numbers = #tpu.dot_dimension_numbers<[1], [0], [0], [1], [0, 0, 1, 1], [], []>, transpose_lhs_hint = false} : vector<128x3072xf8E4M3FN>, vector<3072x1024xf8E4M3FN>, vector<128x1024xf32> -> vector<128x1024xf32>
    %mul3A_67 = arith.constant 2.38418579E-7 : f32
    %mul3A_68 = vector.broadcast %mul3A_67 : f32 to vector<128x1024xf32>
    %mul3A_69 = arith.mulf %dot_general3A_66, %mul3A_68 : vector<128x1024xf32>
    %add3A_70 = arith.addf %add3A_57, %mul3A_69 : vector<128x1024xf32>
    %get3A_71 = arith.constant 0 : index
    %get3A_72 = arith.constant 0 : index
    %get3A_73 = vector.load %arg9[%get3A_71, %get3A_72] : memref<1x1024xf32, #tpu.memory_space<vmem>>, vector<1x1024xf32>
    %add3A_74 = vector.broadcast %get3A_73 : vector<1x1024xf32> to vector<128x1024xf32>
    %add3A_75 = arith.addf %add3A_70, %add3A_74 : vector<128x1024xf32>
    %max3A = arith.constant 0.000000e+00 : f32
    %max3A_76 = vector.broadcast %max3A : f32 to vector<128x1024xf32>
    %max3A_77 = arith.maximumf %add3A_75, %max3A_76 : vector<128x1024xf32>
    %get3A_78 = arith.constant 0 : index
    %get3A_79 = arith.constant 0 : index
    %get3A_80 = vector.load %arg10[%get3A_78, %get3A_79] : memref<1x1024xf32, #tpu.memory_space<vmem>>, vector<1x1024xf32>
    %get3A_81 = arith.constant 0 : index
    %get3A_82 = arith.constant 0 : index
    %get3A_83 = vector.load %arg11[%get3A_81, %get3A_82] : memref<1x1024xf32, #tpu.memory_space<vmem>>, vector<1x1024xf32>
    %reduce_sum3A = arith.constant dense<0.000000e+00> : vector<128xf32>
    %reduce_sum3A_84 = vector.multi_reduction <add>, %max3A_77, %reduce_sum3A [1] : vector<128x1024xf32> to vector<128xf32>
    %broadcast_in_dim3A = vector.shape_cast %reduce_sum3A_84 : vector<128xf32> to vector<128x1xf32>
    %div3A = arith.constant 1.024000e+03 : f32
    %div3A_85 = vector.broadcast %div3A : f32 to vector<128x1xf32>
    %div3A_86 = arith.divf %broadcast_in_dim3A, %div3A_85 : vector<128x1xf32>
    %sub3A_87 = vector.broadcast %div3A_86 : vector<128x1xf32> to vector<128x1024xf32>
    %sub3A_88 = arith.subf %max3A_77, %sub3A_87 : vector<128x1024xf32>
    %integer_pow3A = arith.mulf %sub3A_88, %sub3A_88 : vector<128x1024xf32>
    %reduce_sum3A_89 = arith.constant dense<0.000000e+00> : vector<128xf32>
    %reduce_sum3A_90 = vector.multi_reduction <add>, %integer_pow3A, %reduce_sum3A_89 [1] : vector<128x1024xf32> to vector<128xf32>
    %broadcast_in_dim3A_91 = vector.shape_cast %reduce_sum3A_90 : vector<128xf32> to vector<128x1xf32>
    %div3A_92 = arith.constant 1.024000e+03 : f32
    %div3A_93 = vector.broadcast %div3A_92 : f32 to vector<128x1xf32>
    %div3A_94 = arith.divf %broadcast_in_dim3A_91, %div3A_93 : vector<128x1xf32>
    %sub3A_95 = vector.broadcast %div3A_86 : vector<128x1xf32> to vector<128x1024xf32>
    %sub3A_96 = arith.subf %max3A_77, %sub3A_95 : vector<128x1024xf32>
    %add3A_97 = arith.constant 9.99999974E-6 : f32
    %add3A_98 = vector.broadcast %add3A_97 : f32 to vector<128x1xf32>
    %add3A_99 = arith.addf %div3A_94, %add3A_98 : vector<128x1xf32>
    %rsqrt3A = math.rsqrt %add3A_99 : vector<128x1xf32>
    %mul3A_100 = vector.broadcast %rsqrt3A : vector<128x1xf32> to vector<128x1024xf32>
    %mul3A_101 = arith.mulf %sub3A_96, %mul3A_100 : vector<128x1024xf32>
    %mul3A_102 = vector.broadcast %get3A_80 : vector<1x1024xf32> to vector<128x1024xf32>
    %mul3A_103 = arith.mulf %mul3A_101, %mul3A_102 : vector<128x1024xf32>
    %add3A_104 = vector.broadcast %get3A_83 : vector<1x1024xf32> to vector<128x1024xf32>
    %add3A_105 = arith.addf %mul3A_103, %add3A_104 : vector<128x1024xf32>
    %iota3A = tpu.iota {dimensions = array<i32: 0>} : vector<128x1xi32>
    %add3A_106 = arith.constant 0 : i32
    %add3A_107 = vector.broadcast %add3A_106 : i32 to vector<128x1xi32>
    %add3A_108 = arith.addi %iota3A, %add3A_107 : vector<128x1xi32>
    %eq3A_109 = arith.constant 0 : i32
    %eq3A_110 = arith.cmpi eq, %select_n3A_27, %eq3A_109 : i32
    %eq3A_111 = arith.constant 0 : i32
    %eq3A_112 = vector.broadcast %eq3A_111 : i32 to vector<128x1xi32>
    %eq3A_113 = arith.cmpi eq, %add3A_108, %eq3A_112 : vector<128x1xi32>
    %and3A_114 = vector.broadcast %eq3A_110 : i1 to vector<128x1xi1>
    %and3A_115 = arith.andi %and3A_114, %eq3A_113 : vector<128x1xi1>
    %eq3A_116 = arith.constant 7 : i32
    %eq3A_117 = arith.cmpi eq, %select_n3A_27, %eq3A_116 : i32
    %eq3A_118 = arith.constant 513 : i32
    %eq3A_119 = vector.broadcast %eq3A_118 : i32 to vector<128x1xi32>
    %eq3A_120 = arith.cmpi eq, %add3A_108, %eq3A_119 : vector<128x1xi32>
    %and3A_121 = vector.broadcast %eq3A_117 : i1 to vector<128x1xi1>
    %and3A_122 = arith.andi %and3A_121, %eq3A_120 : vector<128x1xi1>
    %or3A = arith.ori %and3A_115, %and3A_122 : vector<128x1xi1>
    %jit3A_123 = arith.constant 0.000000e+00 : f32
    %broadcast_in_dim3A_124 = vector.shape_cast %or3A : vector<128x1xi1> to vector<128x1xi1>
    %broadcast_in_dim3A_125 = vector.broadcast %broadcast_in_dim3A_124 : vector<128x1xi1> to vector<128x1024xi1>
    %broadcast_in_dim3A_126 = vector.broadcast %jit3A_123 : f32 to vector<128x1024xf32>
    %select_n3A_127 = arith.select %broadcast_in_dim3A_125, %broadcast_in_dim3A_126, %add3A_105 : vector<128x1024xi1>, vector<128x1024xf32>
    %swap3A_128 = arith.constant 0 : index
    %swap3A_129 = arith.constant 0 : index
    %swap3A_130 = vector.load %arg19[%swap3A_128, %swap3A_129] : memref<514x1024xf32, #tpu.memory_space<vmem>>, vector<128x1024xf32>
    tpu.vector_store %arg19[%swap3A_128, %swap3A_129], %select_n3A_127 {strides = array<i32>} : memref<514x1024xf32, #tpu.memory_space<vmem>>, vector<128x1024xf32>,
    %get3A_131 = arith.constant 128 : index
    %get3A_132 = arith.constant 0 : index
    %get3A_133 = vector.load %arg18[%get3A_131, %get3A_132] : memref<516x1024xf32, #tpu.memory_space<vmem>>, vector<130x1024xf32>
    %convert_element_type3A_134 = arith.truncf %get3A_133 : vector<130x1024xf32> to vector<130x1024xbf16>
    %mul3A_135 = arith.constant 8.000000e+00 : f32
    %mul3A_136 = vector.broadcast %mul3A_135 : f32 to vector<130x1024xf32>
    %mul3A_137 = arith.mulf %get3A_133, %mul3A_136 : vector<130x1024xf32>
    %convert_element_type3A_138 = arith.truncf %mul3A_137 : vector<130x1024xf32> to vector<130x1024xf8E4M3FN>
    %convert_element_type3A_139 = arith.extf %convert_element_type3A_134 : vector<130x1024xbf16> to vector<130x1024xf32>
    %sub3A_140 = arith.subf %get3A_133, %convert_element_type3A_139 : vector<130x1024xf32>
    %mul3A_141 = arith.constant 5.120000e+02 : f32
    %mul3A_142 = vector.broadcast %mul3A_141 : f32 to vector<130x1024xf32>
    %mul3A_143 = arith.mulf %sub3A_140, %mul3A_142 : vector<130x1024xf32>
    %convert_element_type3A_144 = arith.truncf %mul3A_143 : vector<130x1024xf32> to vector<130x1024xf8E4M3FN>
    %slice3A_145 = vector.extract_strided_slice %convert_element_type3A_134 {offsets = [0, 0], sizes = [128, 1024], strides = [1, 1]} : vector<130x1024xbf16> to vector<128x1024xbf16>
    %slice3A_146 = vector.extract_strided_slice %convert_element_type3A_134 {offsets = [1, 0], sizes = [128, 1024], strides = [1, 1]} : vector<130x1024xbf16> to vector<128x1024xbf16>
    %slice3A_147 = vector.extract_strided_slice %convert_element_type3A_134 {offsets = [2, 0], sizes = [128, 1024], strides = [1, 1]} : vector<130x1024xbf16> to vector<128x1024xbf16>
    %concatenate3A_148 = tpu.concatenate %slice3A_145, %slice3A_146, %slice3A_147 in 1 : vector<128x1024xbf16>, vector<128x1024xbf16>, vector<128x1024xbf16> -> vector<128x3072xbf16>
    %get3A_149 = arith.constant 0 : index
    %get3A_150 = arith.constant 0 : index
    %get3A_151 = vector.load %arg3[%get3A_149, %get3A_150] : memref<3072x1024xbf16, #tpu.memory_space<vmem>>, vector<3072x1024xbf16>
    %dot_general3A_152 = arith.constant dense<0.000000e+00> : vector<128x1024xf32>
    %dot_general3A_153 = tpu.matmul %concatenate3A_148, %get3A_151, %dot_general3A_152 {dimension_numbers = #tpu.dot_dimension_numbers<[1], [0], [0], [1], [0, 0, 1, 1], [], []>, transpose_lhs_hint = false} : vector<128x3072xbf16>, vector<3072x1024xbf16>, vector<128x1024xf32> -> vector<128x1024xf32>
    %slice3A_154 = vector.extract_strided_slice %convert_element_type3A_138 {offsets = [0, 0], sizes = [128, 1024], strides = [1, 1]} : vector<130x1024xf8E4M3FN> to vector<128x1024xf8E4M3FN>
    %slice3A_155 = vector.extract_strided_slice %convert_element_type3A_138 {offsets = [1, 0], sizes = [128, 1024], strides = [1, 1]} : vector<130x1024xf8E4M3FN> to vector<128x1024xf8E4M3FN>
    %slice3A_156 = vector.extract_strided_slice %convert_element_type3A_138 {offsets = [2, 0], sizes = [128, 1024], strides = [1, 1]} : vector<130x1024xf8E4M3FN> to vector<128x1024xf8E4M3FN>
    %concatenate3A_157 = tpu.concatenate %slice3A_154, %slice3A_155, %slice3A_156 in 1 : vector<128x1024xf8E4M3FN>, vector<128x1024xf8E4M3FN>, vector<128x1024xf8E4M3FN> -> vector<128x3072xf8E4M3FN>
    %get3A_158 = arith.constant 0 : index
    %get3A_159 = arith.constant 0 : index
    %get3A_160 = vector.load %arg4[%get3A_158, %get3A_159] : memref<3072x1024xf8E4M3FN, #tpu.memory_space<vmem>>, vector<3072x1024xf8E4M3FN>
    %dot_general3A_161 = arith.constant dense<0.000000e+00> : vector<128x1024xf32>
    %dot_general3A_162 = tpu.matmul %concatenate3A_157, %get3A_160, %dot_general3A_161 {dimension_numbers = #tpu.dot_dimension_numbers<[1], [0], [0], [1], [0, 0, 1, 1], [], []>, transpose_lhs_hint = false} : vector<128x3072xf8E4M3FN>, vector<3072x1024xf8E4M3FN>, vector<128x1024xf32> -> vector<128x1024xf32>
    %mul3A_163 = arith.constant 2.98023224E-8 : f32
    %mul3A_164 = vector.broadcast %mul3A_163 : f32 to vector<128x1024xf32>
    %mul3A_165 = arith.mulf %dot_general3A_162, %mul3A_164 : vector<128x1024xf32>
    %add3A_166 = arith.addf %dot_general3A_153, %mul3A_165 : vector<128x1024xf32>
    %slice3A_167 = vector.extract_strided_slice %convert_element_type3A_144 {offsets = [0, 0], sizes = [128, 1024], strides = [1, 1]} : vector<130x1024xf8E4M3FN> to vector<128x1024xf8E4M3FN>
    %slice3A_168 = vector.extract_strided_slice %convert_element_type3A_144 {offsets = [1, 0], sizes = [128, 1024], strides = [1, 1]} : vector<130x1024xf8E4M3FN> to vector<128x1024xf8E4M3FN>
    %slice3A_169 = vector.extract_strided_slice %convert_element_type3A_144 {offsets = [2, 0], sizes = [128, 1024], strides = [1, 1]} : vector<130x1024xf8E4M3FN> to vector<128x1024xf8E4M3FN>
    %concatenate3A_170 = tpu.concatenate %slice3A_167, %slice3A_168, %slice3A_169 in 1 : vector<128x1024xf8E4M3FN>, vector<128x1024xf8E4M3FN>, vector<128x1024xf8E4M3FN> -> vector<128x3072xf8E4M3FN>
    %get3A_171 = arith.constant 0 : index
    %get3A_172 = arith.constant 0 : index
    %get3A_173 = vector.load %arg5[%get3A_171, %get3A_172] : memref<3072x1024xf8E4M3FN, #tpu.memory_space<vmem>>, vector<3072x1024xf8E4M3FN>
    %dot_general3A_174 = arith.constant dense<0.000000e+00> : vector<128x1024xf32>
    %dot_general3A_175 = tpu.matmul %concatenate3A_170, %get3A_173, %dot_general3A_174 {dimension_numbers = #tpu.dot_dimension_numbers<[1], [0], [0], [1], [0, 0, 1, 1], [], []>, transpose_lhs_hint = false} : vector<128x3072xf8E4M3FN>, vector<3072x1024xf8E4M3FN>, vector<128x1024xf32> -> vector<128x1024xf32>
    %mul3A_176 = arith.constant 2.38418579E-7 : f32
    %mul3A_177 = vector.broadcast %mul3A_176 : f32 to vector<128x1024xf32>
    %mul3A_178 = arith.mulf %dot_general3A_175, %mul3A_177 : vector<128x1024xf32>
    %add3A_179 = arith.addf %add3A_166, %mul3A_178 : vector<128x1024xf32>
    %get3A_180 = arith.constant 0 : index
    %get3A_181 = arith.constant 0 : index
    %get3A_182 = vector.load %arg9[%get3A_180, %get3A_181] : memref<1x1024xf32, #tpu.memory_space<vmem>>, vector<1x1024xf32>
    %add3A_183 = vector.broadcast %get3A_182 : vector<1x1024xf32> to vector<128x1024xf32>
    %add3A_184 = arith.addf %add3A_179, %add3A_183 : vector<128x1024xf32>
    %max3A_185 = arith.constant 0.000000e+00 : f32
    %max3A_186 = vector.broadcast %max3A_185 : f32 to vector<128x1024xf32>
    %max3A_187 = arith.maximumf %add3A_184, %max3A_186 : vector<128x1024xf32>
    %get3A_188 = arith.constant 0 : index
    %get3A_189 = arith.constant 0 : index
    %get3A_190 = vector.load %arg10[%get3A_188, %get3A_189] : memref<1x1024xf32, #tpu.memory_space<vmem>>, vector<1x1024xf32>
    %get3A_191 = arith.constant 0 : index
    %get3A_192 = arith.constant 0 : index
    %get3A_193 = vector.load %arg11[%get3A_191, %get3A_192] : memref<1x1024xf32, #tpu.memory_space<vmem>>, vector<1x1024xf32>
    %reduce_sum3A_194 = arith.constant dense<0.000000e+00> : vector<128xf32>
    %reduce_sum3A_195 = vector.multi_reduction <add>, %max3A_187, %reduce_sum3A_194 [1] : vector<128x1024xf32> to vector<128xf32>
    %broadcast_in_dim3A_196 = vector.shape_cast %reduce_sum3A_195 : vector<128xf32> to vector<128x1xf32>
    %div3A_197 = arith.constant 1.024000e+03 : f32
    %div3A_198 = vector.broadcast %div3A_197 : f32 to vector<128x1xf32>
    %div3A_199 = arith.divf %broadcast_in_dim3A_196, %div3A_198 : vector<128x1xf32>
    %sub3A_200 = vector.broadcast %div3A_199 : vector<128x1xf32> to vector<128x1024xf32>
    %sub3A_201 = arith.subf %max3A_187, %sub3A_200 : vector<128x1024xf32>
    %integer_pow3A_202 = arith.mulf %sub3A_201, %sub3A_201 : vector<128x1024xf32>
    %reduce_sum3A_203 = arith.constant dense<0.000000e+00> : vector<128xf32>
    %reduce_sum3A_204 = vector.multi_reduction <add>, %integer_pow3A_202, %reduce_sum3A_203 [1] : vector<128x1024xf32> to vector<128xf32>
    %broadcast_in_dim3A_205 = vector.shape_cast %reduce_sum3A_204 : vector<128xf32> to vector<128x1xf32>
    %div3A_206 = arith.constant 1.024000e+03 : f32
    %div3A_207 = vector.broadcast %div3A_206 : f32 to vector<128x1xf32>
    %div3A_208 = arith.divf %broadcast_in_dim3A_205, %div3A_207 : vector<128x1xf32>
    %sub3A_209 = vector.broadcast %div3A_199 : vector<128x1xf32> to vector<128x1024xf32>
    %sub3A_210 = arith.subf %max3A_187, %sub3A_209 : vector<128x1024xf32>
    %add3A_211 = arith.constant 9.99999974E-6 : f32
    %add3A_212 = vector.broadcast %add3A_211 : f32 to vector<128x1xf32>
    %add3A_213 = arith.addf %div3A_208, %add3A_212 : vector<128x1xf32>
    %rsqrt3A_214 = math.rsqrt %add3A_213 : vector<128x1xf32>
    %mul3A_215 = vector.broadcast %rsqrt3A_214 : vector<128x1xf32> to vector<128x1024xf32>
    %mul3A_216 = arith.mulf %sub3A_210, %mul3A_215 : vector<128x1024xf32>
    %mul3A_217 = vector.broadcast %get3A_190 : vector<1x1024xf32> to vector<128x1024xf32>
    %mul3A_218 = arith.mulf %mul3A_216, %mul3A_217 : vector<128x1024xf32>
    %add3A_219 = vector.broadcast %get3A_193 : vector<1x1024xf32> to vector<128x1024xf32>
    %add3A_220 = arith.addf %mul3A_218, %add3A_219 : vector<128x1024xf32>
    %iota3A_221 = tpu.iota {dimensions = array<i32: 0>} : vector<128x1xi32>
    %add3A_222 = arith.constant 128 : i32
    %add3A_223 = vector.broadcast %add3A_222 : i32 to vector<128x1xi32>
    %add3A_224 = arith.addi %iota3A_221, %add3A_223 : vector<128x1xi32>
    %eq3A_225 = arith.constant 0 : i32
    %eq3A_226 = arith.cmpi eq, %select_n3A_27, %eq3A_225 : i32
    %eq3A_227 = arith.constant 0 : i32
    %eq3A_228 = vector.broadcast %eq3A_227 : i32 to vector<128x1xi32>
    %eq3A_229 = arith.cmpi eq, %add3A_224, %eq3A_228 : vector<128x1xi32>
    %and3A_230 = vector.broadcast %eq3A_226 : i1 to vector<128x1xi1>
    %and3A_231 = arith.andi %and3A_230, %eq3A_229 : vector<128x1xi1>
    %eq3A_232 = arith.constant 7 : i32
    %eq3A_233 = arith.cmpi eq, %select_n3A_27, %eq3A_232 : i32
    %eq3A_234 = arith.constant 513 : i32
    %eq3A_235 = vector.broadcast %eq3A_234 : i32 to vector<128x1xi32>
    %eq3A_236 = arith.cmpi eq, %add3A_224, %eq3A_235 : vector<128x1xi32>
    %and3A_237 = vector.broadcast %eq3A_233 : i1 to vector<128x1xi1>
    %and3A_238 = arith.andi %and3A_237, %eq3A_236 : vector<128x1xi1>
    %or3A_239 = arith.ori %and3A_231, %and3A_238 : vector<128x1xi1>
    %jit3A_240 = arith.constant 0.000000e+00 : f32
    %broadcast_in_dim3A_241 = vector.shape_cast %or3A_239 : vector<128x1xi1> to vector<128x1xi1>
    %broadcast_in_dim3A_242 = vector.broadcast %broadcast_in_dim3A_241 : vector<128x1xi1> to vector<128x1024xi1>
    %broadcast_in_dim3A_243 = vector.broadcast %jit3A_240 : f32 to vector<128x1024xf32>
    %select_n3A_244 = arith.select %broadcast_in_dim3A_242, %broadcast_in_dim3A_243, %add3A_220 : vector<128x1024xi1>, vector<128x1024xf32>
    %swap3A_245 = arith.constant 128 : index
    %swap3A_246 = arith.constant 0 : index
    %swap3A_247 = vector.load %arg19[%swap3A_245, %swap3A_246] : memref<514x1024xf32, #tpu.memory_space<vmem>>, vector<128x1024xf32>
    tpu.vector_store %arg19[%swap3A_245, %swap3A_246], %select_n3A_244 {strides = array<i32>} : memref<514x1024xf32, #tpu.memory_space<vmem>>, vector<128x1024xf32>,
    %get3A_248 = arith.constant 256 : index
    %get3A_249 = arith.constant 0 : index
    %get3A_250 = vector.load %arg18[%get3A_248, %get3A_249] : memref<516x1024xf32, #tpu.memory_space<vmem>>, vector<130x1024xf32>
    %convert_element_type3A_251 = arith.truncf %get3A_250 : vector<130x1024xf32> to vector<130x1024xbf16>
    %mul3A_252 = arith.constant 8.000000e+00 : f32
    %mul3A_253 = vector.broadcast %mul3A_252 : f32 to vector<130x1024xf32>
    %mul3A_254 = arith.mulf %get3A_250, %mul3A_253 : vector<130x1024xf32>
    %convert_element_type3A_255 = arith.truncf %mul3A_254 : vector<130x1024xf32> to vector<130x1024xf8E4M3FN>
    %convert_element_type3A_256 = arith.extf %convert_element_type3A_251 : vector<130x1024xbf16> to vector<130x1024xf32>
    %sub3A_257 = arith.subf %get3A_250, %convert_element_type3A_256 : vector<130x1024xf32>
    %mul3A_258 = arith.constant 5.120000e+02 : f32
    %mul3A_259 = vector.broadcast %mul3A_258 : f32 to vector<130x1024xf32>
    %mul3A_260 = arith.mulf %sub3A_257, %mul3A_259 : vector<130x1024xf32>
    %convert_element_type3A_261 = arith.truncf %mul3A_260 : vector<130x1024xf32> to vector<130x1024xf8E4M3FN>
    %slice3A_262 = vector.extract_strided_slice %convert_element_type3A_251 {offsets = [0, 0], sizes = [128, 1024], strides = [1, 1]} : vector<130x1024xbf16> to vector<128x1024xbf16>
    %slice3A_263 = vector.extract_strided_slice %convert_element_type3A_251 {offsets = [1, 0], sizes = [128, 1024], strides = [1, 1]} : vector<130x1024xbf16> to vector<128x1024xbf16>
    %slice3A_264 = vector.extract_strided_slice %convert_element_type3A_251 {offsets = [2, 0], sizes = [128, 1024], strides = [1, 1]} : vector<130x1024xbf16> to vector<128x1024xbf16>
    %concatenate3A_265 = tpu.concatenate %slice3A_262, %slice3A_263, %slice3A_264 in 1 : vector<128x1024xbf16>, vector<128x1024xbf16>, vector<128x1024xbf16> -> vector<128x3072xbf16>
    %get3A_266 = arith.constant 0 : index
    %get3A_267 = arith.constant 0 : index
    %get3A_268 = vector.load %arg3[%get3A_266, %get3A_267] : memref<3072x1024xbf16, #tpu.memory_space<vmem>>, vector<3072x1024xbf16>
    %dot_general3A_269 = arith.constant dense<0.000000e+00> : vector<128x1024xf32>
    %dot_general3A_270 = tpu.matmul %concatenate3A_265, %get3A_268, %dot_general3A_269 {dimension_numbers = #tpu.dot_dimension_numbers<[1], [0], [0], [1], [0, 0, 1, 1], [], []>, transpose_lhs_hint = false} : vector<128x3072xbf16>, vector<3072x1024xbf16>, vector<128x1024xf32> -> vector<128x1024xf32>
    %slice3A_271 = vector.extract_strided_slice %convert_element_type3A_255 {offsets = [0, 0], sizes = [128, 1024], strides = [1, 1]} : vector<130x1024xf8E4M3FN> to vector<128x1024xf8E4M3FN>
    %slice3A_272 = vector.extract_strided_slice %convert_element_type3A_255 {offsets = [1, 0], sizes = [128, 1024], strides = [1, 1]} : vector<130x1024xf8E4M3FN> to vector<128x1024xf8E4M3FN>
    %slice3A_273 = vector.extract_strided_slice %convert_element_type3A_255 {offsets = [2, 0], sizes = [128, 1024], strides = [1, 1]} : vector<130x1024xf8E4M3FN> to vector<128x1024xf8E4M3FN>
    %concatenate3A_274 = tpu.concatenate %slice3A_271, %slice3A_272, %slice3A_273 in 1 : vector<128x1024xf8E4M3FN>, vector<128x1024xf8E4M3FN>, vector<128x1024xf8E4M3FN> -> vector<128x3072xf8E4M3FN>
    %get3A_275 = arith.constant 0 : index
    %get3A_276 = arith.constant 0 : index
    %get3A_277 = vector.load %arg4[%get3A_275, %get3A_276] : memref<3072x1024xf8E4M3FN, #tpu.memory_space<vmem>>, vector<3072x1024xf8E4M3FN>
    %dot_general3A_278 = arith.constant dense<0.000000e+00> : vector<128x1024xf32>
    %dot_general3A_279 = tpu.matmul %concatenate3A_274, %get3A_277, %dot_general3A_278 {dimension_numbers = #tpu.dot_dimension_numbers<[1], [0], [0], [1], [0, 0, 1, 1], [], []>, transpose_lhs_hint = false} : vector<128x3072xf8E4M3FN>, vector<3072x1024xf8E4M3FN>, vector<128x1024xf32> -> vector<128x1024xf32>
    %mul3A_280 = arith.constant 2.98023224E-8 : f32
    %mul3A_281 = vector.broadcast %mul3A_280 : f32 to vector<128x1024xf32>
    %mul3A_282 = arith.mulf %dot_general3A_279, %mul3A_281 : vector<128x1024xf32>
    %add3A_283 = arith.addf %dot_general3A_270, %mul3A_282 : vector<128x1024xf32>
    %slice3A_284 = vector.extract_strided_slice %convert_element_type3A_261 {offsets = [0, 0], sizes = [128, 1024], strides = [1, 1]} : vector<130x1024xf8E4M3FN> to vector<128x1024xf8E4M3FN>
    %slice3A_285 = vector.extract_strided_slice %convert_element_type3A_261 {offsets = [1, 0], sizes = [128, 1024], strides = [1, 1]} : vector<130x1024xf8E4M3FN> to vector<128x1024xf8E4M3FN>
    %slice3A_286 = vector.extract_strided_slice %convert_element_type3A_261 {offsets = [2, 0], sizes = [128, 1024], strides = [1, 1]} : vector<130x1024xf8E4M3FN> to vector<128x1024xf8E4M3FN>
    %concatenate3A_287 = tpu.concatenate %slice3A_284, %slice3A_285, %slice3A_286 in 1 : vector<128x1024xf8E4M3FN>, vector<128x1024xf8E4M3FN>, vector<128x1024xf8E4M3FN> -> vector<128x3072xf8E4M3FN>
    %get3A_288 = arith.constant 0 : index
    %get3A_289 = arith.constant 0 : index
    %get3A_290 = vector.load %arg5[%get3A_288, %get3A_289] : memref<3072x1024xf8E4M3FN, #tpu.memory_space<vmem>>, vector<3072x1024xf8E4M3FN>
    %dot_general3A_291 = arith.constant dense<0.000000e+00> : vector<128x1024xf32>
    %dot_general3A_292 = tpu.matmul %concatenate3A_287, %get3A_290, %dot_general3A_291 {dimension_numbers = #tpu.dot_dimension_numbers<[1], [0], [0], [1], [0, 0, 1, 1], [], []>, transpose_lhs_hint = false} : vector<128x3072xf8E4M3FN>, vector<3072x1024xf8E4M3FN>, vector<128x1024xf32> -> vector<128x1024xf32>
    %mul3A_293 = arith.constant 2.38418579E-7 : f32
    %mul3A_294 = vector.broadcast %mul3A_293 : f32 to vector<128x1024xf32>
    %mul3A_295 = arith.mulf %dot_general3A_292, %mul3A_294 : vector<128x1024xf32>
    %add3A_296 = arith.addf %add3A_283, %mul3A_295 : vector<128x1024xf32>
    %get3A_297 = arith.constant 0 : index
    %get3A_298 = arith.constant 0 : index
    %get3A_299 = vector.load %arg9[%get3A_297, %get3A_298] : memref<1x1024xf32, #tpu.memory_space<vmem>>, vector<1x1024xf32>
    %add3A_300 = vector.broadcast %get3A_299 : vector<1x1024xf32> to vector<128x1024xf32>
    %add3A_301 = arith.addf %add3A_296, %add3A_300 : vector<128x1024xf32>
    %max3A_302 = arith.constant 0.000000e+00 : f32
    %max3A_303 = vector.broadcast %max3A_302 : f32 to vector<128x1024xf32>
    %max3A_304 = arith.maximumf %add3A_301, %max3A_303 : vector<128x1024xf32>
    %get3A_305 = arith.constant 0 : index
    %get3A_306 = arith.constant 0 : index
    %get3A_307 = vector.load %arg10[%get3A_305, %get3A_306] : memref<1x1024xf32, #tpu.memory_space<vmem>>, vector<1x1024xf32>
    %get3A_308 = arith.constant 0 : index
    %get3A_309 = arith.constant 0 : index
    %get3A_310 = vector.load %arg11[%get3A_308, %get3A_309] : memref<1x1024xf32, #tpu.memory_space<vmem>>, vector<1x1024xf32>
    %reduce_sum3A_311 = arith.constant dense<0.000000e+00> : vector<128xf32>
    %reduce_sum3A_312 = vector.multi_reduction <add>, %max3A_304, %reduce_sum3A_311 [1] : vector<128x1024xf32> to vector<128xf32>
    %broadcast_in_dim3A_313 = vector.shape_cast %reduce_sum3A_312 : vector<128xf32> to vector<128x1xf32>
    %div3A_314 = arith.constant 1.024000e+03 : f32
    %div3A_315 = vector.broadcast %div3A_314 : f32 to vector<128x1xf32>
    %div3A_316 = arith.divf %broadcast_in_dim3A_313, %div3A_315 : vector<128x1xf32>
    %sub3A_317 = vector.broadcast %div3A_316 : vector<128x1xf32> to vector<128x1024xf32>
    %sub3A_318 = arith.subf %max3A_304, %sub3A_317 : vector<128x1024xf32>
    %integer_pow3A_319 = arith.mulf %sub3A_318, %sub3A_318 : vector<128x1024xf32>
    %reduce_sum3A_320 = arith.constant dense<0.000000e+00> : vector<128xf32>
    %reduce_sum3A_321 = vector.multi_reduction <add>, %integer_pow3A_319, %reduce_sum3A_320 [1] : vector<128x1024xf32> to vector<128xf32>
    %broadcast_in_dim3A_322 = vector.shape_cast %reduce_sum3A_321 : vector<128xf32> to vector<128x1xf32>
    %div3A_323 = arith.constant 1.024000e+03 : f32
    %div3A_324 = vector.broadcast %div3A_323 : f32 to vector<128x1xf32>
    %div3A_325 = arith.divf %broadcast_in_dim3A_322, %div3A_324 : vector<128x1xf32>
    %sub3A_326 = vector.broadcast %div3A_316 : vector<128x1xf32> to vector<128x1024xf32>
    %sub3A_327 = arith.subf %max3A_304, %sub3A_326 : vector<128x1024xf32>
    %add3A_328 = arith.constant 9.99999974E-6 : f32
    %add3A_329 = vector.broadcast %add3A_328 : f32 to vector<128x1xf32>
    %add3A_330 = arith.addf %div3A_325, %add3A_329 : vector<128x1xf32>
    %rsqrt3A_331 = math.rsqrt %add3A_330 : vector<128x1xf32>
    %mul3A_332 = vector.broadcast %rsqrt3A_331 : vector<128x1xf32> to vector<128x1024xf32>
    %mul3A_333 = arith.mulf %sub3A_327, %mul3A_332 : vector<128x1024xf32>
    %mul3A_334 = vector.broadcast %get3A_307 : vector<1x1024xf32> to vector<128x1024xf32>
    %mul3A_335 = arith.mulf %mul3A_333, %mul3A_334 : vector<128x1024xf32>
    %add3A_336 = vector.broadcast %get3A_310 : vector<1x1024xf32> to vector<128x1024xf32>
    %add3A_337 = arith.addf %mul3A_335, %add3A_336 : vector<128x1024xf32>
    %iota3A_338 = tpu.iota {dimensions = array<i32: 0>} : vector<128x1xi32>
    %add3A_339 = arith.constant 256 : i32
    %add3A_340 = vector.broadcast %add3A_339 : i32 to vector<128x1xi32>
    %add3A_341 = arith.addi %iota3A_338, %add3A_340 : vector<128x1xi32>
    %eq3A_342 = arith.constant 0 : i32
    %eq3A_343 = arith.cmpi eq, %select_n3A_27, %eq3A_342 : i32
    %eq3A_344 = arith.constant 0 : i32
    %eq3A_345 = vector.broadcast %eq3A_344 : i32 to vector<128x1xi32>
    %eq3A_346 = arith.cmpi eq, %add3A_341, %eq3A_345 : vector<128x1xi32>
    %and3A_347 = vector.broadcast %eq3A_343 : i1 to vector<128x1xi1>
    %and3A_348 = arith.andi %and3A_347, %eq3A_346 : vector<128x1xi1>
    %eq3A_349 = arith.constant 7 : i32
    %eq3A_350 = arith.cmpi eq, %select_n3A_27, %eq3A_349 : i32
    %eq3A_351 = arith.constant 513 : i32
    %eq3A_352 = vector.broadcast %eq3A_351 : i32 to vector<128x1xi32>
    %eq3A_353 = arith.cmpi eq, %add3A_341, %eq3A_352 : vector<128x1xi32>
    %and3A_354 = vector.broadcast %eq3A_350 : i1 to vector<128x1xi1>
    %and3A_355 = arith.andi %and3A_354, %eq3A_353 : vector<128x1xi1>
    %or3A_356 = arith.ori %and3A_348, %and3A_355 : vector<128x1xi1>
    %jit3A_357 = arith.constant 0.000000e+00 : f32
    %broadcast_in_dim3A_358 = vector.shape_cast %or3A_356 : vector<128x1xi1> to vector<128x1xi1>
    %broadcast_in_dim3A_359 = vector.broadcast %broadcast_in_dim3A_358 : vector<128x1xi1> to vector<128x1024xi1>
    %broadcast_in_dim3A_360 = vector.broadcast %jit3A_357 : f32 to vector<128x1024xf32>
    %select_n3A_361 = arith.select %broadcast_in_dim3A_359, %broadcast_in_dim3A_360, %add3A_337 : vector<128x1024xi1>, vector<128x1024xf32>
    %swap3A_362 = arith.constant 256 : index
    %swap3A_363 = arith.constant 0 : index
    %swap3A_364 = vector.load %arg19[%swap3A_362, %swap3A_363] : memref<514x1024xf32, #tpu.memory_space<vmem>>, vector<128x1024xf32>
    tpu.vector_store %arg19[%swap3A_362, %swap3A_363], %select_n3A_361 {strides = array<i32>} : memref<514x1024xf32, #tpu.memory_space<vmem>>, vector<128x1024xf32>,
    %get3A_365 = arith.constant 384 : index
    %get3A_366 = arith.constant 0 : index
    %get3A_367 = vector.load %arg18[%get3A_365, %get3A_366] : memref<516x1024xf32, #tpu.memory_space<vmem>>, vector<132x1024xf32>
    %convert_element_type3A_368 = arith.truncf %get3A_367 : vector<132x1024xf32> to vector<132x1024xbf16>
    %mul3A_369 = arith.constant 8.000000e+00 : f32
    %mul3A_370 = vector.broadcast %mul3A_369 : f32 to vector<132x1024xf32>
    %mul3A_371 = arith.mulf %get3A_367, %mul3A_370 : vector<132x1024xf32>
    %convert_element_type3A_372 = arith.truncf %mul3A_371 : vector<132x1024xf32> to vector<132x1024xf8E4M3FN>
    %convert_element_type3A_373 = arith.extf %convert_element_type3A_368 : vector<132x1024xbf16> to vector<132x1024xf32>
    %sub3A_374 = arith.subf %get3A_367, %convert_element_type3A_373 : vector<132x1024xf32>
    %mul3A_375 = arith.constant 5.120000e+02 : f32
    %mul3A_376 = vector.broadcast %mul3A_375 : f32 to vector<132x1024xf32>
    %mul3A_377 = arith.mulf %sub3A_374, %mul3A_376 : vector<132x1024xf32>
    %convert_element_type3A_378 = arith.truncf %mul3A_377 : vector<132x1024xf32> to vector<132x1024xf8E4M3FN>
    %slice3A_379 = vector.extract_strided_slice %convert_element_type3A_368 {offsets = [0, 0], sizes = [130, 1024], strides = [1, 1]} : vector<132x1024xbf16> to vector<130x1024xbf16>
    %slice3A_380 = vector.extract_strided_slice %convert_element_type3A_368 {offsets = [1, 0], sizes = [130, 1024], strides = [1, 1]} : vector<132x1024xbf16> to vector<130x1024xbf16>
    %slice3A_381 = vector.extract_strided_slice %convert_element_type3A_368 {offsets = [2, 0], sizes = [130, 1024], strides = [1, 1]} : vector<132x1024xbf16> to vector<130x1024xbf16>
    %concatenate3A_382 = tpu.concatenate %slice3A_379, %slice3A_380, %slice3A_381 in 1 : vector<130x1024xbf16>, vector<130x1024xbf16>, vector<130x1024xbf16> -> vector<130x3072xbf16>
    %get3A_383 = arith.constant 0 : index
    %get3A_384 = arith.constant 0 : index
    %get3A_385 = vector.load %arg3[%get3A_383, %get3A_384] : memref<3072x1024xbf16, #tpu.memory_space<vmem>>, vector<3072x1024xbf16>
    %dot_general3A_386 = arith.constant dense<0.000000e+00> : vector<130x1024xf32>
    %dot_general3A_387 = tpu.matmul %concatenate3A_382, %get3A_385, %dot_general3A_386 {dimension_numbers = #tpu.dot_dimension_numbers<[1], [0], [0], [1], [0, 0, 1, 1], [], []>, transpose_lhs_hint = false} : vector<130x3072xbf16>, vector<3072x1024xbf16>, vector<130x1024xf32> -> vector<130x1024xf32>
    %slice3A_388 = vector.extract_strided_slice %convert_element_type3A_372 {offsets = [0, 0], sizes = [130, 1024], strides = [1, 1]} : vector<132x1024xf8E4M3FN> to vector<130x1024xf8E4M3FN>
    %slice3A_389 = vector.extract_strided_slice %convert_element_type3A_372 {offsets = [1, 0], sizes = [130, 1024], strides = [1, 1]} : vector<132x1024xf8E4M3FN> to vector<130x1024xf8E4M3FN>
    %slice3A_390 = vector.extract_strided_slice %convert_element_type3A_372 {offsets = [2, 0], sizes = [130, 1024], strides = [1, 1]} : vector<132x1024xf8E4M3FN> to vector<130x1024xf8E4M3FN>
    %concatenate3A_391 = tpu.concatenate %slice3A_388, %slice3A_389, %slice3A_390 in 1 : vector<130x1024xf8E4M3FN>, vector<130x1024xf8E4M3FN>, vector<130x1024xf8E4M3FN> -> vector<130x3072xf8E4M3FN>
    %get3A_392 = arith.constant 0 : index
    %get3A_393 = arith.constant 0 : index
    %get3A_394 = vector.load %arg4[%get3A_392, %get3A_393] : memref<3072x1024xf8E4M3FN, #tpu.memory_space<vmem>>, vector<3072x1024xf8E4M3FN>
    %dot_general3A_395 = arith.constant dense<0.000000e+00> : vector<130x1024xf32>
    %dot_general3A_396 = tpu.matmul %concatenate3A_391, %get3A_394, %dot_general3A_395 {dimension_numbers = #tpu.dot_dimension_numbers<[1], [0], [0], [1], [0, 0, 1, 1], [], []>, transpose_lhs_hint = false} : vector<130x3072xf8E4M3FN>, vector<3072x1024xf8E4M3FN>, vector<130x1024xf32> -> vector<130x1024xf32>
    %mul3A_397 = arith.constant 2.98023224E-8 : f32
    %mul3A_398 = vector.broadcast %mul3A_397 : f32 to vector<130x1024xf32>
    %mul3A_399 = arith.mulf %dot_general3A_396, %mul3A_398 : vector<130x1024xf32>
    %add3A_400 = arith.addf %dot_general3A_387, %mul3A_399 : vector<130x1024xf32>
    %slice3A_401 = vector.extract_strided_slice %convert_element_type3A_378 {offsets = [0, 0], sizes = [130, 1024], strides = [1, 1]} : vector<132x1024xf8E4M3FN> to vector<130x1024xf8E4M3FN>
    %slice3A_402 = vector.extract_strided_slice %convert_element_type3A_378 {offsets = [1, 0], sizes = [130, 1024], strides = [1, 1]} : vector<132x1024xf8E4M3FN> to vector<130x1024xf8E4M3FN>
    %slice3A_403 = vector.extract_strided_slice %convert_element_type3A_378 {offsets = [2, 0], sizes = [130, 1024], strides = [1, 1]} : vector<132x1024xf8E4M3FN> to vector<130x1024xf8E4M3FN>
    %concatenate3A_404 = tpu.concatenate %slice3A_401, %slice3A_402, %slice3A_403 in 1 : vector<130x1024xf8E4M3FN>, vector<130x1024xf8E4M3FN>, vector<130x1024xf8E4M3FN> -> vector<130x3072xf8E4M3FN>
    %get3A_405 = arith.constant 0 : index
    %get3A_406 = arith.constant 0 : index
    %get3A_407 = vector.load %arg5[%get3A_405, %get3A_406] : memref<3072x1024xf8E4M3FN, #tpu.memory_space<vmem>>, vector<3072x1024xf8E4M3FN>
    %dot_general3A_408 = arith.constant dense<0.000000e+00> : vector<130x1024xf32>
    %dot_general3A_409 = tpu.matmul %concatenate3A_404, %get3A_407, %dot_general3A_408 {dimension_numbers = #tpu.dot_dimension_numbers<[1], [0], [0], [1], [0, 0, 1, 1], [], []>, transpose_lhs_hint = false} : vector<130x3072xf8E4M3FN>, vector<3072x1024xf8E4M3FN>, vector<130x1024xf32> -> vector<130x1024xf32>
    %mul3A_410 = arith.constant 2.38418579E-7 : f32
    %mul3A_411 = vector.broadcast %mul3A_410 : f32 to vector<130x1024xf32>
    %mul3A_412 = arith.mulf %dot_general3A_409, %mul3A_411 : vector<130x1024xf32>
    %add3A_413 = arith.addf %add3A_400, %mul3A_412 : vector<130x1024xf32>
    %get3A_414 = arith.constant 0 : index
    %get3A_415 = arith.constant 0 : index
    %get3A_416 = vector.load %arg9[%get3A_414, %get3A_415] : memref<1x1024xf32, #tpu.memory_space<vmem>>, vector<1x1024xf32>
    %add3A_417 = vector.broadcast %get3A_416 : vector<1x1024xf32> to vector<130x1024xf32>
    %add3A_418 = arith.addf %add3A_413, %add3A_417 : vector<130x1024xf32>
    %max3A_419 = arith.constant 0.000000e+00 : f32
    %max3A_420 = vector.broadcast %max3A_419 : f32 to vector<130x1024xf32>
    %max3A_421 = arith.maximumf %add3A_418, %max3A_420 : vector<130x1024xf32>
    %get3A_422 = arith.constant 0 : index
    %get3A_423 = arith.constant 0 : index
    %get3A_424 = vector.load %arg10[%get3A_422, %get3A_423] : memref<1x1024xf32, #tpu.memory_space<vmem>>, vector<1x1024xf32>
    %get3A_425 = arith.constant 0 : index
    %get3A_426 = arith.constant 0 : index
    %get3A_427 = vector.load %arg11[%get3A_425, %get3A_426] : memref<1x1024xf32, #tpu.memory_space<vmem>>, vector<1x1024xf32>
    %reduce_sum3A_428 = arith.constant dense<0.000000e+00> : vector<130xf32>
    %reduce_sum3A_429 = vector.multi_reduction <add>, %max3A_421, %reduce_sum3A_428 [1] : vector<130x1024xf32> to vector<130xf32>
    %broadcast_in_dim3A_430 = vector.shape_cast %reduce_sum3A_429 : vector<130xf32> to vector<130x1xf32>
    %div3A_431 = arith.constant 1.024000e+03 : f32
    %div3A_432 = vector.broadcast %div3A_431 : f32 to vector<130x1xf32>
    %div3A_433 = arith.divf %broadcast_in_dim3A_430, %div3A_432 : vector<130x1xf32>
    %sub3A_434 = vector.broadcast %div3A_433 : vector<130x1xf32> to vector<130x1024xf32>
    %sub3A_435 = arith.subf %max3A_421, %sub3A_434 : vector<130x1024xf32>
    %integer_pow3A_436 = arith.mulf %sub3A_435, %sub3A_435 : vector<130x1024xf32>
    %reduce_sum3A_437 = arith.constant dense<0.000000e+00> : vector<130xf32>
    %reduce_sum3A_438 = vector.multi_reduction <add>, %integer_pow3A_436, %reduce_sum3A_437 [1] : vector<130x1024xf32> to vector<130xf32>
    %broadcast_in_dim3A_439 = vector.shape_cast %reduce_sum3A_438 : vector<130xf32> to vector<130x1xf32>
    %div3A_440 = arith.constant 1.024000e+03 : f32
    %div3A_441 = vector.broadcast %div3A_440 : f32 to vector<130x1xf32>
    %div3A_442 = arith.divf %broadcast_in_dim3A_439, %div3A_441 : vector<130x1xf32>
    %sub3A_443 = vector.broadcast %div3A_433 : vector<130x1xf32> to vector<130x1024xf32>
    %sub3A_444 = arith.subf %max3A_421, %sub3A_443 : vector<130x1024xf32>
    %add3A_445 = arith.constant 9.99999974E-6 : f32
    %add3A_446 = vector.broadcast %add3A_445 : f32 to vector<130x1xf32>
    %add3A_447 = arith.addf %div3A_442, %add3A_446 : vector<130x1xf32>
    %rsqrt3A_448 = math.rsqrt %add3A_447 : vector<130x1xf32>
    %mul3A_449 = vector.broadcast %rsqrt3A_448 : vector<130x1xf32> to vector<130x1024xf32>
    %mul3A_450 = arith.mulf %sub3A_444, %mul3A_449 : vector<130x1024xf32>
    %mul3A_451 = vector.broadcast %get3A_424 : vector<1x1024xf32> to vector<130x1024xf32>
    %mul3A_452 = arith.mulf %mul3A_450, %mul3A_451 : vector<130x1024xf32>
    %add3A_453 = vector.broadcast %get3A_427 : vector<1x1024xf32> to vector<130x1024xf32>
    %add3A_454 = arith.addf %mul3A_452, %add3A_453 : vector<130x1024xf32>
    %iota3A_455 = tpu.iota {dimensions = array<i32: 0>} : vector<130x1xi32>
    %add3A_456 = arith.constant 384 : i32
    %add3A_457 = vector.broadcast %add3A_456 : i32 to vector<130x1xi32>
    %add3A_458 = arith.addi %iota3A_455, %add3A_457 : vector<130x1xi32>
    %eq3A_459 = arith.constant 0 : i32
    %eq3A_460 = arith.cmpi eq, %select_n3A_27, %eq3A_459 : i32
    %eq3A_461 = arith.constant 0 : i32
    %eq3A_462 = vector.broadcast %eq3A_461 : i32 to vector<130x1xi32>
    %eq3A_463 = arith.cmpi eq, %add3A_458, %eq3A_462 : vector<130x1xi32>
    %and3A_464 = vector.broadcast %eq3A_460 : i1 to vector<130x1xi1>
    %and3A_465 = arith.andi %and3A_464, %eq3A_463 : vector<130x1xi1>
    %eq3A_466 = arith.constant 7 : i32
    %eq3A_467 = arith.cmpi eq, %select_n3A_27, %eq3A_466 : i32
    %eq3A_468 = arith.constant 513 : i32
    %eq3A_469 = vector.broadcast %eq3A_468 : i32 to vector<130x1xi32>
    %eq3A_470 = arith.cmpi eq, %add3A_458, %eq3A_469 : vector<130x1xi32>
    %and3A_471 = vector.broadcast %eq3A_467 : i1 to vector<130x1xi1>
    %and3A_472 = arith.andi %and3A_471, %eq3A_470 : vector<130x1xi1>
    %or3A_473 = arith.ori %and3A_465, %and3A_472 : vector<130x1xi1>
    %jit3A_474 = arith.constant 0.000000e+00 : f32
    %broadcast_in_dim3A_475 = vector.shape_cast %or3A_473 : vector<130x1xi1> to vector<130x1xi1>
    %broadcast_in_dim3A_476 = vector.broadcast %broadcast_in_dim3A_475 : vector<130x1xi1> to vector<130x1024xi1>
    %broadcast_in_dim3A_477 = vector.broadcast %jit3A_474 : f32 to vector<130x1024xf32>
    %select_n3A_478 = arith.select %broadcast_in_dim3A_476, %broadcast_in_dim3A_477, %add3A_454 : vector<130x1024xi1>, vector<130x1024xf32>
    %swap3A_479 = arith.constant 384 : index
    %swap3A_480 = arith.constant 0 : index
    %swap3A_481 = vector.load %arg19[%swap3A_479, %swap3A_480] : memref<514x1024xf32, #tpu.memory_space<vmem>>, vector<130x1024xf32>
    tpu.vector_store %arg19[%swap3A_479, %swap3A_480], %select_n3A_478 {strides = array<i32>} : memref<514x1024xf32, #tpu.memory_space<vmem>>, vector<130x1024xf32>,
    %get3A_482 = arith.constant 0 : index
    %get3A_483 = arith.constant 0 : index
    %get3A_484 = vector.load %arg19[%get3A_482, %get3A_483] : memref<514x1024xf32, #tpu.memory_space<vmem>>, vector<130x1024xf32>
    %convert_element_type3A_485 = arith.truncf %get3A_484 : vector<130x1024xf32> to vector<130x1024xbf16>
    %mul3A_486 = arith.constant 8.000000e+00 : f32
    %mul3A_487 = vector.broadcast %mul3A_486 : f32 to vector<130x1024xf32>
    %mul3A_488 = arith.mulf %get3A_484, %mul3A_487 : vector<130x1024xf32>
    %convert_element_type3A_489 = arith.truncf %mul3A_488 : vector<130x1024xf32> to vector<130x1024xf8E4M3FN>
    %convert_element_type3A_490 = arith.extf %convert_element_type3A_485 : vector<130x1024xbf16> to vector<130x1024xf32>
    %sub3A_491 = arith.subf %get3A_484, %convert_element_type3A_490 : vector<130x1024xf32>
    %mul3A_492 = arith.constant 5.120000e+02 : f32
    %mul3A_493 = vector.broadcast %mul3A_492 : f32 to vector<130x1024xf32>
    %mul3A_494 = arith.mulf %sub3A_491, %mul3A_493 : vector<130x1024xf32>
    %convert_element_type3A_495 = arith.truncf %mul3A_494 : vector<130x1024xf32> to vector<130x1024xf8E4M3FN>
    %slice3A_496 = vector.extract_strided_slice %convert_element_type3A_485 {offsets = [0, 0], sizes = [128, 1024], strides = [1, 1]} : vector<130x1024xbf16> to vector<128x1024xbf16>
    %slice3A_497 = vector.extract_strided_slice %convert_element_type3A_485 {offsets = [1, 0], sizes = [128, 1024], strides = [1, 1]} : vector<130x1024xbf16> to vector<128x1024xbf16>
    %slice3A_498 = vector.extract_strided_slice %convert_element_type3A_485 {offsets = [2, 0], sizes = [128, 1024], strides = [1, 1]} : vector<130x1024xbf16> to vector<128x1024xbf16>
    %concatenate3A_499 = tpu.concatenate %slice3A_496, %slice3A_497, %slice3A_498 in 1 : vector<128x1024xbf16>, vector<128x1024xbf16>, vector<128x1024xbf16> -> vector<128x3072xbf16>
    %get3A_500 = arith.constant 0 : index
    %get3A_501 = arith.constant 0 : index
    %get3A_502 = vector.load %arg6[%get3A_500, %get3A_501] : memref<3072x1024xbf16, #tpu.memory_space<vmem>>, vector<3072x1024xbf16>
    %dot_general3A_503 = arith.constant dense<0.000000e+00> : vector<128x1024xf32>
    %dot_general3A_504 = tpu.matmul %concatenate3A_499, %get3A_502, %dot_general3A_503 {dimension_numbers = #tpu.dot_dimension_numbers<[1], [0], [0], [1], [0, 0, 1, 1], [], []>, transpose_lhs_hint = false} : vector<128x3072xbf16>, vector<3072x1024xbf16>, vector<128x1024xf32> -> vector<128x1024xf32>
    %slice3A_505 = vector.extract_strided_slice %convert_element_type3A_489 {offsets = [0, 0], sizes = [128, 1024], strides = [1, 1]} : vector<130x1024xf8E4M3FN> to vector<128x1024xf8E4M3FN>
    %slice3A_506 = vector.extract_strided_slice %convert_element_type3A_489 {offsets = [1, 0], sizes = [128, 1024], strides = [1, 1]} : vector<130x1024xf8E4M3FN> to vector<128x1024xf8E4M3FN>
    %slice3A_507 = vector.extract_strided_slice %convert_element_type3A_489 {offsets = [2, 0], sizes = [128, 1024], strides = [1, 1]} : vector<130x1024xf8E4M3FN> to vector<128x1024xf8E4M3FN>
    %concatenate3A_508 = tpu.concatenate %slice3A_505, %slice3A_506, %slice3A_507 in 1 : vector<128x1024xf8E4M3FN>, vector<128x1024xf8E4M3FN>, vector<128x1024xf8E4M3FN> -> vector<128x3072xf8E4M3FN>
    %get3A_509 = arith.constant 0 : index
    %get3A_510 = arith.constant 0 : index
    %get3A_511 = vector.load %arg7[%get3A_509, %get3A_510] : memref<3072x1024xf8E4M3FN, #tpu.memory_space<vmem>>, vector<3072x1024xf8E4M3FN>
    %dot_general3A_512 = arith.constant dense<0.000000e+00> : vector<128x1024xf32>
    %dot_general3A_513 = tpu.matmul %concatenate3A_508, %get3A_511, %dot_general3A_512 {dimension_numbers = #tpu.dot_dimension_numbers<[1], [0], [0], [1], [0, 0, 1, 1], [], []>, transpose_lhs_hint = false} : vector<128x3072xf8E4M3FN>, vector<3072x1024xf8E4M3FN>, vector<128x1024xf32> -> vector<128x1024xf32>
    %mul3A_514 = arith.constant 2.98023224E-8 : f32
    %mul3A_515 = vector.broadcast %mul3A_514 : f32 to vector<128x1024xf32>
    %mul3A_516 = arith.mulf %dot_general3A_513, %mul3A_515 : vector<128x1024xf32>
    %add3A_517 = arith.addf %dot_general3A_504, %mul3A_516 : vector<128x1024xf32>
    %slice3A_518 = vector.extract_strided_slice %convert_element_type3A_495 {offsets = [0, 0], sizes = [128, 1024], strides = [1, 1]} : vector<130x1024xf8E4M3FN> to vector<128x1024xf8E4M3FN>
    %slice3A_519 = vector.extract_strided_slice %convert_element_type3A_495 {offsets = [1, 0], sizes = [128, 1024], strides = [1, 1]} : vector<130x1024xf8E4M3FN> to vector<128x1024xf8E4M3FN>
    %slice3A_520 = vector.extract_strided_slice %convert_element_type3A_495 {offsets = [2, 0], sizes = [128, 1024], strides = [1, 1]} : vector<130x1024xf8E4M3FN> to vector<128x1024xf8E4M3FN>
    %concatenate3A_521 = tpu.concatenate %slice3A_518, %slice3A_519, %slice3A_520 in 1 : vector<128x1024xf8E4M3FN>, vector<128x1024xf8E4M3FN>, vector<128x1024xf8E4M3FN> -> vector<128x3072xf8E4M3FN>
    %get3A_522 = arith.constant 0 : index
    %get3A_523 = arith.constant 0 : index
    %get3A_524 = vector.load %arg8[%get3A_522, %get3A_523] : memref<3072x1024xf8E4M3FN, #tpu.memory_space<vmem>>, vector<3072x1024xf8E4M3FN>
    %dot_general3A_525 = arith.constant dense<0.000000e+00> : vector<128x1024xf32>
    %dot_general3A_526 = tpu.matmul %concatenate3A_521, %get3A_524, %dot_general3A_525 {dimension_numbers = #tpu.dot_dimension_numbers<[1], [0], [0], [1], [0, 0, 1, 1], [], []>, transpose_lhs_hint = false} : vector<128x3072xf8E4M3FN>, vector<3072x1024xf8E4M3FN>, vector<128x1024xf32> -> vector<128x1024xf32>
    %mul3A_527 = arith.constant 2.38418579E-7 : f32
    %mul3A_528 = vector.broadcast %mul3A_527 : f32 to vector<128x1024xf32>
    %mul3A_529 = arith.mulf %dot_general3A_526, %mul3A_528 : vector<128x1024xf32>
    %add3A_530 = arith.addf %add3A_517, %mul3A_529 : vector<128x1024xf32>
    %get3A_531 = arith.constant 0 : index
    %get3A_532 = arith.constant 0 : index
    %get3A_533 = vector.load %arg12[%get3A_531, %get3A_532] : memref<1x1024xf32, #tpu.memory_space<vmem>>, vector<1x1024xf32>
    %add3A_534 = vector.broadcast %get3A_533 : vector<1x1024xf32> to vector<128x1024xf32>
    %add3A_535 = arith.addf %add3A_530, %add3A_534 : vector<128x1024xf32>
    %max3A_536 = arith.constant 0.000000e+00 : f32
    %max3A_537 = vector.broadcast %max3A_536 : f32 to vector<128x1024xf32>
    %max3A_538 = arith.maximumf %add3A_535, %max3A_537 : vector<128x1024xf32>
    %get3A_539 = arith.constant 0 : index
    %get3A_540 = arith.constant 0 : index
    %get3A_541 = vector.load %arg13[%get3A_539, %get3A_540] : memref<1x1024xf32, #tpu.memory_space<vmem>>, vector<1x1024xf32>
    %get3A_542 = arith.constant 0 : index
    %get3A_543 = arith.constant 0 : index
    %get3A_544 = vector.load %arg14[%get3A_542, %get3A_543] : memref<1x1024xf32, #tpu.memory_space<vmem>>, vector<1x1024xf32>
    %reduce_sum3A_545 = arith.constant dense<0.000000e+00> : vector<128xf32>
    %reduce_sum3A_546 = vector.multi_reduction <add>, %max3A_538, %reduce_sum3A_545 [1] : vector<128x1024xf32> to vector<128xf32>
    %broadcast_in_dim3A_547 = vector.shape_cast %reduce_sum3A_546 : vector<128xf32> to vector<128x1xf32>
    %div3A_548 = arith.constant 1.024000e+03 : f32
    %div3A_549 = vector.broadcast %div3A_548 : f32 to vector<128x1xf32>
    %div3A_550 = arith.divf %broadcast_in_dim3A_547, %div3A_549 : vector<128x1xf32>
    %sub3A_551 = vector.broadcast %div3A_550 : vector<128x1xf32> to vector<128x1024xf32>
    %sub3A_552 = arith.subf %max3A_538, %sub3A_551 : vector<128x1024xf32>
    %integer_pow3A_553 = arith.mulf %sub3A_552, %sub3A_552 : vector<128x1024xf32>
    %reduce_sum3A_554 = arith.constant dense<0.000000e+00> : vector<128xf32>
    %reduce_sum3A_555 = vector.multi_reduction <add>, %integer_pow3A_553, %reduce_sum3A_554 [1] : vector<128x1024xf32> to vector<128xf32>
    %broadcast_in_dim3A_556 = vector.shape_cast %reduce_sum3A_555 : vector<128xf32> to vector<128x1xf32>
    %div3A_557 = arith.constant 1.024000e+03 : f32
    %div3A_558 = vector.broadcast %div3A_557 : f32 to vector<128x1xf32>
    %div3A_559 = arith.divf %broadcast_in_dim3A_556, %div3A_558 : vector<128x1xf32>
    %sub3A_560 = vector.broadcast %div3A_550 : vector<128x1xf32> to vector<128x1024xf32>
    %sub3A_561 = arith.subf %max3A_538, %sub3A_560 : vector<128x1024xf32>
    %add3A_562 = arith.constant 9.99999974E-6 : f32
    %add3A_563 = vector.broadcast %add3A_562 : f32 to vector<128x1xf32>
    %add3A_564 = arith.addf %div3A_559, %add3A_563 : vector<128x1xf32>
    %rsqrt3A_565 = math.rsqrt %add3A_564 : vector<128x1xf32>
    %mul3A_566 = vector.broadcast %rsqrt3A_565 : vector<128x1xf32> to vector<128x1024xf32>
    %mul3A_567 = arith.mulf %sub3A_561, %mul3A_566 : vector<128x1024xf32>
    %mul3A_568 = vector.broadcast %get3A_541 : vector<1x1024xf32> to vector<128x1024xf32>
    %mul3A_569 = arith.mulf %mul3A_567, %mul3A_568 : vector<128x1024xf32>
    %add3A_570 = vector.broadcast %get3A_544 : vector<1x1024xf32> to vector<128x1024xf32>
    %add3A_571 = arith.addf %mul3A_569, %add3A_570 : vector<128x1024xf32>
    %get3A_572 = arith.constant 0 : index
    %get3A_573 = arith.constant 0 : index
    %get3A_574 = vector.load %arg15[%get3A_572, %get3A_573] : memref<1x1024xf32, #tpu.memory_space<vmem>>, vector<1x1024xf32>
    %mul3A_575 = vector.broadcast %get3A_574 : vector<1x1024xf32> to vector<128x1024xf32>
    %mul3A_576 = arith.mulf %add3A_571, %mul3A_575 : vector<128x1024xf32>
    %reduce_sum3A_577 = arith.constant dense<0.000000e+00> : vector<128xf32>
    %reduce_sum3A_578 = vector.multi_reduction <add>, %mul3A_576, %reduce_sum3A_577 [1] : vector<128x1024xf32> to vector<128xf32>
    %get3A_579 = arith.constant 0 : index
    %get3A_580 = arith.constant 0 : index
    %get3A_581 = vector.load %arg16[%get3A_579, %get3A_580] : memref<1x1xf32, #tpu.memory_space<vmem>>, vector<1x1xf32>
    %get3A_582 = vector.extract %get3A_581[0, 0] : f32 from vector<1x1xf32>
    %add3A_583 = vector.broadcast %get3A_582 : f32 to vector<128xf32>
    %add3A_584 = arith.addf %reduce_sum3A_578, %add3A_583 : vector<128xf32>
    %swap3A_585 = arith.constant 0 : index
    %swap3A_586 = arith.constant 0 : index
    %swap3A_587 = arith.constant 0 : index
    %swap3A_588 = vector.load %arg17[%swap3A_585, %swap3A_586, %swap3A_587] : memref<1x1x512xf32, #tpu.memory_space<vmem>>, vector<1x1x128xf32>
    %swap3A_589 = vector.shape_cast %swap3A_588 : vector<1x1x128xf32> to vector<128xf32>
    %swap3A_590 = vector.shape_cast %add3A_584 : vector<128xf32> to vector<1x1x128xf32>
    tpu.vector_store %arg17[%swap3A_585, %swap3A_586, %swap3A_587], %swap3A_590 {strides = array<i32>} : memref<1x1x512xf32, #tpu.memory_space<vmem>>, vector<1x1x128xf32>,
    %get3A_591 = arith.constant 128 : index
    %get3A_592 = arith.constant 0 : index
    %get3A_593 = vector.load %arg19[%get3A_591, %get3A_592] : memref<514x1024xf32, #tpu.memory_space<vmem>>, vector<130x1024xf32>
    %convert_element_type3A_594 = arith.truncf %get3A_593 : vector<130x1024xf32> to vector<130x1024xbf16>
    %mul3A_595 = arith.constant 8.000000e+00 : f32
    %mul3A_596 = vector.broadcast %mul3A_595 : f32 to vector<130x1024xf32>
    %mul3A_597 = arith.mulf %get3A_593, %mul3A_596 : vector<130x1024xf32>
    %convert_element_type3A_598 = arith.truncf %mul3A_597 : vector<130x1024xf32> to vector<130x1024xf8E4M3FN>
    %convert_element_type3A_599 = arith.extf %convert_element_type3A_594 : vector<130x1024xbf16> to vector<130x1024xf32>
    %sub3A_600 = arith.subf %get3A_593, %convert_element_type3A_599 : vector<130x1024xf32>
    %mul3A_601 = arith.constant 5.120000e+02 : f32
    %mul3A_602 = vector.broadcast %mul3A_601 : f32 to vector<130x1024xf32>
    %mul3A_603 = arith.mulf %sub3A_600, %mul3A_602 : vector<130x1024xf32>
    %convert_element_type3A_604 = arith.truncf %mul3A_603 : vector<130x1024xf32> to vector<130x1024xf8E4M3FN>
    %slice3A_605 = vector.extract_strided_slice %convert_element_type3A_594 {offsets = [0, 0], sizes = [128, 1024], strides = [1, 1]} : vector<130x1024xbf16> to vector<128x1024xbf16>
    %slice3A_606 = vector.extract_strided_slice %convert_element_type3A_594 {offsets = [1, 0], sizes = [128, 1024], strides = [1, 1]} : vector<130x1024xbf16> to vector<128x1024xbf16>
    %slice3A_607 = vector.extract_strided_slice %convert_element_type3A_594 {offsets = [2, 0], sizes = [128, 1024], strides = [1, 1]} : vector<130x1024xbf16> to vector<128x1024xbf16>
    %concatenate3A_608 = tpu.concatenate %slice3A_605, %slice3A_606, %slice3A_607 in 1 : vector<128x1024xbf16>, vector<128x1024xbf16>, vector<128x1024xbf16> -> vector<128x3072xbf16>
    %get3A_609 = arith.constant 0 : index
    %get3A_610 = arith.constant 0 : index
    %get3A_611 = vector.load %arg6[%get3A_609, %get3A_610] : memref<3072x1024xbf16, #tpu.memory_space<vmem>>, vector<3072x1024xbf16>
    %dot_general3A_612 = arith.constant dense<0.000000e+00> : vector<128x1024xf32>
    %dot_general3A_613 = tpu.matmul %concatenate3A_608, %get3A_611, %dot_general3A_612 {dimension_numbers = #tpu.dot_dimension_numbers<[1], [0], [0], [1], [0, 0, 1, 1], [], []>, transpose_lhs_hint = false} : vector<128x3072xbf16>, vector<3072x1024xbf16>, vector<128x1024xf32> -> vector<128x1024xf32>
    %slice3A_614 = vector.extract_strided_slice %convert_element_type3A_598 {offsets = [0, 0], sizes = [128, 1024], strides = [1, 1]} : vector<130x1024xf8E4M3FN> to vector<128x1024xf8E4M3FN>
    %slice3A_615 = vector.extract_strided_slice %convert_element_type3A_598 {offsets = [1, 0], sizes = [128, 1024], strides = [1, 1]} : vector<130x1024xf8E4M3FN> to vector<128x1024xf8E4M3FN>
    %slice3A_616 = vector.extract_strided_slice %convert_element_type3A_598 {offsets = [2, 0], sizes = [128, 1024], strides = [1, 1]} : vector<130x1024xf8E4M3FN> to vector<128x1024xf8E4M3FN>
    %concatenate3A_617 = tpu.concatenate %slice3A_614, %slice3A_615, %slice3A_616 in 1 : vector<128x1024xf8E4M3FN>, vector<128x1024xf8E4M3FN>, vector<128x1024xf8E4M3FN> -> vector<128x3072xf8E4M3FN>
    %get3A_618 = arith.constant 0 : index
    %get3A_619 = arith.constant 0 : index
    %get3A_620 = vector.load %arg7[%get3A_618, %get3A_619] : memref<3072x1024xf8E4M3FN, #tpu.memory_space<vmem>>, vector<3072x1024xf8E4M3FN>
    %dot_general3A_621 = arith.constant dense<0.000000e+00> : vector<128x1024xf32>
    %dot_general3A_622 = tpu.matmul %concatenate3A_617, %get3A_620, %dot_general3A_621 {dimension_numbers = #tpu.dot_dimension_numbers<[1], [0], [0], [1], [0, 0, 1, 1], [], []>, transpose_lhs_hint = false} : vector<128x3072xf8E4M3FN>, vector<3072x1024xf8E4M3FN>, vector<128x1024xf32> -> vector<128x1024xf32>
    %mul3A_623 = arith.constant 2.98023224E-8 : f32
    %mul3A_624 = vector.broadcast %mul3A_623 : f32 to vector<128x1024xf32>
    %mul3A_625 = arith.mulf %dot_general3A_622, %mul3A_624 : vector<128x1024xf32>
    %add3A_626 = arith.addf %dot_general3A_613, %mul3A_625 : vector<128x1024xf32>
    %slice3A_627 = vector.extract_strided_slice %convert_element_type3A_604 {offsets = [0, 0], sizes = [128, 1024], strides = [1, 1]} : vector<130x1024xf8E4M3FN> to vector<128x1024xf8E4M3FN>
    %slice3A_628 = vector.extract_strided_slice %convert_element_type3A_604 {offsets = [1, 0], sizes = [128, 1024], strides = [1, 1]} : vector<130x1024xf8E4M3FN> to vector<128x1024xf8E4M3FN>
    %slice3A_629 = vector.extract_strided_slice %convert_element_type3A_604 {offsets = [2, 0], sizes = [128, 1024], strides = [1, 1]} : vector<130x1024xf8E4M3FN> to vector<128x1024xf8E4M3FN>
    %concatenate3A_630 = tpu.concatenate %slice3A_627, %slice3A_628, %slice3A_629 in 1 : vector<128x1024xf8E4M3FN>, vector<128x1024xf8E4M3FN>, vector<128x1024xf8E4M3FN> -> vector<128x3072xf8E4M3FN>
    %get3A_631 = arith.constant 0 : index
    %get3A_632 = arith.constant 0 : index
    %get3A_633 = vector.load %arg8[%get3A_631, %get3A_632] : memref<3072x1024xf8E4M3FN, #tpu.memory_space<vmem>>, vector<3072x1024xf8E4M3FN>
    %dot_general3A_634 = arith.constant dense<0.000000e+00> : vector<128x1024xf32>
    %dot_general3A_635 = tpu.matmul %concatenate3A_630, %get3A_633, %dot_general3A_634 {dimension_numbers = #tpu.dot_dimension_numbers<[1], [0], [0], [1], [0, 0, 1, 1], [], []>, transpose_lhs_hint = false} : vector<128x3072xf8E4M3FN>, vector<3072x1024xf8E4M3FN>, vector<128x1024xf32> -> vector<128x1024xf32>
    %mul3A_636 = arith.constant 2.38418579E-7 : f32
    %mul3A_637 = vector.broadcast %mul3A_636 : f32 to vector<128x1024xf32>
    %mul3A_638 = arith.mulf %dot_general3A_635, %mul3A_637 : vector<128x1024xf32>
    %add3A_639 = arith.addf %add3A_626, %mul3A_638 : vector<128x1024xf32>
    %get3A_640 = arith.constant 0 : index
    %get3A_641 = arith.constant 0 : index
    %get3A_642 = vector.load %arg12[%get3A_640, %get3A_641] : memref<1x1024xf32, #tpu.memory_space<vmem>>, vector<1x1024xf32>
    %add3A_643 = vector.broadcast %get3A_642 : vector<1x1024xf32> to vector<128x1024xf32>
    %add3A_644 = arith.addf %add3A_639, %add3A_643 : vector<128x1024xf32>
    %max3A_645 = arith.constant 0.000000e+00 : f32
    %max3A_646 = vector.broadcast %max3A_645 : f32 to vector<128x1024xf32>
    %max3A_647 = arith.maximumf %add3A_644, %max3A_646 : vector<128x1024xf32>
    %get3A_648 = arith.constant 0 : index
    %get3A_649 = arith.constant 0 : index
    %get3A_650 = vector.load %arg13[%get3A_648, %get3A_649] : memref<1x1024xf32, #tpu.memory_space<vmem>>, vector<1x1024xf32>
    %get3A_651 = arith.constant 0 : index
    %get3A_652 = arith.constant 0 : index
    %get3A_653 = vector.load %arg14[%get3A_651, %get3A_652] : memref<1x1024xf32, #tpu.memory_space<vmem>>, vector<1x1024xf32>
    %reduce_sum3A_654 = arith.constant dense<0.000000e+00> : vector<128xf32>
    %reduce_sum3A_655 = vector.multi_reduction <add>, %max3A_647, %reduce_sum3A_654 [1] : vector<128x1024xf32> to vector<128xf32>
    %broadcast_in_dim3A_656 = vector.shape_cast %reduce_sum3A_655 : vector<128xf32> to vector<128x1xf32>
    %div3A_657 = arith.constant 1.024000e+03 : f32
    %div3A_658 = vector.broadcast %div3A_657 : f32 to vector<128x1xf32>
    %div3A_659 = arith.divf %broadcast_in_dim3A_656, %div3A_658 : vector<128x1xf32>
    %sub3A_660 = vector.broadcast %div3A_659 : vector<128x1xf32> to vector<128x1024xf32>
    %sub3A_661 = arith.subf %max3A_647, %sub3A_660 : vector<128x1024xf32>
    %integer_pow3A_662 = arith.mulf %sub3A_661, %sub3A_661 : vector<128x1024xf32>
    %reduce_sum3A_663 = arith.constant dense<0.000000e+00> : vector<128xf32>
    %reduce_sum3A_664 = vector.multi_reduction <add>, %integer_pow3A_662, %reduce_sum3A_663 [1] : vector<128x1024xf32> to vector<128xf32>
    %broadcast_in_dim3A_665 = vector.shape_cast %reduce_sum3A_664 : vector<128xf32> to vector<128x1xf32>
    %div3A_666 = arith.constant 1.024000e+03 : f32
    %div3A_667 = vector.broadcast %div3A_666 : f32 to vector<128x1xf32>
    %div3A_668 = arith.divf %broadcast_in_dim3A_665, %div3A_667 : vector<128x1xf32>
    %sub3A_669 = vector.broadcast %div3A_659 : vector<128x1xf32> to vector<128x1024xf32>
    %sub3A_670 = arith.subf %max3A_647, %sub3A_669 : vector<128x1024xf32>
    %add3A_671 = arith.constant 9.99999974E-6 : f32
    %add3A_672 = vector.broadcast %add3A_671 : f32 to vector<128x1xf32>
    %add3A_673 = arith.addf %div3A_668, %add3A_672 : vector<128x1xf32>
    %rsqrt3A_674 = math.rsqrt %add3A_673 : vector<128x1xf32>
    %mul3A_675 = vector.broadcast %rsqrt3A_674 : vector<128x1xf32> to vector<128x1024xf32>
    %mul3A_676 = arith.mulf %sub3A_670, %mul3A_675 : vector<128x1024xf32>
    %mul3A_677 = vector.broadcast %get3A_650 : vector<1x1024xf32> to vector<128x1024xf32>
    %mul3A_678 = arith.mulf %mul3A_676, %mul3A_677 : vector<128x1024xf32>
    %add3A_679 = vector.broadcast %get3A_653 : vector<1x1024xf32> to vector<128x1024xf32>
    %add3A_680 = arith.addf %mul3A_678, %add3A_679 : vector<128x1024xf32>
    %get3A_681 = arith.constant 0 : index
    %get3A_682 = arith.constant 0 : index
    %get3A_683 = vector.load %arg15[%get3A_681, %get3A_682] : memref<1x1024xf32, #tpu.memory_space<vmem>>, vector<1x1024xf32>
    %mul3A_684 = vector.broadcast %get3A_683 : vector<1x1024xf32> to vector<128x1024xf32>
    %mul3A_685 = arith.mulf %add3A_680, %mul3A_684 : vector<128x1024xf32>
    %reduce_sum3A_686 = arith.constant dense<0.000000e+00> : vector<128xf32>
    %reduce_sum3A_687 = vector.multi_reduction <add>, %mul3A_685, %reduce_sum3A_686 [1] : vector<128x1024xf32> to vector<128xf32>
    %get3A_688 = arith.constant 0 : index
    %get3A_689 = arith.constant 0 : index
    %get3A_690 = vector.load %arg16[%get3A_688, %get3A_689] : memref<1x1xf32, #tpu.memory_space<vmem>>, vector<1x1xf32>
    %get3A_691 = vector.extract %get3A_690[0, 0] : f32 from vector<1x1xf32>
    %add3A_692 = vector.broadcast %get3A_691 : f32 to vector<128xf32>
    %add3A_693 = arith.addf %reduce_sum3A_687, %add3A_692 : vector<128xf32>
    %swap3A_694 = arith.constant 0 : index
    %swap3A_695 = arith.constant 0 : index
    %swap3A_696 = arith.constant 128 : index
    %swap3A_697 = vector.load %arg17[%swap3A_694, %swap3A_695, %swap3A_696] : memref<1x1x512xf32, #tpu.memory_space<vmem>>, vector<1x1x128xf32>
    %swap3A_698 = vector.shape_cast %swap3A_697 : vector<1x1x128xf32> to vector<128xf32>
    %swap3A_699 = vector.shape_cast %add3A_693 : vector<128xf32> to vector<1x1x128xf32>
    tpu.vector_store %arg17[%swap3A_694, %swap3A_695, %swap3A_696], %swap3A_699 {strides = array<i32>} : memref<1x1x512xf32, #tpu.memory_space<vmem>>, vector<1x1x128xf32>,
    %get3A_700 = arith.constant 256 : index
    %get3A_701 = arith.constant 0 : index
    %get3A_702 = vector.load %arg19[%get3A_700, %get3A_701] : memref<514x1024xf32, #tpu.memory_space<vmem>>, vector<130x1024xf32>
    %convert_element_type3A_703 = arith.truncf %get3A_702 : vector<130x1024xf32> to vector<130x1024xbf16>
    %mul3A_704 = arith.constant 8.000000e+00 : f32
    %mul3A_705 = vector.broadcast %mul3A_704 : f32 to vector<130x1024xf32>
    %mul3A_706 = arith.mulf %get3A_702, %mul3A_705 : vector<130x1024xf32>
    %convert_element_type3A_707 = arith.truncf %mul3A_706 : vector<130x1024xf32> to vector<130x1024xf8E4M3FN>
    %convert_element_type3A_708 = arith.extf %convert_element_type3A_703 : vector<130x1024xbf16> to vector<130x1024xf32>
    %sub3A_709 = arith.subf %get3A_702, %convert_element_type3A_708 : vector<130x1024xf32>
    %mul3A_710 = arith.constant 5.120000e+02 : f32
    %mul3A_711 = vector.broadcast %mul3A_710 : f32 to vector<130x1024xf32>
    %mul3A_712 = arith.mulf %sub3A_709, %mul3A_711 : vector<130x1024xf32>
    %convert_element_type3A_713 = arith.truncf %mul3A_712 : vector<130x1024xf32> to vector<130x1024xf8E4M3FN>
    %slice3A_714 = vector.extract_strided_slice %convert_element_type3A_703 {offsets = [0, 0], sizes = [128, 1024], strides = [1, 1]} : vector<130x1024xbf16> to vector<128x1024xbf16>
    %slice3A_715 = vector.extract_strided_slice %convert_element_type3A_703 {offsets = [1, 0], sizes = [128, 1024], strides = [1, 1]} : vector<130x1024xbf16> to vector<128x1024xbf16>
    %slice3A_716 = vector.extract_strided_slice %convert_element_type3A_703 {offsets = [2, 0], sizes = [128, 1024], strides = [1, 1]} : vector<130x1024xbf16> to vector<128x1024xbf16>
    %concatenate3A_717 = tpu.concatenate %slice3A_714, %slice3A_715, %slice3A_716 in 1 : vector<128x1024xbf16>, vector<128x1024xbf16>, vector<128x1024xbf16> -> vector<128x3072xbf16>
    %get3A_718 = arith.constant 0 : index
    %get3A_719 = arith.constant 0 : index
    %get3A_720 = vector.load %arg6[%get3A_718, %get3A_719] : memref<3072x1024xbf16, #tpu.memory_space<vmem>>, vector<3072x1024xbf16>
    %dot_general3A_721 = arith.constant dense<0.000000e+00> : vector<128x1024xf32>
    %dot_general3A_722 = tpu.matmul %concatenate3A_717, %get3A_720, %dot_general3A_721 {dimension_numbers = #tpu.dot_dimension_numbers<[1], [0], [0], [1], [0, 0, 1, 1], [], []>, transpose_lhs_hint = false} : vector<128x3072xbf16>, vector<3072x1024xbf16>, vector<128x1024xf32> -> vector<128x1024xf32>
    %slice3A_723 = vector.extract_strided_slice %convert_element_type3A_707 {offsets = [0, 0], sizes = [128, 1024], strides = [1, 1]} : vector<130x1024xf8E4M3FN> to vector<128x1024xf8E4M3FN>
    %slice3A_724 = vector.extract_strided_slice %convert_element_type3A_707 {offsets = [1, 0], sizes = [128, 1024], strides = [1, 1]} : vector<130x1024xf8E4M3FN> to vector<128x1024xf8E4M3FN>
    %slice3A_725 = vector.extract_strided_slice %convert_element_type3A_707 {offsets = [2, 0], sizes = [128, 1024], strides = [1, 1]} : vector<130x1024xf8E4M3FN> to vector<128x1024xf8E4M3FN>
    %concatenate3A_726 = tpu.concatenate %slice3A_723, %slice3A_724, %slice3A_725 in 1 : vector<128x1024xf8E4M3FN>, vector<128x1024xf8E4M3FN>, vector<128x1024xf8E4M3FN> -> vector<128x3072xf8E4M3FN>
    %get3A_727 = arith.constant 0 : index
    %get3A_728 = arith.constant 0 : index
    %get3A_729 = vector.load %arg7[%get3A_727, %get3A_728] : memref<3072x1024xf8E4M3FN, #tpu.memory_space<vmem>>, vector<3072x1024xf8E4M3FN>
    %dot_general3A_730 = arith.constant dense<0.000000e+00> : vector<128x1024xf32>
    %dot_general3A_731 = tpu.matmul %concatenate3A_726, %get3A_729, %dot_general3A_730 {dimension_numbers = #tpu.dot_dimension_numbers<[1], [0], [0], [1], [0, 0, 1, 1], [], []>, transpose_lhs_hint = false} : vector<128x3072xf8E4M3FN>, vector<3072x1024xf8E4M3FN>, vector<128x1024xf32> -> vector<128x1024xf32>
    %mul3A_732 = arith.constant 2.98023224E-8 : f32
    %mul3A_733 = vector.broadcast %mul3A_732 : f32 to vector<128x1024xf32>
    %mul3A_734 = arith.mulf %dot_general3A_731, %mul3A_733 : vector<128x1024xf32>
    %add3A_735 = arith.addf %dot_general3A_722, %mul3A_734 : vector<128x1024xf32>
    %slice3A_736 = vector.extract_strided_slice %convert_element_type3A_713 {offsets = [0, 0], sizes = [128, 1024], strides = [1, 1]} : vector<130x1024xf8E4M3FN> to vector<128x1024xf8E4M3FN>
    %slice3A_737 = vector.extract_strided_slice %convert_element_type3A_713 {offsets = [1, 0], sizes = [128, 1024], strides = [1, 1]} : vector<130x1024xf8E4M3FN> to vector<128x1024xf8E4M3FN>
    %slice3A_738 = vector.extract_strided_slice %convert_element_type3A_713 {offsets = [2, 0], sizes = [128, 1024], strides = [1, 1]} : vector<130x1024xf8E4M3FN> to vector<128x1024xf8E4M3FN>
    %concatenate3A_739 = tpu.concatenate %slice3A_736, %slice3A_737, %slice3A_738 in 1 : vector<128x1024xf8E4M3FN>, vector<128x1024xf8E4M3FN>, vector<128x1024xf8E4M3FN> -> vector<128x3072xf8E4M3FN>
    %get3A_740 = arith.constant 0 : index
    %get3A_741 = arith.constant 0 : index
    %get3A_742 = vector.load %arg8[%get3A_740, %get3A_741] : memref<3072x1024xf8E4M3FN, #tpu.memory_space<vmem>>, vector<3072x1024xf8E4M3FN>
    %dot_general3A_743 = arith.constant dense<0.000000e+00> : vector<128x1024xf32>
    %dot_general3A_744 = tpu.matmul %concatenate3A_739, %get3A_742, %dot_general3A_743 {dimension_numbers = #tpu.dot_dimension_numbers<[1], [0], [0], [1], [0, 0, 1, 1], [], []>, transpose_lhs_hint = false} : vector<128x3072xf8E4M3FN>, vector<3072x1024xf8E4M3FN>, vector<128x1024xf32> -> vector<128x1024xf32>
    %mul3A_745 = arith.constant 2.38418579E-7 : f32
    %mul3A_746 = vector.broadcast %mul3A_745 : f32 to vector<128x1024xf32>
    %mul3A_747 = arith.mulf %dot_general3A_744, %mul3A_746 : vector<128x1024xf32>
    %add3A_748 = arith.addf %add3A_735, %mul3A_747 : vector<128x1024xf32>
    %get3A_749 = arith.constant 0 : index
    %get3A_750 = arith.constant 0 : index
    %get3A_751 = vector.load %arg12[%get3A_749, %get3A_750] : memref<1x1024xf32, #tpu.memory_space<vmem>>, vector<1x1024xf32>
    %add3A_752 = vector.broadcast %get3A_751 : vector<1x1024xf32> to vector<128x1024xf32>
    %add3A_753 = arith.addf %add3A_748, %add3A_752 : vector<128x1024xf32>
    %max3A_754 = arith.constant 0.000000e+00 : f32
    %max3A_755 = vector.broadcast %max3A_754 : f32 to vector<128x1024xf32>
    %max3A_756 = arith.maximumf %add3A_753, %max3A_755 : vector<128x1024xf32>
    %get3A_757 = arith.constant 0 : index
    %get3A_758 = arith.constant 0 : index
    %get3A_759 = vector.load %arg13[%get3A_757, %get3A_758] : memref<1x1024xf32, #tpu.memory_space<vmem>>, vector<1x1024xf32>
    %get3A_760 = arith.constant 0 : index
    %get3A_761 = arith.constant 0 : index
    %get3A_762 = vector.load %arg14[%get3A_760, %get3A_761] : memref<1x1024xf32, #tpu.memory_space<vmem>>, vector<1x1024xf32>
    %reduce_sum3A_763 = arith.constant dense<0.000000e+00> : vector<128xf32>
    %reduce_sum3A_764 = vector.multi_reduction <add>, %max3A_756, %reduce_sum3A_763 [1] : vector<128x1024xf32> to vector<128xf32>
    %broadcast_in_dim3A_765 = vector.shape_cast %reduce_sum3A_764 : vector<128xf32> to vector<128x1xf32>
    %div3A_766 = arith.constant 1.024000e+03 : f32
    %div3A_767 = vector.broadcast %div3A_766 : f32 to vector<128x1xf32>
    %div3A_768 = arith.divf %broadcast_in_dim3A_765, %div3A_767 : vector<128x1xf32>
    %sub3A_769 = vector.broadcast %div3A_768 : vector<128x1xf32> to vector<128x1024xf32>
    %sub3A_770 = arith.subf %max3A_756, %sub3A_769 : vector<128x1024xf32>
    %integer_pow3A_771 = arith.mulf %sub3A_770, %sub3A_770 : vector<128x1024xf32>
    %reduce_sum3A_772 = arith.constant dense<0.000000e+00> : vector<128xf32>
    %reduce_sum3A_773 = vector.multi_reduction <add>, %integer_pow3A_771, %reduce_sum3A_772 [1] : vector<128x1024xf32> to vector<128xf32>
    %broadcast_in_dim3A_774 = vector.shape_cast %reduce_sum3A_773 : vector<128xf32> to vector<128x1xf32>
    %div3A_775 = arith.constant 1.024000e+03 : f32
    %div3A_776 = vector.broadcast %div3A_775 : f32 to vector<128x1xf32>
    %div3A_777 = arith.divf %broadcast_in_dim3A_774, %div3A_776 : vector<128x1xf32>
    %sub3A_778 = vector.broadcast %div3A_768 : vector<128x1xf32> to vector<128x1024xf32>
    %sub3A_779 = arith.subf %max3A_756, %sub3A_778 : vector<128x1024xf32>
    %add3A_780 = arith.constant 9.99999974E-6 : f32
    %add3A_781 = vector.broadcast %add3A_780 : f32 to vector<128x1xf32>
    %add3A_782 = arith.addf %div3A_777, %add3A_781 : vector<128x1xf32>
    %rsqrt3A_783 = math.rsqrt %add3A_782 : vector<128x1xf32>
    %mul3A_784 = vector.broadcast %rsqrt3A_783 : vector<128x1xf32> to vector<128x1024xf32>
    %mul3A_785 = arith.mulf %sub3A_779, %mul3A_784 : vector<128x1024xf32>
    %mul3A_786 = vector.broadcast %get3A_759 : vector<1x1024xf32> to vector<128x1024xf32>
    %mul3A_787 = arith.mulf %mul3A_785, %mul3A_786 : vector<128x1024xf32>
    %add3A_788 = vector.broadcast %get3A_762 : vector<1x1024xf32> to vector<128x1024xf32>
    %add3A_789 = arith.addf %mul3A_787, %add3A_788 : vector<128x1024xf32>
    %get3A_790 = arith.constant 0 : index
    %get3A_791 = arith.constant 0 : index
    %get3A_792 = vector.load %arg15[%get3A_790, %get3A_791] : memref<1x1024xf32, #tpu.memory_space<vmem>>, vector<1x1024xf32>
    %mul3A_793 = vector.broadcast %get3A_792 : vector<1x1024xf32> to vector<128x1024xf32>
    %mul3A_794 = arith.mulf %add3A_789, %mul3A_793 : vector<128x1024xf32>
    %reduce_sum3A_795 = arith.constant dense<0.000000e+00> : vector<128xf32>
    %reduce_sum3A_796 = vector.multi_reduction <add>, %mul3A_794, %reduce_sum3A_795 [1] : vector<128x1024xf32> to vector<128xf32>
    %get3A_797 = arith.constant 0 : index
    %get3A_798 = arith.constant 0 : index
    %get3A_799 = vector.load %arg16[%get3A_797, %get3A_798] : memref<1x1xf32, #tpu.memory_space<vmem>>, vector<1x1xf32>
    %get3A_800 = vector.extract %get3A_799[0, 0] : f32 from vector<1x1xf32>
    %add3A_801 = vector.broadcast %get3A_800 : f32 to vector<128xf32>
    %add3A_802 = arith.addf %reduce_sum3A_796, %add3A_801 : vector<128xf32>
    %swap3A_803 = arith.constant 0 : index
    %swap3A_804 = arith.constant 0 : index
    %swap3A_805 = arith.constant 256 : index
    %swap3A_806 = vector.load %arg17[%swap3A_803, %swap3A_804, %swap3A_805] : memref<1x1x512xf32, #tpu.memory_space<vmem>>, vector<1x1x128xf32>
    %swap3A_807 = vector.shape_cast %swap3A_806 : vector<1x1x128xf32> to vector<128xf32>
    %swap3A_808 = vector.shape_cast %add3A_802 : vector<128xf32> to vector<1x1x128xf32>
    tpu.vector_store %arg17[%swap3A_803, %swap3A_804, %swap3A_805], %swap3A_808 {strides = array<i32>} : memref<1x1x512xf32, #tpu.memory_space<vmem>>, vector<1x1x128xf32>,
    %get3A_809 = arith.constant 384 : index
    %get3A_810 = arith.constant 0 : index
    %get3A_811 = vector.load %arg19[%get3A_809, %get3A_810] : memref<514x1024xf32, #tpu.memory_space<vmem>>, vector<130x1024xf32>
    %convert_element_type3A_812 = arith.truncf %get3A_811 : vector<130x1024xf32> to vector<130x1024xbf16>
    %mul3A_813 = arith.constant 8.000000e+00 : f32
    %mul3A_814 = vector.broadcast %mul3A_813 : f32 to vector<130x1024xf32>
    %mul3A_815 = arith.mulf %get3A_811, %mul3A_814 : vector<130x1024xf32>
    %convert_element_type3A_816 = arith.truncf %mul3A_815 : vector<130x1024xf32> to vector<130x1024xf8E4M3FN>
    %convert_element_type3A_817 = arith.extf %convert_element_type3A_812 : vector<130x1024xbf16> to vector<130x1024xf32>
    %sub3A_818 = arith.subf %get3A_811, %convert_element_type3A_817 : vector<130x1024xf32>
    %mul3A_819 = arith.constant 5.120000e+02 : f32
    %mul3A_820 = vector.broadcast %mul3A_819 : f32 to vector<130x1024xf32>
    %mul3A_821 = arith.mulf %sub3A_818, %mul3A_820 : vector<130x1024xf32>
    %convert_element_type3A_822 = arith.truncf %mul3A_821 : vector<130x1024xf32> to vector<130x1024xf8E4M3FN>
    %slice3A_823 = vector.extract_strided_slice %convert_element_type3A_812 {offsets = [0, 0], sizes = [128, 1024], strides = [1, 1]} : vector<130x1024xbf16> to vector<128x1024xbf16>
    %slice3A_824 = vector.extract_strided_slice %convert_element_type3A_812 {offsets = [1, 0], sizes = [128, 1024], strides = [1, 1]} : vector<130x1024xbf16> to vector<128x1024xbf16>
    %slice3A_825 = vector.extract_strided_slice %convert_element_type3A_812 {offsets = [2, 0], sizes = [128, 1024], strides = [1, 1]} : vector<130x1024xbf16> to vector<128x1024xbf16>
    %concatenate3A_826 = tpu.concatenate %slice3A_823, %slice3A_824, %slice3A_825 in 1 : vector<128x1024xbf16>, vector<128x1024xbf16>, vector<128x1024xbf16> -> vector<128x3072xbf16>
    %get3A_827 = arith.constant 0 : index
    %get3A_828 = arith.constant 0 : index
    %get3A_829 = vector.load %arg6[%get3A_827, %get3A_828] : memref<3072x1024xbf16, #tpu.memory_space<vmem>>, vector<3072x1024xbf16>
    %dot_general3A_830 = arith.constant dense<0.000000e+00> : vector<128x1024xf32>
    %dot_general3A_831 = tpu.matmul %concatenate3A_826, %get3A_829, %dot_general3A_830 {dimension_numbers = #tpu.dot_dimension_numbers<[1], [0], [0], [1], [0, 0, 1, 1], [], []>, transpose_lhs_hint = false} : vector<128x3072xbf16>, vector<3072x1024xbf16>, vector<128x1024xf32> -> vector<128x1024xf32>
    %slice3A_832 = vector.extract_strided_slice %convert_element_type3A_816 {offsets = [0, 0], sizes = [128, 1024], strides = [1, 1]} : vector<130x1024xf8E4M3FN> to vector<128x1024xf8E4M3FN>
    %slice3A_833 = vector.extract_strided_slice %convert_element_type3A_816 {offsets = [1, 0], sizes = [128, 1024], strides = [1, 1]} : vector<130x1024xf8E4M3FN> to vector<128x1024xf8E4M3FN>
    %slice3A_834 = vector.extract_strided_slice %convert_element_type3A_816 {offsets = [2, 0], sizes = [128, 1024], strides = [1, 1]} : vector<130x1024xf8E4M3FN> to vector<128x1024xf8E4M3FN>
    %concatenate3A_835 = tpu.concatenate %slice3A_832, %slice3A_833, %slice3A_834 in 1 : vector<128x1024xf8E4M3FN>, vector<128x1024xf8E4M3FN>, vector<128x1024xf8E4M3FN> -> vector<128x3072xf8E4M3FN>
    %get3A_836 = arith.constant 0 : index
    %get3A_837 = arith.constant 0 : index
    %get3A_838 = vector.load %arg7[%get3A_836, %get3A_837] : memref<3072x1024xf8E4M3FN, #tpu.memory_space<vmem>>, vector<3072x1024xf8E4M3FN>
    %dot_general3A_839 = arith.constant dense<0.000000e+00> : vector<128x1024xf32>
    %dot_general3A_840 = tpu.matmul %concatenate3A_835, %get3A_838, %dot_general3A_839 {dimension_numbers = #tpu.dot_dimension_numbers<[1], [0], [0], [1], [0, 0, 1, 1], [], []>, transpose_lhs_hint = false} : vector<128x3072xf8E4M3FN>, vector<3072x1024xf8E4M3FN>, vector<128x1024xf32> -> vector<128x1024xf32>
    %mul3A_841 = arith.constant 2.98023224E-8 : f32
    %mul3A_842 = vector.broadcast %mul3A_841 : f32 to vector<128x1024xf32>
    %mul3A_843 = arith.mulf %dot_general3A_840, %mul3A_842 : vector<128x1024xf32>
    %add3A_844 = arith.addf %dot_general3A_831, %mul3A_843 : vector<128x1024xf32>
    %slice3A_845 = vector.extract_strided_slice %convert_element_type3A_822 {offsets = [0, 0], sizes = [128, 1024], strides = [1, 1]} : vector<130x1024xf8E4M3FN> to vector<128x1024xf8E4M3FN>
    %slice3A_846 = vector.extract_strided_slice %convert_element_type3A_822 {offsets = [1, 0], sizes = [128, 1024], strides = [1, 1]} : vector<130x1024xf8E4M3FN> to vector<128x1024xf8E4M3FN>
    %slice3A_847 = vector.extract_strided_slice %convert_element_type3A_822 {offsets = [2, 0], sizes = [128, 1024], strides = [1, 1]} : vector<130x1024xf8E4M3FN> to vector<128x1024xf8E4M3FN>
    %concatenate3A_848 = tpu.concatenate %slice3A_845, %slice3A_846, %slice3A_847 in 1 : vector<128x1024xf8E4M3FN>, vector<128x1024xf8E4M3FN>, vector<128x1024xf8E4M3FN> -> vector<128x3072xf8E4M3FN>
    %get3A_849 = arith.constant 0 : index
    %get3A_850 = arith.constant 0 : index
    %get3A_851 = vector.load %arg8[%get3A_849, %get3A_850] : memref<3072x1024xf8E4M3FN, #tpu.memory_space<vmem>>, vector<3072x1024xf8E4M3FN>
    %dot_general3A_852 = arith.constant dense<0.000000e+00> : vector<128x1024xf32>
    %dot_general3A_853 = tpu.matmul %concatenate3A_848, %get3A_851, %dot_general3A_852 {dimension_numbers = #tpu.dot_dimension_numbers<[1], [0], [0], [1], [0, 0, 1, 1], [], []>, transpose_lhs_hint = false} : vector<128x3072xf8E4M3FN>, vector<3072x1024xf8E4M3FN>, vector<128x1024xf32> -> vector<128x1024xf32>
    %mul3A_854 = arith.constant 2.38418579E-7 : f32
    %mul3A_855 = vector.broadcast %mul3A_854 : f32 to vector<128x1024xf32>
    %mul3A_856 = arith.mulf %dot_general3A_853, %mul3A_855 : vector<128x1024xf32>
    %add3A_857 = arith.addf %add3A_844, %mul3A_856 : vector<128x1024xf32>
    %get3A_858 = arith.constant 0 : index
    %get3A_859 = arith.constant 0 : index
    %get3A_860 = vector.load %arg12[%get3A_858, %get3A_859] : memref<1x1024xf32, #tpu.memory_space<vmem>>, vector<1x1024xf32>
    %add3A_861 = vector.broadcast %get3A_860 : vector<1x1024xf32> to vector<128x1024xf32>
    %add3A_862 = arith.addf %add3A_857, %add3A_861 : vector<128x1024xf32>
    %max3A_863 = arith.constant 0.000000e+00 : f32
    %max3A_864 = vector.broadcast %max3A_863 : f32 to vector<128x1024xf32>
    %max3A_865 = arith.maximumf %add3A_862, %max3A_864 : vector<128x1024xf32>
    %get3A_866 = arith.constant 0 : index
    %get3A_867 = arith.constant 0 : index
    %get3A_868 = vector.load %arg13[%get3A_866, %get3A_867] : memref<1x1024xf32, #tpu.memory_space<vmem>>, vector<1x1024xf32>
    %get3A_869 = arith.constant 0 : index
    %get3A_870 = arith.constant 0 : index
    %get3A_871 = vector.load %arg14[%get3A_869, %get3A_870] : memref<1x1024xf32, #tpu.memory_space<vmem>>, vector<1x1024xf32>
    %reduce_sum3A_872 = arith.constant dense<0.000000e+00> : vector<128xf32>
    %reduce_sum3A_873 = vector.multi_reduction <add>, %max3A_865, %reduce_sum3A_872 [1] : vector<128x1024xf32> to vector<128xf32>
    %broadcast_in_dim3A_874 = vector.shape_cast %reduce_sum3A_873 : vector<128xf32> to vector<128x1xf32>
    %div3A_875 = arith.constant 1.024000e+03 : f32
    %div3A_876 = vector.broadcast %div3A_875 : f32 to vector<128x1xf32>
    %div3A_877 = arith.divf %broadcast_in_dim3A_874, %div3A_876 : vector<128x1xf32>
    %sub3A_878 = vector.broadcast %div3A_877 : vector<128x1xf32> to vector<128x1024xf32>
    %sub3A_879 = arith.subf %max3A_865, %sub3A_878 : vector<128x1024xf32>
    %integer_pow3A_880 = arith.mulf %sub3A_879, %sub3A_879 : vector<128x1024xf32>
    %reduce_sum3A_881 = arith.constant dense<0.000000e+00> : vector<128xf32>
    %reduce_sum3A_882 = vector.multi_reduction <add>, %integer_pow3A_880, %reduce_sum3A_881 [1] : vector<128x1024xf32> to vector<128xf32>
    %broadcast_in_dim3A_883 = vector.shape_cast %reduce_sum3A_882 : vector<128xf32> to vector<128x1xf32>
    %div3A_884 = arith.constant 1.024000e+03 : f32
    %div3A_885 = vector.broadcast %div3A_884 : f32 to vector<128x1xf32>
    %div3A_886 = arith.divf %broadcast_in_dim3A_883, %div3A_885 : vector<128x1xf32>
    %sub3A_887 = vector.broadcast %div3A_877 : vector<128x1xf32> to vector<128x1024xf32>
    %sub3A_888 = arith.subf %max3A_865, %sub3A_887 : vector<128x1024xf32>
    %add3A_889 = arith.constant 9.99999974E-6 : f32
    %add3A_890 = vector.broadcast %add3A_889 : f32 to vector<128x1xf32>
    %add3A_891 = arith.addf %div3A_886, %add3A_890 : vector<128x1xf32>
    %rsqrt3A_892 = math.rsqrt %add3A_891 : vector<128x1xf32>
    %mul3A_893 = vector.broadcast %rsqrt3A_892 : vector<128x1xf32> to vector<128x1024xf32>
    %mul3A_894 = arith.mulf %sub3A_888, %mul3A_893 : vector<128x1024xf32>
    %mul3A_895 = vector.broadcast %get3A_868 : vector<1x1024xf32> to vector<128x1024xf32>
    %mul3A_896 = arith.mulf %mul3A_894, %mul3A_895 : vector<128x1024xf32>
    %add3A_897 = vector.broadcast %get3A_871 : vector<1x1024xf32> to vector<128x1024xf32>
    %add3A_898 = arith.addf %mul3A_896, %add3A_897 : vector<128x1024xf32>
    %get3A_899 = arith.constant 0 : index
    %get3A_900 = arith.constant 0 : index
    %get3A_901 = vector.load %arg15[%get3A_899, %get3A_900] : memref<1x1024xf32, #tpu.memory_space<vmem>>, vector<1x1024xf32>
    %mul3A_902 = vector.broadcast %get3A_901 : vector<1x1024xf32> to vector<128x1024xf32>
    %mul3A_903 = arith.mulf %add3A_898, %mul3A_902 : vector<128x1024xf32>
    %reduce_sum3A_904 = arith.constant dense<0.000000e+00> : vector<128xf32>
    %reduce_sum3A_905 = vector.multi_reduction <add>, %mul3A_903, %reduce_sum3A_904 [1] : vector<128x1024xf32> to vector<128xf32>
    %get3A_906 = arith.constant 0 : index
    %get3A_907 = arith.constant 0 : index
    %get3A_908 = vector.load %arg16[%get3A_906, %get3A_907] : memref<1x1xf32, #tpu.memory_space<vmem>>, vector<1x1xf32>
    %get3A_909 = vector.extract %get3A_908[0, 0] : f32 from vector<1x1xf32>
    %add3A_910 = vector.broadcast %get3A_909 : f32 to vector<128xf32>
    %add3A_911 = arith.addf %reduce_sum3A_905, %add3A_910 : vector<128xf32>
    %swap3A_912 = arith.constant 0 : index
    %swap3A_913 = arith.constant 0 : index
    %swap3A_914 = arith.constant 384 : index
    %swap3A_915 = vector.load %arg17[%swap3A_912, %swap3A_913, %swap3A_914] : memref<1x1x512xf32, #tpu.memory_space<vmem>>, vector<1x1x128xf32>
    %swap3A_916 = vector.shape_cast %swap3A_915 : vector<1x1x128xf32> to vector<128xf32>
    %swap3A_917 = vector.shape_cast %add3A_911 : vector<128xf32> to vector<1x1x128xf32>
    tpu.vector_store %arg17[%swap3A_912, %swap3A_913, %swap3A_914], %swap3A_917 {strides = array<i32>} : memref<1x1x512xf32, #tpu.memory_space<vmem>>, vector<1x1x128xf32>,
    return
  }
  func.func @transform_0(%arg0: i32) -> (i32, i32) {
    %c0_i32 = arith.constant 0 : i32
    %c0_i32_0 = arith.constant 0 : i32
    return %arg0, %c0_i32 : i32, i32
  }
  func.func @transform_1(%arg0: i32) -> (i32, i32, i32) {
    %c0_i32 = arith.constant 0 : i32
    %c0_i32_0 = arith.constant 0 : i32
    %c0_i32_1 = arith.constant 0 : i32
    return %arg0, %c0_i32, %c0_i32_0 : i32, i32, i32
  }
  func.func @transform_2(%arg0: i32) -> (i32, i32) {
    %c0_i32 = arith.constant 0 : i32
    %c0_i32_0 = arith.constant 0 : i32
    %c0_i32_1 = arith.constant 0 : i32
    return %c0_i32, %c0_i32_0 : i32, i32
  }
  func.func @transform_3(%arg0: i32) -> (i32, i32) {
    %c0_i32 = arith.constant 0 : i32
    %c0_i32_0 = arith.constant 0 : i32
    %c0_i32_1 = arith.constant 0 : i32
    return %c0_i32, %c0_i32_0 : i32, i32
  }
  func.func @transform_4(%arg0: i32) -> (i32, i32) {
    %c0_i32 = arith.constant 0 : i32
    %c0_i32_0 = arith.constant 0 : i32
    %c0_i32_1 = arith.constant 0 : i32
    return %c0_i32, %c0_i32_0 : i32, i32
  }
  func.func @transform_5(%arg0: i32) -> (i32, i32) {
    %c0_i32 = arith.constant 0 : i32
    %c0_i32_0 = arith.constant 0 : i32
    %c0_i32_1 = arith.constant 0 : i32
    return %c0_i32, %c0_i32_0 : i32, i32
  }
  func.func @transform_6(%arg0: i32) -> (i32, i32) {
    %c0_i32 = arith.constant 0 : i32
    %c0_i32_0 = arith.constant 0 : i32
    %c0_i32_1 = arith.constant 0 : i32
    return %c0_i32, %c0_i32_0 : i32, i32
  }
  func.func @transform_7(%arg0: i32) -> (i32, i32) {
    %c0_i32 = arith.constant 0 : i32
    %c0_i32_0 = arith.constant 0 : i32
    %c0_i32_1 = arith.constant 0 : i32
    return %c0_i32, %c0_i32_0 : i32, i32
  }
  func.func @transform_8(%arg0: i32) -> (i32, i32) {
    %c0_i32 = arith.constant 0 : i32
    %c0_i32_0 = arith.constant 0 : i32
    %c0_i32_1 = arith.constant 0 : i32
    return %c0_i32, %c0_i32_0 : i32, i32
  }
  func.func @transform_9(%arg0: i32) -> (i32, i32) {
    %c0_i32 = arith.constant 0 : i32
    %c0_i32_0 = arith.constant 0 : i32
    %c0_i32_1 = arith.constant 0 : i32
    return %c0_i32, %c0_i32_0 : i32, i32
  }
  func.func @transform_10(%arg0: i32) -> (i32, i32) {
    %c0_i32 = arith.constant 0 : i32
    %c0_i32_0 = arith.constant 0 : i32
    %c0_i32_1 = arith.constant 0 : i32
    return %c0_i32, %c0_i32_0 : i32, i32
  }
  func.func @transform_11(%arg0: i32) -> (i32, i32) {
    %c0_i32 = arith.constant 0 : i32
    %c0_i32_0 = arith.constant 0 : i32
    %c0_i32_1 = arith.constant 0 : i32
    return %c0_i32, %c0_i32_0 : i32, i32
  }
  func.func @transform_12(%arg0: i32) -> (i32, i32) {
    %c0_i32 = arith.constant 0 : i32
    %c0_i32_0 = arith.constant 0 : i32
    %c0_i32_1 = arith.constant 0 : i32
    return %c0_i32, %c0_i32_0 : i32, i32
  }
  func.func @transform_13(%arg0: i32) -> (i32, i32) {
    %c0_i32 = arith.constant 0 : i32
    %c0_i32_0 = arith.constant 0 : i32
    %c0_i32_1 = arith.constant 0 : i32
    return %c0_i32, %c0_i32_0 : i32, i32
  }
  func.func @transform_14(%arg0: i32) -> (i32, i32) {
    %c0_i32 = arith.constant 0 : i32
    %c0_i32_0 = arith.constant 0 : i32
    %c0_i32_1 = arith.constant 0 : i32
    return %c0_i32, %c0_i32_0 : i32, i32
  }
  func.func @transform_15(%arg0: i32) -> (i32, i32) {
    %c0_i32 = arith.constant 0 : i32
    %c0_i32_0 = arith.constant 0 : i32
    %c0_i32_1 = arith.constant 0 : i32
    return %c0_i32, %c0_i32_0 : i32, i32
  }
  func.func @transform_16(%arg0: i32) -> (i32, i32, i32) {
    %c0_i32 = arith.constant 0 : i32
    %c0_i32_0 = arith.constant 0 : i32
    %c0_i32_1 = arith.constant 0 : i32
    return %arg0, %c0_i32, %c0_i32_0 : i32, i32, i32
  }
}

</mosaic_0001>

<sc_bundles>
// kernel: kernel.5.cloned.1.call-start
scs
__scs_entry_jumppad:
0x0: {  	(pc) =	sbr.rel $0x88, $3  }
0x1: {  	(tag) =	ssettag $0x0;
	lr =	simm.s32 $0x1  }
0x2: {  	[smem:$0x3F93] =	sst lr;
	_ =	strace $0xD0000000  }
0x3: {  	_ = 	snop  }
0x4: {  	_ = 	snop  }
0x5: {  	_ = 	snop  }
0x6: {  	_ = 	snop  }
0x7: {  	_ = 	snop  }
__scs_overlays_trampoline_lowered:
0x8: {  	[smem:$0x3FA2] =	sst s0  }
0x9: {  	[smem:$0x3FA3] =	sst s1  }
0xa: {  	[smem:$0x3FA4] =	sst s2  }
0xb: {  	[smem:$0x3FA5] =	sst s3  }
0xc: {  	[smem:$0x3FA6] =	sst s4  }
0xd: {  	[smem:$0x3FA7] =	sst s5  }
0xe: {  	[smem:$0x3FA8] =	sst s6  }
0xf: {  	[smem:$0x3FA9] =	sst s7  }
0x10: {  	[smem:$0x3FAA] =	sst s8  }
0x11: {  	[smem:$0x3FAB] =	sst s9;
	s0 =	simm.s32 @!p0 $0x0  }
0x12: {  	s1 =	sld [smem:$0x3F91];
	s0 =	simm.s32 @p0 $0x1  }
0x13: {  	[smem:$0x3FAC] =	sst s0;
	s0 =	simm.s32 @!p1 $0x0  }
0x14: {  	s2 =	sld [smem:$0x3F90];
	s0 =	simm.s32 @p1 $0x1  }
0x15: {  	[smem:$0x3FAD] =	sst s0;
	s0 =	simm.s32 @!p2 $0x0  }
0x16: {  	s3 =	sld [smem:$0x3FDB];
	s0 =	simm.s32 @p2 $0x1  }
0x17: {  	s4 =	simm.s32 $0x1BF5;
	[smem:$0x3FAF] =	sst s0  }
0x18: {  	s0 =	sld [smem:$0x3F92];
	_ =	swait.ge [sflag:s4], $0x0  }
0x19: {  	s7 =	sld [smem:$0x3F93]  }
0x1a: {  	s8 =	sadd.s32 $0xFFFFE003, lr  }
0x1b: {  	s9 =	sadd.s32 $0xFFFFFEF7, lr;
	s5 =	simm.s32 $0xFFFFFFFF;
	p2 =	slt.u32 s8, $0xFFFFF086  }
0x1c: {  	p1 =	slt.u32 s9, $0xF7A;
	s5 =	simm.s32 @!p2 $0x0  }
0x1d: {  	s5 =	simm.s32 @p1 $0x1;
	p0 =	seq.s32 s7, s2  }
0x1e: {  	s7 =	smul.u32 @!p0 $0xF7A, s2;
	p2 =	seq.s32 @!p0 s5, $0x0  }
0x1f: {  	s9 =	smul.u32 $0xF7A, s1;
	s8 =	simm.s32 @!p0 $0x1BF5;
	p2 =	por !p2, p0  }
0x20: {  	[sflag:s8] =	ssyncset.s32 @!p0 $0xFFFFF086;
	s6 =	sadd.s32 @!p0 s3, s7;
	s7 =	simm.s32 @!p0 $0x108  }
0x21: {  	s3 =	sadd.s32 s3, s9;
	s6 =	sadd.s32 @!p0 $0x88, s6;
	s7 =	simm.s32 @p2 $0x1082  }
0x22: {  	[simem:s7], [sflag:s8] =	dma.local @!p0 [hbm:s6], $0xF7A  }
0x23: {  	s9 =	sor.u32 $0xD0000000, s2;
	s6 =	simm.s32 $0x108;
	_ =	swait.ge @!p0 [sflag:s8], $0x0  }
0x24: {  	s3 =	sadd.s32 $0x88, s3;
	s6 =	simm.s32 @!p1 $0x1082;
	[sflag:s4] =	ssyncset.s32 $0xFFFFF086  }
0x25: {  	[simem:s6], [sflag:s4] =	dma.local [hbm:s3], $0xF7A  }
0x26: {  	[smem:$0x3F93] =	sst s1;
	(tag) =	ssettag s2;
	_ =	strace s9  }
0x27: {  	s1 =	sld [smem:$0x3FA3]  }
0x28: {  	s2 =	sld [smem:$0x3FA4]  }
0x29: {  	s4 =	sld [smem:$0x3FA6]  }
0x2a: {  	p0 =	seq.s32 s5, $0x0;
	s5 =	sld [smem:$0x3FA7]  }
0x2b: {  	s6 =	sld [smem:$0x3FA8]  }
0x2c: {  	s7 =	sld [smem:$0x3FA9]  }
0x2d: {  	s3 =	simm.s32 $0x108;
	s8 =	sld [smem:$0x3FAA]  }
0x2e: {  	s3 =	simm.s32 @!p0 $0x1082;
	s9 =	sld [smem:$0x3FAB]  }
0x2f: {  	lr =	sadd.s32 s0, s3;
	s0 =	sld [smem:$0x3FA2]  }
0x30: {  	s3 =	sld [smem:$0x3FA5]  }
0x31: {  	[smem:$0x3FAE] =	sst s10  }
0x32: {  	s10 =	sld [smem:$0x3FAC];
	_ =	sdelay $0x3  }
0x33: {  	p0 =	seq.s32 s10, $0x1;
	s10 =	sld [smem:$0x3FAE];
	_ =	sdelay $0x3  }
0x34: {  	[smem:$0x3FAE] =	sst s10  }
0x35: {  	s10 =	sld [smem:$0x3FAD];
	_ =	sdelay $0x3  }
0x36: {  	p1 =	seq.s32 s10, $0x1;
	s10 =	sld [smem:$0x3FAE];
	_ =	sdelay $0x3  }
0x37: {  	[smem:$0x3FAE] =	sst s10  }
0x38: {  	s10 =	sld [smem:$0x3FAF]  }
0x39: {  	_ = 	snop;
	(pc) =	sbr.ind lr, $3  }
0x3a: {  	_ = 	snop  }
0x3b: {  	_ = 	snop  }
0x3c: {  	p2 =	seq.s32 s10, $0x1;
	s10 =	sld [smem:$0x3FAE]  }
0x3d: {  	_ =	shalt  }
0x3e: {  	_ =	shalt  }
0x3f: {  	_ =	shalt  }
0x40: {  	_ =	shalt  }
0x41: {  	_ =	shalt  }
0x42: {  	_ =	shalt  }
0x43: {  	_ =	shalt  }
0x44: {  	_ =	shalt  }
0x45: {  	_ =	shalt  }
0x46: {  	_ =	shalt  }
0x47: {  	_ =	shalt  }
0x48: {  	_ =	shalt  }
0x49: {  	_ =	shalt  }
0x4a: {  	_ =	shalt  }
0x4b: {  	_ =	shalt  }
0x4c: {  	_ =	shalt  }
0x4d: {  	_ =	shalt  }
0x4e: {  	_ =	shalt  }
0x4f: {  	_ =	shalt  }
0x50: {  	_ =	shalt  }
0x51: {  	_ =	shalt  }
0x52: {  	_ =	shalt  }
0x53: {  	_ =	shalt  }
0x54: {  	_ =	shalt  }
0x55: {  	_ =	shalt  }
0x56: {  	_ =	shalt  }
0x57: {  	_ =	shalt  }
0x58: {  	_ =	shalt  }
0x59: {  	_ =	shalt  }
0x5a: {  	_ =	shalt  }
0x5b: {  	_ =	shalt  }
0x5c: {  	_ =	shalt  }
0x5d: {  	_ =	shalt  }
0x5e: {  	_ =	shalt  }
0x5f: {  	_ =	shalt  }
0x60: {  	_ =	shalt  }
0x61: {  	_ =	shalt  }
0x62: {  	_ =	shalt  }
0x63: {  	_ =	shalt  }
0x64: {  	_ =	shalt  }
0x65: {  	_ =	shalt  }
0x66: {  	_ =	shalt  }
0x67: {  	_ =	shalt  }
0x68: {  	_ =	shalt  }
0x69: {  	_ =	shalt  }
0x6a: {  	_ =	shalt  }
0x6b: {  	_ =	shalt  }
0x6c: {  	_ =	shalt  }
0x6d: {  	_ =	shalt  }
0x6e: {  	_ =	shalt  }
0x6f: {  	_ =	shalt  }
0x70: {  	_ =	shalt  }
0x71: {  	_ =	shalt  }
0x72: {  	_ =	shalt  }
0x73: {  	_ =	shalt  }
0x74: {  	_ =	shalt  }
0x75: {  	_ =	shalt  }
0x76: {  	_ =	shalt  }
0x77: {  	_ =	shalt  }
0x78: {  	_ =	shalt  }
0x79: {  	_ =	shalt  }
0x7a: {  	_ =	shalt  }
0x7b: {  	_ =	shalt  }
0x7c: {  	_ =	shalt  }
0x7d: {  	_ =	shalt  }
0x7e: {  	_ =	shalt  }
0x7f: {  	_ =	shalt  }
0x80: {  	_ =	shalt  }
0x81: {  	_ =	shalt  }
0x82: {  	_ =	shalt  }
0x83: {  	_ =	shalt  }
0x84: {  	_ =	shalt  }
0x85: {  	_ =	shalt  }
0x86: {  	_ =	shalt  }
0x87: {  	_ =	shalt  }
.Lfunc_end0:
.L_simem_size_0:
called_computation_lowered:
.L_overlay_start_0:
0x88: {  	s2 =	sld [smem:$0x3FD9]  }
0x89: {  	s3 =	sld [smem:$0x3FFE];
	_ =	sdelay $0x1  }
0x8a: {  	s1 =	srdreg.scid  }
0x8b: {  	s0 =	sand.u32 $0x1, s1  }
0x8c: {  	s14 =	sshll.u32 s0, $0xA;
	s2 =	sadd.s32 s3, s2  }
0x8d: {  	s2 =	sadd.s32 s2, s14  }
0x8e: {  	[smem:$0x3FBA] =	sst s2  }
0x8f: {  	_ = 	snop  }
0x90: {  	s2 =	sld [smem:$0x3FD0];
	_ =	sdelay $0x1  }
0x91: {  	s15 =	sld [smem:$0x3FC7]  }
0x92: {  	s5 =	simm.s32 $0xA;
	s6 =	simm.s32 $0x10;
	s4 =	sld [smem:$0x3FBC]  }
0x93: {  	[smem:s6], [sflag:s5] =	dma.local [hbm:s2], $0x1  }
0x94: {  	_ =	swait.eq [sflag:s5], $0x1  }
0x95: {  	[sflag:s5] =	ssyncset.done $0x0  }
0x96: {  	[sflag:s5] =	ssyncadd.s32 $0xFFFFFFFF  }
0x97: {  	s16 =	sld [smem:$0x10];
	(tm) =	ssettm $0x1  }
0x98: {  	s17 =	sld [smem:$0x3FFB];
	_ =	sdelay $0x3  }
0x99: {  	_ =	strace s17  }
0x9a: {  	s5 =	sld [smem:$0x3FFC];
	_ =	sdelay $0x3  }
0x9b: {  	_ =	strace s5  }
0x9c: {  	s5 =	sld [smem:$0x3FFD];
	_ =	sdelay $0x3  }
0x9d: {  	_ =	strace s5  }
0x9e: {  	_ =	strace $0x8FFFFFFF  }
0x9f: {  	s18 =	sld [smem:$0x3FDB];
	_ =	sdelay $0x1  }
0xa0: {  	s19 =	simm.s32 $_scs_section_size  }
0xa1: {  	s7 =	simm.s32 $_size__tile_overlayer_lowered;
	s8 =	simm.s32 $_tile_overlayer_lowered  }
0xa2: {  	s22 =	simm.s32 $0x1BFF;
	s21 =	sshll.u32 s8, $0x1;
	s5 =	sadd.s32 s19, s18  }
0xa3: {  	s9 =	simm.s32 $0x0;
	s20 =	sshll.u32 s7, $0x1;
	s7 =	sadd.s32 s21, s5  }
0xa4: {  	[timem:s9], [sflag:s22] =	dma.local [hbm:s7], s20  }
0xa5: {  	_ =	swait.ge [sflag:s22], s20  }
0xa6: {  	s6 =	ssub.s32 $0x0, s20;
	[sflag:s22] =	ssyncset.done $0x0  }
0xa7: {  	[sflag:s22] =	ssyncadd.s32 s6;
	_ =	sdelay $0x1  }
0xa8: {  	s23 =	simm.s32 $0x1B8B  }
0xa9: {  	_ =	swait.ge [sflag:s23], $0x1  }
0xaa: {  	[sflag:s23] =	ssyncset.done $0x0  }
0xab: {  	s25 =	simm.s32 $0x1B8E;
	s24 =	sld [smem:$0x3FFE];
	[sflag:s23] =	ssyncadd.s32 $0xFFFFFFFF  }
0xac: {  	s26 =	simm.s32 $execute0_lowered;
	[smem:$0x3FD2] =	sst s25  }
0xad: {  	s7 =	sshll.u32 s26, $0x1;
	_ =	strace $0x80000046;
	[dreg:$0x1] =	wrdreg $0xFFFFFFFF  }
0xae: {  	s28 =	simm.s32 $_size_execute0_lowered;
	s5 =	sadd.s32 s5, s7;
	[dreg:$0x0] =	wrdreg $0x0  }
0xaf: {  	s7 =	sshll.u32 s28, $0x1;
	[dreg:$0x2] =	wrdreg s5  }
0xb0: {  	[dreg:$0x3] =	wrdreg s7  }
0xb1: {  	[dreg:$0x4] =	wrdreg $0xC0  }
0xb2: {  	_ =	task [dreg:s9], $0x5FFFF  }
0xb3: {  	[dreg:$0x1] =	wrdreg $0xFFFFFFFF  }
0xb4: {  	[dreg:$0x0] =	wrdreg $0x60  }
0xb5: {  	[dreg:$0x2] =	wrdreg s24  }
0xb6: {  	[dreg:$0x3] =	wrdreg s4  }
0xb7: {  	[dreg:$0x4] =	wrdreg s15  }
0xb8: {  	[dreg:$0x5] =	wrdreg s16  }
0xb9: {  	[dreg:$0x6] =	wrdreg $0x9  }
0xba: {  	_ =	task.clear_ibuf [dreg:s9], $0x7FFFF;
	_ =	strace $0x90000046  }
0xbb: {  	s29 =	simm.s32 $0x9;
	_ =	strace $0x80000048  }
0xbc: {  	_ =	swait.ge [sflag:s29], $0x1  }
0xbd: {  	[sflag:s29] =	ssyncadd.s32 $0xFFFFFFFF  }
0xbe: {  	_ =	strace $0x90000048  }
0xbf: {  	_ =	sfence  }
0xc0: {  	s30 =	sld [smem:$0x0];
	_ =	sdelay $0x2  }
0xc1: {  	s31 =	sshll.u32 s1, $0xD;
	s1 =	sshrl.u32 s1, $0x2  }
0xc2: {  	s3 =	sand.u32 $0x4000, s31;
	s1 =	sadd.s32 s1, s30  }
0xc3: {  	s0 =	sor.u32 s3, s0;
	s1 =	sshll.u32 s1, $0x11  }
0xc4: {  	s0 =	sor.u32 s1, s0  }
0xc5: {  	s0 =	sadd.s32 $0x8F2B, s0  }
0xc6: {  	[sflag:s0] =	ssyncadd.remote.s32 $0x1  }
0xc7: {  	_ =	sfence.sel $0xFFFF  }
0xc8: {  	[dreg:$0x0] =	wrdreg $0xFFFFFFFF;
	(pc) =	sbr.abs _section_cstart, $3  }
0xc9: {  	[dreg:$0x1] =	wrdreg $0xFFFFFFFF  }
0xca: {  	_ =	task.clear_ibuf [dreg:s9], $0x2FFFF;
	_ =	strace $0x9FFFFFFF  }
0xcb: {  	(tm) =	ssettm $0x7FFFFFFF  }
tec
execute0_lowered:
.L_overlay_start_1:
0x0: {  	(tag) =	ssettag $0x1  }
0x1: {  	s0 =	rddreg [dreg:$0x0]  }
0x2: {  	s1 =	srdreg.scid;
	s3 =	rddreg [dreg:$0x2]  }
0x3: {  	s4 =	stileid.u32;
	s2 =	rddreg [dreg:$0x3];
	s1 =	sand.u32 $0x1, s1  }
0x4: {  	s5 =	sshll.u32 s4, $0xA;
	s6 =	sshll.u32 s1, $0x9;
	s1 =	ssub.s32 $0x2, s1  }
0x5: {  	s4 =	simm.s32 $0x0;
	s5 =	sor.u32 s6, s5;
	s13 =	sshrl.u32 s1, $0x1  }
0x6: {  	[smem:$0x7FF] =	sst s4;
	s6 =	sshrl.u32 s5, $0x3;
	s1 =	ssub.s32 s1, s13  }
0x7: {  	_ =	strace $0x80000047;
	s0 =	sadd.s32 s6, s0;
	s31 =	smax.u32 s1, $0x1  }
0x8: {  	s14 =	sshll.u32 s5, $0x7;
	s0 =	sadd.s32 $0x1E00, s0;
	[dreg:$0x16] =	wrdreg s31  }
0x9: {  	[dreg:$0x5] =	wrdreg s0;
	s0 =	sadd.s32 s2, s14  }
0xa: {  	s2 =	sadd.s32 $0x1000, s0;
	[dreg:$0x6] =	wrdreg s0  }
0xb: {  	s15 =	sadd.s32 $0x2000, s0;
	[dreg:$0x7] =	wrdreg s2  }
0xc: {  	s16 =	sadd.s32 $0x3000, s0;
	[dreg:$0x8] =	wrdreg s15  }
0xd: {  	s17 =	sadd.s32 $0x4000, s0;
	[dreg:$0x9] =	wrdreg s16  }
0xe: {  	s18 =	sadd.s32 $0x5000, s0;
	[dreg:$0xa] =	wrdreg s17  }
0xf: {  	s19 =	sadd.s32 $0x6000, s0;
	[dreg:$0xb] =	wrdreg s18  }
0x10: {  	s20 =	sadd.s32 $0x7000, s0;
	[dreg:$0xc] =	wrdreg s19  }
0x11: {  	s21 =	sadd.s32 $0x8000, s0;
	[dreg:$0xd] =	wrdreg s20  }
0x12: {  	s22 =	sadd.s32 $0x9000, s0;
	[dreg:$0xe] =	wrdreg s21  }
0x13: {  	s23 =	sadd.s32 $0xA000, s0;
	[dreg:$0xf] =	wrdreg s22  }
0x14: {  	s28 =	simm.s32 $0x200;
	s24 =	sadd.s32 $0xB000, s0;
	[dreg:$0x10] =	wrdreg s23  }
0x15: {  	s29 =	simm.s32 $0x500;
	s25 =	sadd.s32 $0xC000, s0;
	[dreg:$0x11] =	wrdreg s24  }
0x16: {  	v0 =	vimm.s32 $0x7F;
	s12 =	simm.s32 $0x1;
	s26 =	sadd.s32 $0xD000, s0;
	[dreg:$0x12] =	wrdreg s25  }
0x17: {  	s7 =	sadd.s32 $0x200, s3;
	s30 =	sadd.s32 $0xE000, s0;
	[dreg:$0x13] =	wrdreg s26  }
0x18: {  	v4 =	vlaneseq.u32;
	s9 =	sadd.s32 $0x300, s3;
	s0 =	sadd.s32 $0xF000, s0;
	[dreg:$0x14] =	wrdreg s30  }
0x19: {  	v1 =	vimm.s32 $0x0;
	vm0 =	vmmov $0xffff;
	v3 =	vshrl.u32 v4, $0x3;
	s13 =	simm.s32 $0x2;
	s6 =	sadd.s32 $0x100, s3;
	[dreg:$0x15] =	wrdreg s0  }
0x1a: {  	v2 =	vand.u32 $0x7, v4;
	v4 =	vor.u32 $0x8, v4;
	v3 =	vmul.u32 $0x8, v3;
	s26 =	simm.s32 $0x3;
	s19 =	simm.s32 $0x8500;
	s25 =	simm.s32 $0x0  }
.LBB2_1:
0x1b: {  	s15 =	rddreg [dreg:$0x5]  }
0x1c: {  	[tilespmem:s4], [sflag:$0x3] =	stream.linear.gather [hbm4b:s15+s4], $0x200, $0x38;
	[tilespmem:$0x10500] =	vst v63  }
0x1d: {  	_ =	swait.ge [sflag:s26], $0x200  }
0x1e: {  	[sflag:s26] =	ssyncset.done $0x0  }
0x1f: {  	[sflag:s26] =	ssyncadd.s32 $0xFFFFFE00  }
0x20: {  	s31 =	rddreg [dreg:$0x1]  }
0x21: {  	[tilespmem:s28], [sflag:$0x3] =	stream.linear.gather [hbm4b:s31+s4], $0x100, $0x38;
	[tilespmem:$0x10500] =	vst v63  }
0x22: {  	_ =	swait.ge [sflag:s26], $0x100  }
0x23: {  	[sflag:s26] =	ssyncset.done $0x0  }
0x24: {  	s15 =	simm.s32 $0x0;
	[sflag:s26] =	ssyncadd.s32 $0xFFFFFF00  }
.LBB2_2:
0x25: {  	s16 =	sshra.s32 s15, $0x2;
	v6 =	vld.idx.msk [tilespmem:v0+s28+$0x0], $0xffff  }
0x26: {  	v5 =	vld [tilespmem:s16+$0x0];
	_ =	sdelay $0x4  }
0x27: {  	vm1 =	vlt.f32 v6, v5  }
0x28: {  	v6 =	vsel vm1, $0x80, v1  }
0x29: {  	v7 =	vor.u32 $0x3F, v6;
	_ =	sdelay $0x4  }
0x2a: {  	v7 =	vld.idx.msk [tilespmem:v7+s28+$0x0], $0xffff;
	_ =	sdelay $0x4  }
0x2b: {  	v8 =	vor.u32 $0x40, v6;
	vm1 =	vlt.f32 v7, v5  }
0x2c: {  	v7 =	vsel vm1, v8, v6  }
0x2d: {  	v8 =	vand.u32 $0x40, v7  }
0x2e: {  	v6 =	vor.u32 v8, v6  }
0x2f: {  	v6 =	vor.u32 $0x1F, v6;
	_ =	sdelay $0x4  }
0x30: {  	v6 =	vld.idx.msk [tilespmem:v6+s28+$0x0], $0xffff;
	_ =	sdelay $0x4  }
0x31: {  	v63 =	vor.u32 $0x20, v7;
	vm1 =	vlt.f32 v6, v5  }
0x32: {  	v6 =	vsel vm1, v63, v7  }
0x33: {  	v7 =	vor.u32 $0xF, v6;
	_ =	sdelay $0x4  }
0x34: {  	v7 =	vld.idx.msk [tilespmem:v7+s28+$0x0], $0xffff;
	_ =	sdelay $0x4  }
0x35: {  	v8 =	vor.u32 $0x10, v6;
	vm1 =	vlt.f32 v7, v5  }
0x36: {  	v6 =	vsel vm1, v8, v6  }
0x37: {  	v7 =	vadd.s32 $0x7, v6;
	_ =	sdelay $0x4  }
0x38: {  	v7 =	vld.idx.msk [tilespmem:v7+s28+$0x0], $0xffff;
	_ =	sdelay $0x4  }
0x39: {  	v8 =	vadd.s32 $0x8, v6;
	vm1 =	vlt.f32 v7, v5  }
0x3a: {  	v6 =	vsel vm1, v8, v6  }
0x3b: {  	v7 =	vadd.s32 $0x3, v6;
	_ =	sdelay $0x4  }
0x3c: {  	v7 =	vld.idx.msk [tilespmem:v7+s28+$0x0], $0xffff;
	_ =	sdelay $0x4  }
0x3d: {  	v8 =	vadd.s32 $0x4, v6;
	vm1 =	vlt.f32 v7, v5  }
0x3e: {  	v6 =	vsel vm1, v8, v6  }
0x3f: {  	v7 =	vadd.s32 $0x1, v6;
	_ =	sdelay $0x4  }
0x40: {  	v7 =	vld.idx.msk [tilespmem:v7+s28+$0x0], $0xffff;
	_ =	sdelay $0x4  }
0x41: {  	v8 =	vadd.s32 $0x2, v6;
	vm1 =	vlt.f32 v7, v5  }
0x42: {  	v6 =	vsel vm1, v8, v6;
	_ =	sdelay $0x4  }
0x43: {  	v7 =	vld.idx.msk [tilespmem:v6+s28+$0x0], $0xffff;
	_ =	sdelay $0x3  }
0x44: {  	p0 =	sne.s32 s15, $0x7C0  }
.Ltmp0:
0x45: {  	vm1 =	vlt.f32 v7, v5;
	(pc) =	sbr.rel @p0 .LBB2_2-.Ltmp0, $4  }
0x46: {  	v5 =	vsel vm1, $0x1, v1  }
0x47: {  	v5 =	vadd.s32 v5, v6  }
0x48: {  	v5 =	vmin.u32 v5, $0xFF  }
0x49: {  	s15 =	sadd.s32 $0x40, s15;
	[tilespmem:s16+$0x300] =	vst v5  }
0x4a: {  	v5 =	vld [tilespmem:$0x300];
	_ =	sdelay $0x4  }
0x4b: {  	v6 =	vshll.u32 v5, $0x3  }
0x4c: {  	v5 =	vand.u32 $0x7, v5;
	v6 =	vand.u32 $0xFFFFFFC0, v6  }
0x4d: {  	v5 =	vor.u32 v5, v6  }
0x4e: {  	v6 =	vperm.xlane v5, v2;
	_ =	sdelay $0x1  }
0x4f: {  	v6 =	vadd.s32 v3, v6;
	_ =	sdelay $0x4  }
0x50: {  	[tilespmem:s29], [sflag:$0x1] =	stream.indirect_vreg.gather [hbm4b:s3+s4], $0x80, v6, vm0, $0xb8;
	[tilespmem:$0x10500] =	vst v63  }
0x51: {  	s0 =	simm.s32 $0xD00;
	v5 =	vperm.xlane v5, v4  }
0x52: {  	[tilespmem:s0], [sflag:$0x1] =	stream.indirect_vreg.gather [hbm4b:s6+s4], $0x80, v6, vm0, $0xb8;
	[tilespmem:$0x10500] =	vst v63  }
0x53: {  	s8 =	simm.s32 $0x1500;
	v5 =	vadd.s32 v3, v5  }
0x54: {  	[tilespmem:s8], [sflag:$0x1] =	stream.indirect_vreg.gather [hbm4b:s7+s4], $0x80, v6, vm0, $0xb8;
	[tilespmem:$0x10500] =	vst v63  }
0x55: {  	s10 =	simm.s32 $0x1D00  }
0x56: {  	[tilespmem:s10], [sflag:$0x1] =	stream.indirect_vreg.gather [hbm4b:s9+s4], $0x80, v6, vm0, $0xb8;
	[tilespmem:$0x10500] =	vst v63  }
0x57: {  	s11 =	simm.s32 $0x2500  }
0x58: {  	[tilespmem:s11], [sflag:$0x1] =	stream.indirect_vreg.gather [hbm4b:s3+s4], $0x80, v5, vm0, $0xb8;
	[tilespmem:$0x10500] =	vst v63  }
0x59: {  	s14 =	simm.s32 $0x2D00  }
0x5a: {  	[tilespmem:s14], [sflag:$0x1] =	stream.indirect_vreg.gather [hbm4b:s6+s4], $0x80, v5, vm0, $0xb8;
	[tilespmem:$0x10500] =	vst v63  }
0x5b: {  	s15 =	simm.s32 $0x3500  }
0x5c: {  	[tilespmem:s15], [sflag:$0x1] =	stream.indirect_vreg.gather [hbm4b:s7+s4], $0x80, v5, vm0, $0xb8;
	[tilespmem:$0x10500] =	vst v63  }
0x5d: {  	s16 =	simm.s32 $0x3D00  }
0x5e: {  	[tilespmem:s16], [sflag:$0x1] =	stream.indirect_vreg.gather [hbm4b:s9+s4], $0x80, v5, vm0, $0xb8;
	[tilespmem:$0x10500] =	vst v63  }
0x5f: {  	v5 =	vld [tilespmem:$0x310];
	_ =	sdelay $0x4  }
0x60: {  	v6 =	vshll.u32 v5, $0x3  }
0x61: {  	v5 =	vand.u32 $0x7, v5;
	v6 =	vand.u32 $0xFFFFFFC0, v6  }
0x62: {  	v5 =	vor.u32 v5, v6  }
0x63: {  	v6 =	vperm.xlane v5, v2;
	_ =	sdelay $0x1  }
0x64: {  	v6 =	vadd.s32 v3, v6;
	_ =	sdelay $0x3  }
0x65: {  	s17 =	simm.s32 $0x4500  }
0x66: {  	[tilespmem:s17], [sflag:$0x1] =	stream.indirect_vreg.gather [hbm4b:s3+s4], $0x80, v6, vm0, $0xb8;
	[tilespmem:$0x10500] =	vst v63  }
0x67: {  	s18 =	simm.s32 $0x4D00;
	v5 =	vperm.xlane v5, v4  }
0x68: {  	[tilespmem:s18], [sflag:$0x1] =	stream.indirect_vreg.gather [hbm4b:s6+s4], $0x80, v6, vm0, $0xb8;
	[tilespmem:$0x10500] =	vst v63  }
0x69: {  	s20 =	simm.s32 $0x5500;
	v5 =	vadd.s32 v3, v5  }
0x6a: {  	[tilespmem:s20], [sflag:$0x1] =	stream.indirect_vreg.gather [hbm4b:s7+s4], $0x80, v6, vm0, $0xb8;
	[tilespmem:$0x10500] =	vst v63  }
0x6b: {  	s21 =	simm.s32 $0x5D00  }
0x6c: {  	[tilespmem:s21], [sflag:$0x1] =	stream.indirect_vreg.gather [hbm4b:s9+s4], $0x80, v6, vm0, $0xb8;
	[tilespmem:$0x10500] =	vst v63  }
0x6d: {  	s22 =	simm.s32 $0x6500  }
0x6e: {  	[tilespmem:s22], [sflag:$0x1] =	stream.indirect_vreg.gather [hbm4b:s3+s4], $0x80, v5, vm0, $0xb8;
	[tilespmem:$0x10500] =	vst v63  }
0x6f: {  	s23 =	simm.s32 $0x6D00  }
0x70: {  	[tilespmem:s23], [sflag:$0x1] =	stream.indirect_vreg.gather [hbm4b:s6+s4], $0x80, v5, vm0, $0xb8;
	[tilespmem:$0x10500] =	vst v63  }
0x71: {  	s24 =	simm.s32 $0x7500  }
0x72: {  	[tilespmem:s24], [sflag:$0x1] =	stream.indirect_vreg.gather [hbm4b:s7+s4], $0x80, v5, vm0, $0xb8;
	[tilespmem:$0x10500] =	vst v63  }
0x73: {  	s30 =	simm.s32 $0x7D00  }
0x74: {  	[tilespmem:s30], [sflag:$0x1] =	stream.indirect_vreg.gather [hbm4b:s9+s4], $0x80, v5, vm0, $0xb8;
	[tilespmem:$0x10500] =	vst v63  }
0x75: {  	v5 =	vld [tilespmem:$0x320];
	_ =	sdelay $0x4  }
0x76: {  	v6 =	vshll.u32 v5, $0x3  }
0x77: {  	v5 =	vand.u32 $0x7, v5;
	v6 =	vand.u32 $0xFFFFFFC0, v6  }
0x78: {  	v5 =	vor.u32 v5, v6  }
0x79: {  	v6 =	vperm.xlane v5, v2;
	_ =	sdelay $0x1  }
0x7a: {  	v6 =	vadd.s32 v3, v6;
	_ =	sdelay $0x4  }
0x7b: {  	[tilespmem:s19], [sflag:$0x2] =	stream.indirect_vreg.gather [hbm4b:s3+s4], $0x80, v6, vm0, $0xb8;
	[tilespmem:$0x10500] =	vst v63  }
0x7c: {  	s31 =	simm.s32 $0x8D00;
	v5 =	vperm.xlane v5, v4  }
0x7d: {  	[tilespmem:s31], [sflag:$0x2] =	stream.indirect_vreg.gather [hbm4b:s6+s4], $0x80, v6, vm0, $0xb8;
	[tilespmem:$0x10500] =	vst v63  }
0x7e: {  	s5 =	simm.s32 $0x9500;
	v5 =	vadd.s32 v3, v5  }
0x7f: {  	[tilespmem:s5], [sflag:$0x2] =	stream.indirect_vreg.gather [hbm4b:s7+s4], $0x80, v6, vm0, $0xb8;
	[tilespmem:$0x10500] =	vst v63  }
0x80: {  	s8 =	simm.s32 $0x9D00  }
0x81: {  	[tilespmem:s8], [sflag:$0x2] =	stream.indirect_vreg.gather [hbm4b:s9+s4], $0x80, v6, vm0, $0xb8;
	[tilespmem:$0x10500] =	vst v63  }
0x82: {  	s15 =	simm.s32 $0xA500  }
0x83: {  	[tilespmem:s15], [sflag:$0x2] =	stream.indirect_vreg.gather [hbm4b:s3+s4], $0x80, v5, vm0, $0xb8;
	[tilespmem:$0x10500] =	vst v63  }
0x84: {  	s14 =	simm.s32 $0xAD00  }
0x85: {  	[tilespmem:s14], [sflag:$0x2] =	stream.indirect_vreg.gather [hbm4b:s6+s4], $0x80, v5, vm0, $0xb8;
	[tilespmem:$0x10500] =	vst v63  }
0x86: {  	s17 =	simm.s32 $0xB500  }
0x87: {  	[tilespmem:s17], [sflag:$0x2] =	stream.indirect_vreg.gather [hbm4b:s7+s4], $0x80, v5, vm0, $0xb8;
	[tilespmem:$0x10500] =	vst v63  }
0x88: {  	s20 =	simm.s32 $0xBD00  }
0x89: {  	[tilespmem:s20], [sflag:$0x2] =	stream.indirect_vreg.gather [hbm4b:s9+s4], $0x80, v5, vm0, $0xb8;
	[tilespmem:$0x10500] =	vst v63  }
0x8a: {  	v5 =	vld [tilespmem:$0x330];
	_ =	sdelay $0x4  }
0x8b: {  	v6 =	vshll.u32 v5, $0x3  }
0x8c: {  	v5 =	vand.u32 $0x7, v5;
	v6 =	vand.u32 $0xFFFFFFC0, v6  }
0x8d: {  	v5 =	vor.u32 v5, v6  }
0x8e: {  	v6 =	vperm.xlane v5, v2;
	_ =	sdelay $0x1  }
0x8f: {  	v6 =	vadd.s32 v3, v6;
	_ =	sdelay $0x3  }
0x90: {  	s21 =	simm.s32 $0xC500  }
0x91: {  	[tilespmem:s21], [sflag:$0x2] =	stream.indirect_vreg.gather [hbm4b:s3+s4], $0x80, v6, vm0, $0xb8;
	[tilespmem:$0x10500] =	vst v63  }
0x92: {  	s22 =	simm.s32 $0xCD00;
	v5 =	vperm.xlane v5, v4  }
0x93: {  	[tilespmem:s22], [sflag:$0x2] =	stream.indirect_vreg.gather [hbm4b:s6+s4], $0x80, v6, vm0, $0xb8;
	[tilespmem:$0x10500] =	vst v63  }
0x94: {  	s0 =	simm.s32 $0xD500;
	v5 =	vadd.s32 v3, v5  }
0x95: {  	[tilespmem:s0], [sflag:$0x2] =	stream.indirect_vreg.gather [hbm4b:s7+s4], $0x80, v6, vm0, $0xb8;
	[tilespmem:$0x10500] =	vst v63  }
0x96: {  	s5 =	simm.s32 $0xDD00  }
0x97: {  	[tilespmem:s5], [sflag:$0x2] =	stream.indirect_vreg.gather [hbm4b:s9+s4], $0x80, v6, vm0, $0xb8;
	[tilespmem:$0x10500] =	vst v63  }
0x98: {  	s8 =	simm.s32 $0xE500  }
0x99: {  	[tilespmem:s8], [sflag:$0x2] =	stream.indirect_vreg.gather [hbm4b:s3+s4], $0x80, v5, vm0, $0xb8;
	[tilespmem:$0x10500] =	vst v63  }
0x9a: {  	s14 =	simm.s32 $0xED00  }
0x9b: {  	[tilespmem:s14], [sflag:$0x2] =	stream.indirect_vreg.gather [hbm4b:s6+s4], $0x80, v5, vm0, $0xb8;
	[tilespmem:$0x10500] =	vst v63  }
0x9c: {  	s17 =	simm.s32 $0xF500  }
0x9d: {  	[tilespmem:s17], [sflag:$0x2] =	stream.indirect_vreg.gather [hbm4b:s7+s4], $0x80, v5, vm0, $0xb8;
	[tilespmem:$0x10500] =	vst v63  }
0x9e: {  	s22 =	simm.s32 $0xFD00  }
0x9f: {  	[tilespmem:s22], [sflag:$0x2] =	stream.indirect_vreg.gather [hbm4b:s9+s4], $0x80, v5, vm0, $0xb8;
	[tilespmem:$0x10500] =	vst v63  }
0xa0: {  	_ =	swait.ge [sflag:s12], $0x8000  }
0xa1: {  	[sflag:s12] =	ssyncset.done $0x0  }
0xa2: {  	s0 =	rddreg [dreg:$0x6];
	[sflag:s12] =	ssyncadd.s32 $0xFFFF8000  }
0xa3: {  	[hbm4b:s0+s4] =	stream.linear.scatter [tilespmem:s29], [sflag:$0x3], $0x8000, $0x38;
	[tilespmem:$0x10500] =	vst v63  }
0xa4: {  	_ =	swait.ge [sflag:s26], $0x8000  }
0xa5: {  	[sflag:s26] =	ssyncset.done $0x0  }
0xa6: {  	[sflag:s26] =	ssyncadd.s32 $0xFFFF8000  }
0xa7: {  	v5 =	vld [tilespmem:$0x340];
	_ =	sdelay $0x4  }
0xa8: {  	v6 =	vshll.u32 v5, $0x3  }
0xa9: {  	v5 =	vand.u32 $0x7, v5;
	v6 =	vand.u32 $0xFFFFFFC0, v6  }
0xaa: {  	v5 =	vor.u32 v5, v6  }
0xab: {  	v6 =	vperm.xlane v5, v2;
	_ =	sdelay $0x1  }
0xac: {  	v6 =	vadd.s32 v3, v6;
	_ =	sdelay $0x4  }
0xad: {  	[tilespmem:s29], [sflag:$0x1] =	stream.indirect_vreg.gather [hbm4b:s3+s4], $0x80, v6, vm0, $0xb8;
	[tilespmem:$0x10500] =	vst v63  }
0xae: {  	s2 =	simm.s32 $0xD00;
	v5 =	vperm.xlane v5, v4  }
0xaf: {  	[tilespmem:s2], [sflag:$0x1] =	stream.indirect_vreg.gather [hbm4b:s6+s4], $0x80, v6, vm0, $0xb8;
	[tilespmem:$0x10500] =	vst v63  }
0xb0: {  	s1 =	simm.s32 $0x1500;
	v5 =	vadd.s32 v3, v5  }
0xb1: {  	[tilespmem:s1], [sflag:$0x1] =	stream.indirect_vreg.gather [hbm4b:s7+s4], $0x80, v6, vm0, $0xb8;
	[tilespmem:$0x10500] =	vst v63  }
0xb2: {  	s14 =	simm.s32 $0x1D00  }
0xb3: {  	[tilespmem:s14], [sflag:$0x1] =	stream.indirect_vreg.gather [hbm4b:s9+s4], $0x80, v6, vm0, $0xb8;
	[tilespmem:$0x10500] =	vst v63  }
0xb4: {  	s2 =	simm.s32 $0x2500  }
0xb5: {  	[tilespmem:s2], [sflag:$0x1] =	stream.indirect_vreg.gather [hbm4b:s3+s4], $0x80, v5, vm0, $0xb8;
	[tilespmem:$0x10500] =	vst v63  }
0xb6: {  	s5 =	simm.s32 $0x2D00  }
0xb7: {  	[tilespmem:s5], [sflag:$0x1] =	stream.indirect_vreg.gather [hbm4b:s6+s4], $0x80, v5, vm0, $0xb8;
	[tilespmem:$0x10500] =	vst v63  }
0xb8: {  	s8 =	simm.s32 $0x3500  }
0xb9: {  	[tilespmem:s8], [sflag:$0x1] =	stream.indirect_vreg.gather [hbm4b:s7+s4], $0x80, v5, vm0, $0xb8;
	[tilespmem:$0x10500] =	vst v63  }
0xba: {  	s10 =	simm.s32 $0x3D00  }
0xbb: {  	[tilespmem:s10], [sflag:$0x1] =	stream.indirect_vreg.gather [hbm4b:s9+s4], $0x80, v5, vm0, $0xb8;
	[tilespmem:$0x10500] =	vst v63  }
0xbc: {  	v5 =	vld [tilespmem:$0x350];
	_ =	sdelay $0x4  }
0xbd: {  	v6 =	vshll.u32 v5, $0x3  }
0xbe: {  	v5 =	vand.u32 $0x7, v5;
	v6 =	vand.u32 $0xFFFFFFC0, v6  }
0xbf: {  	v5 =	vor.u32 v5, v6  }
0xc0: {  	v6 =	vperm.xlane v5, v2;
	_ =	sdelay $0x1  }
0xc1: {  	v6 =	vadd.s32 v3, v6;
	_ =	sdelay $0x3  }
0xc2: {  	s17 =	simm.s32 $0x4500  }
0xc3: {  	[tilespmem:s17], [sflag:$0x1] =	stream.indirect_vreg.gather [hbm4b:s3+s4], $0x80, v6, vm0, $0xb8;
	[tilespmem:$0x10500] =	vst v63  }
0xc4: {  	s18 =	simm.s32 $0x4D00;
	v5 =	vperm.xlane v5, v4  }
0xc5: {  	[tilespmem:s18], [sflag:$0x1] =	stream.indirect_vreg.gather [hbm4b:s6+s4], $0x80, v6, vm0, $0xb8;
	[tilespmem:$0x10500] =	vst v63  }
0xc6: {  	s10 =	simm.s32 $0x5500;
	v5 =	vadd.s32 v3, v5  }
0xc7: {  	[tilespmem:s10], [sflag:$0x1] =	stream.indirect_vreg.gather [hbm4b:s7+s4], $0x80, v6, vm0, $0xb8;
	[tilespmem:$0x10500] =	vst v63  }
0xc8: {  	s11 =	simm.s32 $0x5D00  }
0xc9: {  	[tilespmem:s11], [sflag:$0x1] =	stream.indirect_vreg.gather [hbm4b:s9+s4], $0x80, v6, vm0, $0xb8;
	[tilespmem:$0x10500] =	vst v63  }
0xca: {  	s16 =	simm.s32 $0x6500  }
0xcb: {  	[tilespmem:s16], [sflag:$0x1] =	stream.indirect_vreg.gather [hbm4b:s3+s4], $0x80, v5, vm0, $0xb8;
	[tilespmem:$0x10500] =	vst v63  }
0xcc: {  	s11 =	simm.s32 $0x6D00  }
0xcd: {  	[tilespmem:s11], [sflag:$0x1] =	stream.indirect_vreg.gather [hbm4b:s6+s4], $0x80, v5, vm0, $0xb8;
	[tilespmem:$0x10500] =	vst v63  }
0xce: {  	s16 =	simm.s32 $0x7500  }
0xcf: {  	[tilespmem:s16], [sflag:$0x1] =	stream.indirect_vreg.gather [hbm4b:s7+s4], $0x80, v5, vm0, $0xb8;
	[tilespmem:$0x10500] =	vst v63  }
0xd0: {  	s18 =	simm.s32 $0x7D00  }
0xd1: {  	[tilespmem:s18], [sflag:$0x1] =	stream.indirect_vreg.gather [hbm4b:s9+s4], $0x80, v5, vm0, $0xb8;
	[tilespmem:$0x10500] =	vst v63  }
0xd2: {  	_ =	swait.ge [sflag:s13], $0x8000  }
0xd3: {  	[sflag:s13] =	ssyncset.done $0x0  }
0xd4: {  	s1 =	rddreg [dreg:$0x7];
	[sflag:s13] =	ssyncadd.s32 $0xFFFF8000  }
0xd5: {  	[hbm4b:s1+s4] =	stream.linear.scatter [tilespmem:s19], [sflag:$0x3], $0x8000, $0x38;
	[tilespmem:$0x10500] =	vst v63  }
0xd6: {  	_ =	swait.ge [sflag:s26], $0x8000  }
0xd7: {  	[sflag:s26] =	ssyncset.done $0x0  }
0xd8: {  	[sflag:s26] =	ssyncadd.s32 $0xFFFF8000  }
0xd9: {  	v5 =	vld [tilespmem:$0x360];
	_ =	sdelay $0x4  }
0xda: {  	v6 =	vshll.u32 v5, $0x3  }
0xdb: {  	v5 =	vand.u32 $0x7, v5;
	v6 =	vand.u32 $0xFFFFFFC0, v6  }
0xdc: {  	v5 =	vor.u32 v5, v6  }
0xdd: {  	v6 =	vperm.xlane v5, v2;
	_ =	sdelay $0x1  }
0xde: {  	v6 =	vadd.s32 v3, v6;
	_ =	sdelay $0x4  }
0xdf: {  	[tilespmem:s19], [sflag:$0x2] =	stream.indirect_vreg.gather [hbm4b:s3+s4], $0x80, v6, vm0, $0xb8;
	[tilespmem:$0x10500] =	vst v63  }
0xe0: {  	s1 =	simm.s32 $0x8D00;
	v5 =	vperm.xlane v5, v4  }
0xe1: {  	[tilespmem:s1], [sflag:$0x2] =	stream.indirect_vreg.gather [hbm4b:s6+s4], $0x80, v6, vm0, $0xb8;
	[tilespmem:$0x10500] =	vst v63  }
0xe2: {  	s0 =	simm.s32 $0x9500;
	v5 =	vadd.s32 v3, v5  }
0xe3: {  	[tilespmem:s0], [sflag:$0x2] =	stream.indirect_vreg.gather [hbm4b:s7+s4], $0x80, v6, vm0, $0xb8;
	[tilespmem:$0x10500] =	vst v63  }
0xe4: {  	s15 =	simm.s32 $0x9D00  }
0xe5: {  	[tilespmem:s15], [sflag:$0x2] =	stream.indirect_vreg.gather [hbm4b:s9+s4], $0x80, v6, vm0, $0xb8;
	[tilespmem:$0x10500] =	vst v63  }
0xe6: {  	s24 =	simm.s32 $0xA500  }
0xe7: {  	[tilespmem:s24], [sflag:$0x2] =	stream.indirect_vreg.gather [hbm4b:s3+s4], $0x80, v5, vm0, $0xb8;
	[tilespmem:$0x10500] =	vst v63  }
0xe8: {  	s30 =	simm.s32 $0xAD00  }
0xe9: {  	[tilespmem:s30], [sflag:$0x2] =	stream.indirect_vreg.gather [hbm4b:s6+s4], $0x80, v5, vm0, $0xb8;
	[tilespmem:$0x10500] =	vst v63  }
0xea: {  	s31 =	simm.s32 $0xB500  }
0xeb: {  	[tilespmem:s31], [sflag:$0x2] =	stream.indirect_vreg.gather [hbm4b:s7+s4], $0x80, v5, vm0, $0xb8;
	[tilespmem:$0x10500] =	vst v63  }
0xec: {  	s23 =	simm.s32 $0xBD00  }
0xed: {  	[tilespmem:s23], [sflag:$0x2] =	stream.indirect_vreg.gather [hbm4b:s9+s4], $0x80, v5, vm0, $0xb8;
	[tilespmem:$0x10500] =	vst v63  }
0xee: {  	v5 =	vld [tilespmem:$0x370];
	_ =	sdelay $0x4  }
0xef: {  	v6 =	vshll.u32 v5, $0x3  }
0xf0: {  	v5 =	vand.u32 $0x7, v5;
	v6 =	vand.u32 $0xFFFFFFC0, v6  }
0xf1: {  	v5 =	vor.u32 v5, v6  }
0xf2: {  	v6 =	vperm.xlane v5, v2;
	_ =	sdelay $0x1  }
0xf3: {  	v6 =	vadd.s32 v3, v6;
	_ =	sdelay $0x3  }
0xf4: {  	s20 =	simm.s32 $0xC500  }
0xf5: {  	[tilespmem:s20], [sflag:$0x2] =	stream.indirect_vreg.gather [hbm4b:s3+s4], $0x80, v6, vm0, $0xb8;
	[tilespmem:$0x10500] =	vst v63  }
0xf6: {  	s21 =	simm.s32 $0xCD00;
	v5 =	vperm.xlane v5, v4  }
0xf7: {  	[tilespmem:s21], [sflag:$0x2] =	stream.indirect_vreg.gather [hbm4b:s6+s4], $0x80, v6, vm0, $0xb8;
	[tilespmem:$0x10500] =	vst v63  }
0xf8: {  	v5 =	vadd.s32 v3, v5;
	s20 =	simm.s32 $0xD500  }
0xf9: {  	[tilespmem:s20], [sflag:$0x2] =	stream.indirect_vreg.gather [hbm4b:s7+s4], $0x80, v6, vm0, $0xb8;
	[tilespmem:$0x10500] =	vst v63  }
0xfa: {  	s21 =	simm.s32 $0xDD00  }
0xfb: {  	[tilespmem:s21], [sflag:$0x2] =	stream.indirect_vreg.gather [hbm4b:s9+s4], $0x80, v6, vm0, $0xb8;
	[tilespmem:$0x10500] =	vst v63  }
0xfc: {  	s23 =	simm.s32 $0xE500  }
0xfd: {  	[tilespmem:s23], [sflag:$0x2] =	stream.indirect_vreg.gather [hbm4b:s3+s4], $0x80, v5, vm0, $0xb8;
	[tilespmem:$0x10500] =	vst v63  }
0xfe: {  	s15 =	simm.s32 $0xED00  }
0xff: {  	[tilespmem:s15], [sflag:$0x2] =	stream.indirect_vreg.gather [hbm4b:s6+s4], $0x80, v5, vm0, $0xb8;
	[tilespmem:$0x10500] =	vst v63  }
0x100: {  	s15 =	simm.s32 $0xF500  }
0x101: {  	[tilespmem:s15], [sflag:$0x2] =	stream.indirect_vreg.gather [hbm4b:s7+s4], $0x80, v5, vm0, $0xb8;
	[tilespmem:$0x10500] =	vst v63  }
0x102: {  	s22 =	simm.s32 $0xFD00  }
0x103: {  	[tilespmem:s22], [sflag:$0x2] =	stream.indirect_vreg.gather [hbm4b:s9+s4], $0x80, v5, vm0, $0xb8;
	[tilespmem:$0x10500] =	vst v63  }
0x104: {  	_ =	swait.ge [sflag:s12], $0x8000  }
0x105: {  	[sflag:s12] =	ssyncset.done $0x0  }
0x106: {  	s15 =	rddreg [dreg:$0x8];
	[sflag:s12] =	ssyncadd.s32 $0xFFFF8000  }
0x107: {  	[hbm4b:s15+s4] =	stream.linear.scatter [tilespmem:s29], [sflag:$0x3], $0x8000, $0x38;
	[tilespmem:$0x10500] =	vst v63  }
0x108: {  	_ =	swait.ge [sflag:s26], $0x8000  }
0x109: {  	[sflag:s26] =	ssyncset.done $0x0  }
0x10a: {  	[sflag:s26] =	ssyncadd.s32 $0xFFFF8000  }
0x10b: {  	v5 =	vld [tilespmem:$0x380];
	_ =	sdelay $0x4  }
0x10c: {  	v6 =	vshll.u32 v5, $0x3  }
0x10d: {  	v5 =	vand.u32 $0x7, v5;
	v6 =	vand.u32 $0xFFFFFFC0, v6  }
0x10e: {  	v5 =	vor.u32 v5, v6  }
0x10f: {  	v6 =	vperm.xlane v5, v2;
	_ =	sdelay $0x1  }
0x110: {  	v6 =	vadd.s32 v3, v6;
	_ =	sdelay $0x4  }
0x111: {  	[tilespmem:s29], [sflag:$0x1] =	stream.indirect_vreg.gather [hbm4b:s3+s4], $0x80, v6, vm0, $0xb8;
	[tilespmem:$0x10500] =	vst v63  }
0x112: {  	s15 =	simm.s32 $0xD00;
	v5 =	vperm.xlane v5, v4  }
0x113: {  	[tilespmem:s15], [sflag:$0x1] =	stream.indirect_vreg.gather [hbm4b:s6+s4], $0x80, v6, vm0, $0xb8;
	[tilespmem:$0x10500] =	vst v63  }
0x114: {  	v5 =	vadd.s32 v3, v5;
	s15 =	simm.s32 $0x1500  }
0x115: {  	[tilespmem:s15], [sflag:$0x1] =	stream.indirect_vreg.gather [hbm4b:s7+s4], $0x80, v6, vm0, $0xb8;
	[tilespmem:$0x10500] =	vst v63  }
0x116: {  	_ = 	snop  }
0x117: {  	[tilespmem:s14], [sflag:$0x1] =	stream.indirect_vreg.gather [hbm4b:s9+s4], $0x80, v6, vm0, $0xb8;
	[tilespmem:$0x10500] =	vst v63  }
0x118: {  	_ = 	snop  }
0x119: {  	[tilespmem:s2], [sflag:$0x1] =	stream.indirect_vreg.gather [hbm4b:s3+s4], $0x80, v5, vm0, $0xb8;
	[tilespmem:$0x10500] =	vst v63  }
0x11a: {  	_ = 	snop  }
0x11b: {  	[tilespmem:s5], [sflag:$0x1] =	stream.indirect_vreg.gather [hbm4b:s6+s4], $0x80, v5, vm0, $0xb8;
	[tilespmem:$0x10500] =	vst v63  }
0x11c: {  	_ = 	snop  }
0x11d: {  	[tilespmem:s8], [sflag:$0x1] =	stream.indirect_vreg.gather [hbm4b:s7+s4], $0x80, v5, vm0, $0xb8;
	[tilespmem:$0x10500] =	vst v63  }
0x11e: {  	s15 =	simm.s32 $0x3D00  }
0x11f: {  	[tilespmem:s15], [sflag:$0x1] =	stream.indirect_vreg.gather [hbm4b:s9+s4], $0x80, v5, vm0, $0xb8;
	[tilespmem:$0x10500] =	vst v63  }
0x120: {  	v5 =	vld [tilespmem:$0x390];
	_ =	sdelay $0x4  }
0x121: {  	v6 =	vshll.u32 v5, $0x3  }
0x122: {  	v5 =	vand.u32 $0x7, v5;
	v6 =	vand.u32 $0xFFFFFFC0, v6  }
0x123: {  	v5 =	vor.u32 v5, v6  }
0x124: {  	v6 =	vperm.xlane v5, v2;
	_ =	sdelay $0x1  }
0x125: {  	v6 =	vadd.s32 v3, v6;
	_ =	sdelay $0x4  }
0x126: {  	[tilespmem:s17], [sflag:$0x1] =	stream.indirect_vreg.gather [hbm4b:s3+s4], $0x80, v6, vm0, $0xb8;
	[tilespmem:$0x10500] =	vst v63  }
0x127: {  	s15 =	simm.s32 $0x4D00;
	v5 =	vperm.xlane v5, v4  }
0x128: {  	[tilespmem:s15], [sflag:$0x1] =	stream.indirect_vreg.gather [hbm4b:s6+s4], $0x80, v6, vm0, $0xb8;
	[tilespmem:$0x10500] =	vst v63  }
0x129: {  	v5 =	vadd.s32 v3, v5  }
0x12a: {  	[tilespmem:s10], [sflag:$0x1] =	stream.indirect_vreg.gather [hbm4b:s7+s4], $0x80, v6, vm0, $0xb8;
	[tilespmem:$0x10500] =	vst v63  }
0x12b: {  	s15 =	simm.s32 $0x5D00  }
0x12c: {  	[tilespmem:s15], [sflag:$0x1] =	stream.indirect_vreg.gather [hbm4b:s9+s4], $0x80, v6, vm0, $0xb8;
	[tilespmem:$0x10500] =	vst v63  }
0x12d: {  	s15 =	simm.s32 $0x6500  }
0x12e: {  	[tilespmem:s15], [sflag:$0x1] =	stream.indirect_vreg.gather [hbm4b:s3+s4], $0x80, v5, vm0, $0xb8;
	[tilespmem:$0x10500] =	vst v63  }
0x12f: {  	_ = 	snop  }
0x130: {  	[tilespmem:s11], [sflag:$0x1] =	stream.indirect_vreg.gather [hbm4b:s6+s4], $0x80, v5, vm0, $0xb8;
	[tilespmem:$0x10500] =	vst v63  }
0x131: {  	_ = 	snop  }
0x132: {  	[tilespmem:s16], [sflag:$0x1] =	stream.indirect_vreg.gather [hbm4b:s7+s4], $0x80, v5, vm0, $0xb8;
	[tilespmem:$0x10500] =	vst v63  }
0x133: {  	_ = 	snop  }
0x134: {  	[tilespmem:s18], [sflag:$0x1] =	stream.indirect_vreg.gather [hbm4b:s9+s4], $0x80, v5, vm0, $0xb8;
	[tilespmem:$0x10500] =	vst v63  }
0x135: {  	_ =	swait.ge [sflag:s13], $0x8000  }
0x136: {  	[sflag:s13] =	ssyncset.done $0x0  }
0x137: {  	s15 =	rddreg [dreg:$0x9];
	[sflag:s13] =	ssyncadd.s32 $0xFFFF8000  }
0x138: {  	[hbm4b:s15+s4] =	stream.linear.scatter [tilespmem:s19], [sflag:$0x3], $0x8000, $0x38;
	[tilespmem:$0x10500] =	vst v63  }
0x139: {  	_ =	swait.ge [sflag:s26], $0x8000  }
0x13a: {  	[sflag:s26] =	ssyncset.done $0x0  }
0x13b: {  	[sflag:s26] =	ssyncadd.s32 $0xFFFF8000  }
0x13c: {  	v5 =	vld [tilespmem:$0x3A0];
	_ =	sdelay $0x4  }
0x13d: {  	v6 =	vshll.u32 v5, $0x3  }
0x13e: {  	v5 =	vand.u32 $0x7, v5;
	v6 =	vand.u32 $0xFFFFFFC0, v6  }
0x13f: {  	v5 =	vor.u32 v5, v6  }
0x140: {  	v6 =	vperm.xlane v5, v2;
	_ =	sdelay $0x1  }
0x141: {  	v6 =	vadd.s32 v3, v6;
	_ =	sdelay $0x4  }
0x142: {  	[tilespmem:s19], [sflag:$0x2] =	stream.indirect_vreg.gather [hbm4b:s3+s4], $0x80, v6, vm0, $0xb8;
	[tilespmem:$0x10500] =	vst v63  }
0x143: {  	v5 =	vperm.xlane v5, v4  }
0x144: {  	[tilespmem:s1], [sflag:$0x2] =	stream.indirect_vreg.gather [hbm4b:s6+s4], $0x80, v6, vm0, $0xb8;
	[tilespmem:$0x10500] =	vst v63  }
0x145: {  	v5 =	vadd.s32 v3, v5  }
0x146: {  	[tilespmem:s0], [sflag:$0x2] =	stream.indirect_vreg.gather [hbm4b:s7+s4], $0x80, v6, vm0, $0xb8;
	[tilespmem:$0x10500] =	vst v63  }
0x147: {  	s15 =	simm.s32 $0x9D00  }
0x148: {  	[tilespmem:s15], [sflag:$0x2] =	stream.indirect_vreg.gather [hbm4b:s9+s4], $0x80, v6, vm0, $0xb8;
	[tilespmem:$0x10500] =	vst v63  }
0x149: {  	s24 =	simm.s32 $0xA500  }
0x14a: {  	[tilespmem:s24], [sflag:$0x2] =	stream.indirect_vreg.gather [hbm4b:s3+s4], $0x80, v5, vm0, $0xb8;
	[tilespmem:$0x10500] =	vst v63  }
0x14b: {  	s30 =	simm.s32 $0xAD00  }
0x14c: {  	[tilespmem:s30], [sflag:$0x2] =	stream.indirect_vreg.gather [hbm4b:s6+s4], $0x80, v5, vm0, $0xb8;
	[tilespmem:$0x10500] =	vst v63  }
0x14d: {  	s31 =	simm.s32 $0xB500  }
0x14e: {  	[tilespmem:s31], [sflag:$0x2] =	stream.indirect_vreg.gather [hbm4b:s7+s4], $0x80, v5, vm0, $0xb8;
	[tilespmem:$0x10500] =	vst v63  }
0x14f: {  	s15 =	simm.s32 $0xBD00  }
0x150: {  	[tilespmem:s15], [sflag:$0x2] =	stream.indirect_vreg.gather [hbm4b:s9+s4], $0x80, v5, vm0, $0xb8;
	[tilespmem:$0x10500] =	vst v63  }
0x151: {  	v5 =	vld [tilespmem:$0x3B0];
	_ =	sdelay $0x4  }
0x152: {  	v6 =	vshll.u32 v5, $0x3  }
0x153: {  	v5 =	vand.u32 $0x7, v5;
	v6 =	vand.u32 $0xFFFFFFC0, v6  }
0x154: {  	v5 =	vor.u32 v5, v6  }
0x155: {  	v6 =	vperm.xlane v5, v2;
	_ =	sdelay $0x1  }
0x156: {  	v6 =	vadd.s32 v3, v6;
	_ =	sdelay $0x3  }
0x157: {  	s15 =	simm.s32 $0xC500  }
0x158: {  	[tilespmem:s15], [sflag:$0x2] =	stream.indirect_vreg.gather [hbm4b:s3+s4], $0x80, v6, vm0, $0xb8;
	[tilespmem:$0x10500] =	vst v63  }
0x159: {  	v5 =	vperm.xlane v5, v4;
	s15 =	simm.s32 $0xCD00  }
0x15a: {  	[tilespmem:s15], [sflag:$0x2] =	stream.indirect_vreg.gather [hbm4b:s6+s4], $0x80, v6, vm0, $0xb8;
	[tilespmem:$0x10500] =	vst v63  }
0x15b: {  	s20 =	simm.s32 $0xD500;
	v5 =	vadd.s32 v3, v5  }
0x15c: {  	[tilespmem:s20], [sflag:$0x2] =	stream.indirect_vreg.gather [hbm4b:s7+s4], $0x80, v6, vm0, $0xb8;
	[tilespmem:$0x10500] =	vst v63  }
0x15d: {  	s21 =	simm.s32 $0xDD00  }
0x15e: {  	[tilespmem:s21], [sflag:$0x2] =	stream.indirect_vreg.gather [hbm4b:s9+s4], $0x80, v6, vm0, $0xb8;
	[tilespmem:$0x10500] =	vst v63  }
0x15f: {  	s23 =	simm.s32 $0xE500  }
0x160: {  	[tilespmem:s23], [sflag:$0x2] =	stream.indirect_vreg.gather [hbm4b:s3+s4], $0x80, v5, vm0, $0xb8;
	[tilespmem:$0x10500] =	vst v63  }
0x161: {  	s15 =	simm.s32 $0xED00  }
0x162: {  	[tilespmem:s15], [sflag:$0x2] =	stream.indirect_vreg.gather [hbm4b:s6+s4], $0x80, v5, vm0, $0xb8;
	[tilespmem:$0x10500] =	vst v63  }
0x163: {  	s15 =	simm.s32 $0xF500  }
0x164: {  	[tilespmem:s15], [sflag:$0x2] =	stream.indirect_vreg.gather [hbm4b:s7+s4], $0x80, v5, vm0, $0xb8;
	[tilespmem:$0x10500] =	vst v63  }
0x165: {  	s22 =	simm.s32 $0xFD00  }
0x166: {  	[tilespmem:s22], [sflag:$0x2] =	stream.indirect_vreg.gather [hbm4b:s9+s4], $0x80, v5, vm0, $0xb8;
	[tilespmem:$0x10500] =	vst v63  }
0x167: {  	_ =	swait.ge [sflag:s12], $0x8000  }
0x168: {  	[sflag:s12] =	ssyncset.done $0x0  }
0x169: {  	s15 =	rddreg [dreg:$0xa];
	[sflag:s12] =	ssyncadd.s32 $0xFFFF8000  }
0x16a: {  	[hbm4b:s15+s4] =	stream.linear.scatter [tilespmem:s29], [sflag:$0x3], $0x8000, $0x38;
	[tilespmem:$0x10500] =	vst v63  }
0x16b: {  	_ =	swait.ge [sflag:s26], $0x8000  }
0x16c: {  	[sflag:s26] =	ssyncset.done $0x0  }
0x16d: {  	[sflag:s26] =	ssyncadd.s32 $0xFFFF8000  }
0x16e: {  	v5 =	vld [tilespmem:$0x3C0];
	_ =	sdelay $0x4  }
0x16f: {  	v6 =	vshll.u32 v5, $0x3  }
0x170: {  	v5 =	vand.u32 $0x7, v5;
	v6 =	vand.u32 $0xFFFFFFC0, v6  }
0x171: {  	v5 =	vor.u32 v5, v6  }
0x172: {  	v6 =	vperm.xlane v5, v2;
	_ =	sdelay $0x1  }
0x173: {  	v6 =	vadd.s32 v3, v6;
	_ =	sdelay $0x4  }
0x174: {  	[tilespmem:s29], [sflag:$0x1] =	stream.indirect_vreg.gather [hbm4b:s3+s4], $0x80, v6, vm0, $0xb8;
	[tilespmem:$0x10500] =	vst v63  }
0x175: {  	s15 =	simm.s32 $0xD00;
	v5 =	vperm.xlane v5, v4  }
0x176: {  	[tilespmem:s15], [sflag:$0x1] =	stream.indirect_vreg.gather [hbm4b:s6+s4], $0x80, v6, vm0, $0xb8;
	[tilespmem:$0x10500] =	vst v63  }
0x177: {  	v5 =	vadd.s32 v3, v5;
	s15 =	simm.s32 $0x1500  }
0x178: {  	[tilespmem:s15], [sflag:$0x1] =	stream.indirect_vreg.gather [hbm4b:s7+s4], $0x80, v6, vm0, $0xb8;
	[tilespmem:$0x10500] =	vst v63  }
0x179: {  	s14 =	simm.s32 $0x1D00  }
0x17a: {  	[tilespmem:s14], [sflag:$0x1] =	stream.indirect_vreg.gather [hbm4b:s9+s4], $0x80, v6, vm0, $0xb8;
	[tilespmem:$0x10500] =	vst v63  }
0x17b: {  	s2 =	simm.s32 $0x2500  }
0x17c: {  	[tilespmem:s2], [sflag:$0x1] =	stream.indirect_vreg.gather [hbm4b:s3+s4], $0x80, v5, vm0, $0xb8;
	[tilespmem:$0x10500] =	vst v63  }
0x17d: {  	s5 =	simm.s32 $0x2D00  }
0x17e: {  	[tilespmem:s5], [sflag:$0x1] =	stream.indirect_vreg.gather [hbm4b:s6+s4], $0x80, v5, vm0, $0xb8;
	[tilespmem:$0x10500] =	vst v63  }
0x17f: {  	s8 =	simm.s32 $0x3500  }
0x180: {  	[tilespmem:s8], [sflag:$0x1] =	stream.indirect_vreg.gather [hbm4b:s7+s4], $0x80, v5, vm0, $0xb8;
	[tilespmem:$0x10500] =	vst v63  }
0x181: {  	s15 =	simm.s32 $0x3D00  }
0x182: {  	[tilespmem:s15], [sflag:$0x1] =	stream.indirect_vreg.gather [hbm4b:s9+s4], $0x80, v5, vm0, $0xb8;
	[tilespmem:$0x10500] =	vst v63  }
0x183: {  	v5 =	vld [tilespmem:$0x3D0];
	_ =	sdelay $0x4  }
0x184: {  	v6 =	vshll.u32 v5, $0x3  }
0x185: {  	v5 =	vand.u32 $0x7, v5;
	v6 =	vand.u32 $0xFFFFFFC0, v6  }
0x186: {  	v5 =	vor.u32 v5, v6  }
0x187: {  	v6 =	vperm.xlane v5, v2;
	_ =	sdelay $0x1  }
0x188: {  	v6 =	vadd.s32 v3, v6;
	_ =	sdelay $0x3  }
0x189: {  	s17 =	simm.s32 $0x4500  }
0x18a: {  	[tilespmem:s17], [sflag:$0x1] =	stream.indirect_vreg.gather [hbm4b:s3+s4], $0x80, v6, vm0, $0xb8;
	[tilespmem:$0x10500] =	vst v63  }
0x18b: {  	s15 =	simm.s32 $0x4D00;
	v5 =	vperm.xlane v5, v4  }
0x18c: {  	[tilespmem:s15], [sflag:$0x1] =	stream.indirect_vreg.gather [hbm4b:s6+s4], $0x80, v6, vm0, $0xb8;
	[tilespmem:$0x10500] =	vst v63  }
0x18d: {  	s10 =	simm.s32 $0x5500;
	v5 =	vadd.s32 v3, v5  }
0x18e: {  	[tilespmem:s10], [sflag:$0x1] =	stream.indirect_vreg.gather [hbm4b:s7+s4], $0x80, v6, vm0, $0xb8;
	[tilespmem:$0x10500] =	vst v63  }
0x18f: {  	s15 =	simm.s32 $0x5D00  }
0x190: {  	[tilespmem:s15], [sflag:$0x1] =	stream.indirect_vreg.gather [hbm4b:s9+s4], $0x80, v6, vm0, $0xb8;
	[tilespmem:$0x10500] =	vst v63  }
0x191: {  	s15 =	simm.s32 $0x6500  }
0x192: {  	[tilespmem:s15], [sflag:$0x1] =	stream.indirect_vreg.gather [hbm4b:s3+s4], $0x80, v5, vm0, $0xb8;
	[tilespmem:$0x10500] =	vst v63  }
0x193: {  	s11 =	simm.s32 $0x6D00  }
0x194: {  	[tilespmem:s11], [sflag:$0x1] =	stream.indirect_vreg.gather [hbm4b:s6+s4], $0x80, v5, vm0, $0xb8;
	[tilespmem:$0x10500] =	vst v63  }
0x195: {  	s16 =	simm.s32 $0x7500  }
0x196: {  	[tilespmem:s16], [sflag:$0x1] =	stream.indirect_vreg.gather [hbm4b:s7+s4], $0x80, v5, vm0, $0xb8;
	[tilespmem:$0x10500] =	vst v63  }
0x197: {  	s18 =	simm.s32 $0x7D00  }
0x198: {  	[tilespmem:s18], [sflag:$0x1] =	stream.indirect_vreg.gather [hbm4b:s9+s4], $0x80, v5, vm0, $0xb8;
	[tilespmem:$0x10500] =	vst v63  }
0x199: {  	_ =	swait.ge [sflag:s13], $0x8000  }
0x19a: {  	[sflag:s13] =	ssyncset.done $0x0  }
0x19b: {  	s15 =	rddreg [dreg:$0xb];
	[sflag:s13] =	ssyncadd.s32 $0xFFFF8000  }
0x19c: {  	[hbm4b:s15+s4] =	stream.linear.scatter [tilespmem:s19], [sflag:$0x3], $0x8000, $0x38;
	[tilespmem:$0x10500] =	vst v63  }
0x19d: {  	_ =	swait.ge [sflag:s26], $0x8000  }
0x19e: {  	[sflag:s26] =	ssyncset.done $0x0  }
0x19f: {  	[sflag:s26] =	ssyncadd.s32 $0xFFFF8000  }
0x1a0: {  	v5 =	vld [tilespmem:$0x3E0];
	_ =	sdelay $0x4  }
0x1a1: {  	v6 =	vshll.u32 v5, $0x3  }
0x1a2: {  	v5 =	vand.u32 $0x7, v5;
	v6 =	vand.u32 $0xFFFFFFC0, v6  }
0x1a3: {  	v5 =	vor.u32 v5, v6  }
0x1a4: {  	v6 =	vperm.xlane v5, v2;
	_ =	sdelay $0x1  }
0x1a5: {  	v6 =	vadd.s32 v3, v6;
	_ =	sdelay $0x4  }
0x1a6: {  	[tilespmem:s19], [sflag:$0x2] =	stream.indirect_vreg.gather [hbm4b:s3+s4], $0x80, v6, vm0, $0xb8;
	[tilespmem:$0x10500] =	vst v63  }
0x1a7: {  	s1 =	simm.s32 $0x8D00;
	v5 =	vperm.xlane v5, v4  }
0x1a8: {  	[tilespmem:s1], [sflag:$0x2] =	stream.indirect_vreg.gather [hbm4b:s6+s4], $0x80, v6, vm0, $0xb8;
	[tilespmem:$0x10500] =	vst v63  }
0x1a9: {  	s0 =	simm.s32 $0x9500;
	v5 =	vadd.s32 v3, v5  }
0x1aa: {  	[tilespmem:s0], [sflag:$0x2] =	stream.indirect_vreg.gather [hbm4b:s7+s4], $0x80, v6, vm0, $0xb8;
	[tilespmem:$0x10500] =	vst v63  }
0x1ab: {  	s15 =	simm.s32 $0x9D00  }
0x1ac: {  	[tilespmem:s15], [sflag:$0x2] =	stream.indirect_vreg.gather [hbm4b:s9+s4], $0x80, v6, vm0, $0xb8;
	[tilespmem:$0x10500] =	vst v63  }
0x1ad: {  	s24 =	simm.s32 $0xA500  }
0x1ae: {  	[tilespmem:s24], [sflag:$0x2] =	stream.indirect_vreg.gather [hbm4b:s3+s4], $0x80, v5, vm0, $0xb8;
	[tilespmem:$0x10500] =	vst v63  }
0x1af: {  	s30 =	simm.s32 $0xAD00  }
0x1b0: {  	[tilespmem:s30], [sflag:$0x2] =	stream.indirect_vreg.gather [hbm4b:s6+s4], $0x80, v5, vm0, $0xb8;
	[tilespmem:$0x10500] =	vst v63  }
0x1b1: {  	s31 =	simm.s32 $0xB500  }
0x1b2: {  	[tilespmem:s31], [sflag:$0x2] =	stream.indirect_vreg.gather [hbm4b:s7+s4], $0x80, v5, vm0, $0xb8;
	[tilespmem:$0x10500] =	vst v63  }
0x1b3: {  	s15 =	simm.s32 $0xBD00  }
0x1b4: {  	[tilespmem:s15], [sflag:$0x2] =	stream.indirect_vreg.gather [hbm4b:s9+s4], $0x80, v5, vm0, $0xb8;
	[tilespmem:$0x10500] =	vst v63  }
0x1b5: {  	v5 =	vld [tilespmem:$0x3F0];
	_ =	sdelay $0x4  }
0x1b6: {  	v6 =	vshll.u32 v5, $0x3  }
0x1b7: {  	v5 =	vand.u32 $0x7, v5;
	v6 =	vand.u32 $0xFFFFFFC0, v6  }
0x1b8: {  	v5 =	vor.u32 v5, v6  }
0x1b9: {  	v6 =	vperm.xlane v5, v2;
	_ =	sdelay $0x1  }
0x1ba: {  	v6 =	vadd.s32 v3, v6;
	_ =	sdelay $0x3  }
0x1bb: {  	s15 =	simm.s32 $0xC500  }
0x1bc: {  	[tilespmem:s15], [sflag:$0x2] =	stream.indirect_vreg.gather [hbm4b:s3+s4], $0x80, v6, vm0, $0xb8;
	[tilespmem:$0x10500] =	vst v63  }
0x1bd: {  	v5 =	vperm.xlane v5, v4;
	s15 =	simm.s32 $0xCD00  }
0x1be: {  	[tilespmem:s15], [sflag:$0x2] =	stream.indirect_vreg.gather [hbm4b:s6+s4], $0x80, v6, vm0, $0xb8;
	[tilespmem:$0x10500] =	vst v63  }
0x1bf: {  	s20 =	simm.s32 $0xD500;
	v5 =	vadd.s32 v3, v5  }
0x1c0: {  	[tilespmem:s20], [sflag:$0x2] =	stream.indirect_vreg.gather [hbm4b:s7+s4], $0x80, v6, vm0, $0xb8;
	[tilespmem:$0x10500] =	vst v63  }
0x1c1: {  	s21 =	simm.s32 $0xDD00  }
0x1c2: {  	[tilespmem:s21], [sflag:$0x2] =	stream.indirect_vreg.gather [hbm4b:s9+s4], $0x80, v6, vm0, $0xb8;
	[tilespmem:$0x10500] =	vst v63  }
0x1c3: {  	s23 =	simm.s32 $0xE500  }
0x1c4: {  	[tilespmem:s23], [sflag:$0x2] =	stream.indirect_vreg.gather [hbm4b:s3+s4], $0x80, v5, vm0, $0xb8;
	[tilespmem:$0x10500] =	vst v63  }
0x1c5: {  	s15 =	simm.s32 $0xED00  }
0x1c6: {  	[tilespmem:s15], [sflag:$0x2] =	stream.indirect_vreg.gather [hbm4b:s6+s4], $0x80, v5, vm0, $0xb8;
	[tilespmem:$0x10500] =	vst v63  }
0x1c7: {  	s15 =	simm.s32 $0xF500  }
0x1c8: {  	[tilespmem:s15], [sflag:$0x2] =	stream.indirect_vreg.gather [hbm4b:s7+s4], $0x80, v5, vm0, $0xb8;
	[tilespmem:$0x10500] =	vst v63  }
0x1c9: {  	s22 =	simm.s32 $0xFD00  }
0x1ca: {  	[tilespmem:s22], [sflag:$0x2] =	stream.indirect_vreg.gather [hbm4b:s9+s4], $0x80, v5, vm0, $0xb8;
	[tilespmem:$0x10500] =	vst v63  }
0x1cb: {  	_ =	swait.ge [sflag:s12], $0x8000  }
0x1cc: {  	[sflag:s12] =	ssyncset.done $0x0  }
0x1cd: {  	s15 =	rddreg [dreg:$0xc];
	[sflag:s12] =	ssyncadd.s32 $0xFFFF8000  }
0x1ce: {  	[hbm4b:s15+s4] =	stream.linear.scatter [tilespmem:s29], [sflag:$0x3], $0x8000, $0x38;
	[tilespmem:$0x10500] =	vst v63  }
0x1cf: {  	_ =	swait.ge [sflag:s26], $0x8000  }
0x1d0: {  	[sflag:s26] =	ssyncset.done $0x0  }
0x1d1: {  	[sflag:s26] =	ssyncadd.s32 $0xFFFF8000  }
0x1d2: {  	v5 =	vld [tilespmem:$0x400];
	_ =	sdelay $0x4  }
0x1d3: {  	v6 =	vshll.u32 v5, $0x3  }
0x1d4: {  	v5 =	vand.u32 $0x7, v5;
	v6 =	vand.u32 $0xFFFFFFC0, v6  }
0x1d5: {  	v5 =	vor.u32 v5, v6  }
0x1d6: {  	v6 =	vperm.xlane v5, v2;
	_ =	sdelay $0x1  }
0x1d7: {  	v6 =	vadd.s32 v3, v6;
	_ =	sdelay $0x4  }
0x1d8: {  	[tilespmem:s29], [sflag:$0x1] =	stream.indirect_vreg.gather [hbm4b:s3+s4], $0x80, v6, vm0, $0xb8;
	[tilespmem:$0x10500] =	vst v63  }
0x1d9: {  	s15 =	simm.s32 $0xD00;
	v5 =	vperm.xlane v5, v4  }
0x1da: {  	[tilespmem:s15], [sflag:$0x1] =	stream.indirect_vreg.gather [hbm4b:s6+s4], $0x80, v6, vm0, $0xb8;
	[tilespmem:$0x10500] =	vst v63  }
0x1db: {  	v5 =	vadd.s32 v3, v5;
	s15 =	simm.s32 $0x1500  }
0x1dc: {  	[tilespmem:s15], [sflag:$0x1] =	stream.indirect_vreg.gather [hbm4b:s7+s4], $0x80, v6, vm0, $0xb8;
	[tilespmem:$0x10500] =	vst v63  }
0x1dd: {  	s14 =	simm.s32 $0x1D00  }
0x1de: {  	[tilespmem:s14], [sflag:$0x1] =	stream.indirect_vreg.gather [hbm4b:s9+s4], $0x80, v6, vm0, $0xb8;
	[tilespmem:$0x10500] =	vst v63  }
0x1df: {  	s2 =	simm.s32 $0x2500  }
0x1e0: {  	[tilespmem:s2], [sflag:$0x1] =	stream.indirect_vreg.gather [hbm4b:s3+s4], $0x80, v5, vm0, $0xb8;
	[tilespmem:$0x10500] =	vst v63  }
0x1e1: {  	s5 =	simm.s32 $0x2D00  }
0x1e2: {  	[tilespmem:s5], [sflag:$0x1] =	stream.indirect_vreg.gather [hbm4b:s6+s4], $0x80, v5, vm0, $0xb8;
	[tilespmem:$0x10500] =	vst v63  }
0x1e3: {  	s8 =	simm.s32 $0x3500  }
0x1e4: {  	[tilespmem:s8], [sflag:$0x1] =	stream.indirect_vreg.gather [hbm4b:s7+s4], $0x80, v5, vm0, $0xb8;
	[tilespmem:$0x10500] =	vst v63  }
0x1e5: {  	s15 =	simm.s32 $0x3D00  }
0x1e6: {  	[tilespmem:s15], [sflag:$0x1] =	stream.indirect_vreg.gather [hbm4b:s9+s4], $0x80, v5, vm0, $0xb8;
	[tilespmem:$0x10500] =	vst v63  }
0x1e7: {  	v5 =	vld [tilespmem:$0x410];
	_ =	sdelay $0x4  }
0x1e8: {  	v6 =	vshll.u32 v5, $0x3  }
0x1e9: {  	v5 =	vand.u32 $0x7, v5;
	v6 =	vand.u32 $0xFFFFFFC0, v6  }
0x1ea: {  	v5 =	vor.u32 v5, v6  }
0x1eb: {  	v6 =	vperm.xlane v5, v2;
	_ =	sdelay $0x1  }
0x1ec: {  	v6 =	vadd.s32 v3, v6;
	_ =	sdelay $0x3  }
0x1ed: {  	s17 =	simm.s32 $0x4500  }
0x1ee: {  	[tilespmem:s17], [sflag:$0x1] =	stream.indirect_vreg.gather [hbm4b:s3+s4], $0x80, v6, vm0, $0xb8;
	[tilespmem:$0x10500] =	vst v63  }
0x1ef: {  	s15 =	simm.s32 $0x4D00;
	v5 =	vperm.xlane v5, v4  }
0x1f0: {  	[tilespmem:s15], [sflag:$0x1] =	stream.indirect_vreg.gather [hbm4b:s6+s4], $0x80, v6, vm0, $0xb8;
	[tilespmem:$0x10500] =	vst v63  }
0x1f1: {  	s10 =	simm.s32 $0x5500;
	v5 =	vadd.s32 v3, v5  }
0x1f2: {  	[tilespmem:s10], [sflag:$0x1] =	stream.indirect_vreg.gather [hbm4b:s7+s4], $0x80, v6, vm0, $0xb8;
	[tilespmem:$0x10500] =	vst v63  }
0x1f3: {  	s15 =	simm.s32 $0x5D00  }
0x1f4: {  	[tilespmem:s15], [sflag:$0x1] =	stream.indirect_vreg.gather [hbm4b:s9+s4], $0x80, v6, vm0, $0xb8;
	[tilespmem:$0x10500] =	vst v63  }
0x1f5: {  	s15 =	simm.s32 $0x6500  }
0x1f6: {  	[tilespmem:s15], [sflag:$0x1] =	stream.indirect_vreg.gather [hbm4b:s3+s4], $0x80, v5, vm0, $0xb8;
	[tilespmem:$0x10500] =	vst v63  }
0x1f7: {  	s11 =	simm.s32 $0x6D00  }
0x1f8: {  	[tilespmem:s11], [sflag:$0x1] =	stream.indirect_vreg.gather [hbm4b:s6+s4], $0x80, v5, vm0, $0xb8;
	[tilespmem:$0x10500] =	vst v63  }
0x1f9: {  	s16 =	simm.s32 $0x7500  }
0x1fa: {  	[tilespmem:s16], [sflag:$0x1] =	stream.indirect_vreg.gather [hbm4b:s7+s4], $0x80, v5, vm0, $0xb8;
	[tilespmem:$0x10500] =	vst v63  }
0x1fb: {  	s18 =	simm.s32 $0x7D00  }
0x1fc: {  	[tilespmem:s18], [sflag:$0x1] =	stream.indirect_vreg.gather [hbm4b:s9+s4], $0x80, v5, vm0, $0xb8;
	[tilespmem:$0x10500] =	vst v63  }
0x1fd: {  	_ =	swait.ge [sflag:s13], $0x8000  }
0x1fe: {  	[sflag:s13] =	ssyncset.done $0x0  }
0x1ff: {  	s15 =	rddreg [dreg:$0xd];
	[sflag:s13] =	ssyncadd.s32 $0xFFFF8000  }
0x200: {  	[hbm4b:s15+s4] =	stream.linear.scatter [tilespmem:s19], [sflag:$0x3], $0x8000, $0x38;
	[tilespmem:$0x10500] =	vst v63  }
0x201: {  	_ =	swait.ge [sflag:s26], $0x8000  }
0x202: {  	[sflag:s26] =	ssyncset.done $0x0  }
0x203: {  	[sflag:s26] =	ssyncadd.s32 $0xFFFF8000  }
0x204: {  	v5 =	vld [tilespmem:$0x420];
	_ =	sdelay $0x4  }
0x205: {  	v6 =	vshll.u32 v5, $0x3  }
0x206: {  	v5 =	vand.u32 $0x7, v5;
	v6 =	vand.u32 $0xFFFFFFC0, v6  }
0x207: {  	v5 =	vor.u32 v5, v6  }
0x208: {  	v6 =	vperm.xlane v5, v2;
	_ =	sdelay $0x1  }
0x209: {  	v6 =	vadd.s32 v3, v6;
	_ =	sdelay $0x4  }
0x20a: {  	[tilespmem:s19], [sflag:$0x2] =	stream.indirect_vreg.gather [hbm4b:s3+s4], $0x80, v6, vm0, $0xb8;
	[tilespmem:$0x10500] =	vst v63  }
0x20b: {  	s1 =	simm.s32 $0x8D00;
	v5 =	vperm.xlane v5, v4  }
0x20c: {  	[tilespmem:s1], [sflag:$0x2] =	stream.indirect_vreg.gather [hbm4b:s6+s4], $0x80, v6, vm0, $0xb8;
	[tilespmem:$0x10500] =	vst v63  }
0x20d: {  	s0 =	simm.s32 $0x9500;
	v5 =	vadd.s32 v3, v5  }
0x20e: {  	[tilespmem:s0], [sflag:$0x2] =	stream.indirect_vreg.gather [hbm4b:s7+s4], $0x80, v6, vm0, $0xb8;
	[tilespmem:$0x10500] =	vst v63  }
0x20f: {  	s15 =	simm.s32 $0x9D00  }
0x210: {  	[tilespmem:s15], [sflag:$0x2] =	stream.indirect_vreg.gather [hbm4b:s9+s4], $0x80, v6, vm0, $0xb8;
	[tilespmem:$0x10500] =	vst v63  }
0x211: {  	s24 =	simm.s32 $0xA500  }
0x212: {  	[tilespmem:s24], [sflag:$0x2] =	stream.indirect_vreg.gather [hbm4b:s3+s4], $0x80, v5, vm0, $0xb8;
	[tilespmem:$0x10500] =	vst v63  }
0x213: {  	s30 =	simm.s32 $0xAD00  }
0x214: {  	[tilespmem:s30], [sflag:$0x2] =	stream.indirect_vreg.gather [hbm4b:s6+s4], $0x80, v5, vm0, $0xb8;
	[tilespmem:$0x10500] =	vst v63  }
0x215: {  	s31 =	simm.s32 $0xB500  }
0x216: {  	[tilespmem:s31], [sflag:$0x2] =	stream.indirect_vreg.gather [hbm4b:s7+s4], $0x80, v5, vm0, $0xb8;
	[tilespmem:$0x10500] =	vst v63  }
0x217: {  	s15 =	simm.s32 $0xBD00  }
0x218: {  	[tilespmem:s15], [sflag:$0x2] =	stream.indirect_vreg.gather [hbm4b:s9+s4], $0x80, v5, vm0, $0xb8;
	[tilespmem:$0x10500] =	vst v63  }
0x219: {  	v5 =	vld [tilespmem:$0x430];
	_ =	sdelay $0x4  }
0x21a: {  	v6 =	vshll.u32 v5, $0x3  }
0x21b: {  	v5 =	vand.u32 $0x7, v5;
	v6 =	vand.u32 $0xFFFFFFC0, v6  }
0x21c: {  	v5 =	vor.u32 v5, v6  }
0x21d: {  	v6 =	vperm.xlane v5, v2;
	_ =	sdelay $0x1  }
0x21e: {  	v6 =	vadd.s32 v3, v6;
	_ =	sdelay $0x3  }
0x21f: {  	s15 =	simm.s32 $0xC500  }
0x220: {  	[tilespmem:s15], [sflag:$0x2] =	stream.indirect_vreg.gather [hbm4b:s3+s4], $0x80, v6, vm0, $0xb8;
	[tilespmem:$0x10500] =	vst v63  }
0x221: {  	v5 =	vperm.xlane v5, v4;
	s15 =	simm.s32 $0xCD00  }
0x222: {  	[tilespmem:s15], [sflag:$0x2] =	stream.indirect_vreg.gather [hbm4b:s6+s4], $0x80, v6, vm0, $0xb8;
	[tilespmem:$0x10500] =	vst v63  }
0x223: {  	s20 =	simm.s32 $0xD500;
	v5 =	vadd.s32 v3, v5  }
0x224: {  	[tilespmem:s20], [sflag:$0x2] =	stream.indirect_vreg.gather [hbm4b:s7+s4], $0x80, v6, vm0, $0xb8;
	[tilespmem:$0x10500] =	vst v63  }
0x225: {  	s21 =	simm.s32 $0xDD00  }
0x226: {  	[tilespmem:s21], [sflag:$0x2] =	stream.indirect_vreg.gather [hbm4b:s9+s4], $0x80, v6, vm0, $0xb8;
	[tilespmem:$0x10500] =	vst v63  }
0x227: {  	s23 =	simm.s32 $0xE500  }
0x228: {  	[tilespmem:s23], [sflag:$0x2] =	stream.indirect_vreg.gather [hbm4b:s3+s4], $0x80, v5, vm0, $0xb8;
	[tilespmem:$0x10500] =	vst v63  }
0x229: {  	s15 =	simm.s32 $0xED00  }
0x22a: {  	[tilespmem:s15], [sflag:$0x2] =	stream.indirect_vreg.gather [hbm4b:s6+s4], $0x80, v5, vm0, $0xb8;
	[tilespmem:$0x10500] =	vst v63  }
0x22b: {  	s15 =	simm.s32 $0xF500  }
0x22c: {  	[tilespmem:s15], [sflag:$0x2] =	stream.indirect_vreg.gather [hbm4b:s7+s4], $0x80, v5, vm0, $0xb8;
	[tilespmem:$0x10500] =	vst v63  }
0x22d: {  	s22 =	simm.s32 $0xFD00  }
0x22e: {  	[tilespmem:s22], [sflag:$0x2] =	stream.indirect_vreg.gather [hbm4b:s9+s4], $0x80, v5, vm0, $0xb8;
	[tilespmem:$0x10500] =	vst v63  }
0x22f: {  	_ =	swait.ge [sflag:s12], $0x8000  }
0x230: {  	[sflag:s12] =	ssyncset.done $0x0  }
0x231: {  	s15 =	rddreg [dreg:$0xe];
	[sflag:s12] =	ssyncadd.s32 $0xFFFF8000  }
0x232: {  	[hbm4b:s15+s4] =	stream.linear.scatter [tilespmem:s29], [sflag:$0x3], $0x8000, $0x38;
	[tilespmem:$0x10500] =	vst v63  }
0x233: {  	_ =	swait.ge [sflag:s26], $0x8000  }
0x234: {  	[sflag:s26] =	ssyncset.done $0x0  }
0x235: {  	[sflag:s26] =	ssyncadd.s32 $0xFFFF8000  }
0x236: {  	v5 =	vld [tilespmem:$0x440];
	_ =	sdelay $0x4  }
0x237: {  	v6 =	vshll.u32 v5, $0x3  }
0x238: {  	v5 =	vand.u32 $0x7, v5;
	v6 =	vand.u32 $0xFFFFFFC0, v6  }
0x239: {  	v5 =	vor.u32 v5, v6  }
0x23a: {  	v6 =	vperm.xlane v5, v2;
	_ =	sdelay $0x1  }
0x23b: {  	v6 =	vadd.s32 v3, v6;
	_ =	sdelay $0x4  }
0x23c: {  	[tilespmem:s29], [sflag:$0x1] =	stream.indirect_vreg.gather [hbm4b:s3+s4], $0x80, v6, vm0, $0xb8;
	[tilespmem:$0x10500] =	vst v63  }
0x23d: {  	s15 =	simm.s32 $0xD00;
	v5 =	vperm.xlane v5, v4  }
0x23e: {  	[tilespmem:s15], [sflag:$0x1] =	stream.indirect_vreg.gather [hbm4b:s6+s4], $0x80, v6, vm0, $0xb8;
	[tilespmem:$0x10500] =	vst v63  }
0x23f: {  	v5 =	vadd.s32 v3, v5;
	s15 =	simm.s32 $0x1500  }
0x240: {  	[tilespmem:s15], [sflag:$0x1] =	stream.indirect_vreg.gather [hbm4b:s7+s4], $0x80, v6, vm0, $0xb8;
	[tilespmem:$0x10500] =	vst v63  }
0x241: {  	s14 =	simm.s32 $0x1D00  }
0x242: {  	[tilespmem:s14], [sflag:$0x1] =	stream.indirect_vreg.gather [hbm4b:s9+s4], $0x80, v6, vm0, $0xb8;
	[tilespmem:$0x10500] =	vst v63  }
0x243: {  	s2 =	simm.s32 $0x2500  }
0x244: {  	[tilespmem:s2], [sflag:$0x1] =	stream.indirect_vreg.gather [hbm4b:s3+s4], $0x80, v5, vm0, $0xb8;
	[tilespmem:$0x10500] =	vst v63  }
0x245: {  	s5 =	simm.s32 $0x2D00  }
0x246: {  	[tilespmem:s5], [sflag:$0x1] =	stream.indirect_vreg.gather [hbm4b:s6+s4], $0x80, v5, vm0, $0xb8;
	[tilespmem:$0x10500] =	vst v63  }
0x247: {  	s8 =	simm.s32 $0x3500  }
0x248: {  	[tilespmem:s8], [sflag:$0x1] =	stream.indirect_vreg.gather [hbm4b:s7+s4], $0x80, v5, vm0, $0xb8;
	[tilespmem:$0x10500] =	vst v63  }
0x249: {  	s15 =	simm.s32 $0x3D00  }
0x24a: {  	[tilespmem:s15], [sflag:$0x1] =	stream.indirect_vreg.gather [hbm4b:s9+s4], $0x80, v5, vm0, $0xb8;
	[tilespmem:$0x10500] =	vst v63  }
0x24b: {  	v5 =	vld [tilespmem:$0x450];
	_ =	sdelay $0x4  }
0x24c: {  	v6 =	vshll.u32 v5, $0x3  }
0x24d: {  	v5 =	vand.u32 $0x7, v5;
	v6 =	vand.u32 $0xFFFFFFC0, v6  }
0x24e: {  	v5 =	vor.u32 v5, v6  }
0x24f: {  	v6 =	vperm.xlane v5, v2;
	_ =	sdelay $0x1  }
0x250: {  	v6 =	vadd.s32 v3, v6;
	_ =	sdelay $0x3  }
0x251: {  	s17 =	simm.s32 $0x4500  }
0x252: {  	[tilespmem:s17], [sflag:$0x1] =	stream.indirect_vreg.gather [hbm4b:s3+s4], $0x80, v6, vm0, $0xb8;
	[tilespmem:$0x10500] =	vst v63  }
0x253: {  	s15 =	simm.s32 $0x4D00;
	v5 =	vperm.xlane v5, v4  }
0x254: {  	[tilespmem:s15], [sflag:$0x1] =	stream.indirect_vreg.gather [hbm4b:s6+s4], $0x80, v6, vm0, $0xb8;
	[tilespmem:$0x10500] =	vst v63  }
0x255: {  	s10 =	simm.s32 $0x5500;
	v5 =	vadd.s32 v3, v5  }
0x256: {  	[tilespmem:s10], [sflag:$0x1] =	stream.indirect_vreg.gather [hbm4b:s7+s4], $0x80, v6, vm0, $0xb8;
	[tilespmem:$0x10500] =	vst v63  }
0x257: {  	s15 =	simm.s32 $0x5D00  }
0x258: {  	[tilespmem:s15], [sflag:$0x1] =	stream.indirect_vreg.gather [hbm4b:s9+s4], $0x80, v6, vm0, $0xb8;
	[tilespmem:$0x10500] =	vst v63  }
0x259: {  	s15 =	simm.s32 $0x6500  }
0x25a: {  	[tilespmem:s15], [sflag:$0x1] =	stream.indirect_vreg.gather [hbm4b:s3+s4], $0x80, v5, vm0, $0xb8;
	[tilespmem:$0x10500] =	vst v63  }
0x25b: {  	s11 =	simm.s32 $0x6D00  }
0x25c: {  	[tilespmem:s11], [sflag:$0x1] =	stream.indirect_vreg.gather [hbm4b:s6+s4], $0x80, v5, vm0, $0xb8;
	[tilespmem:$0x10500] =	vst v63  }
0x25d: {  	s16 =	simm.s32 $0x7500  }
0x25e: {  	[tilespmem:s16], [sflag:$0x1] =	stream.indirect_vreg.gather [hbm4b:s7+s4], $0x80, v5, vm0, $0xb8;
	[tilespmem:$0x10500] =	vst v63  }
0x25f: {  	s18 =	simm.s32 $0x7D00  }
0x260: {  	[tilespmem:s18], [sflag:$0x1] =	stream.indirect_vreg.gather [hbm4b:s9+s4], $0x80, v5, vm0, $0xb8;
	[tilespmem:$0x10500] =	vst v63  }
0x261: {  	_ =	swait.ge [sflag:s13], $0x8000  }
0x262: {  	[sflag:s13] =	ssyncset.done $0x0  }
0x263: {  	s18 =	rddreg [dreg:$0xf];
	[sflag:s13] =	ssyncadd.s32 $0xFFFF8000  }
0x264: {  	[hbm4b:s18+s4] =	stream.linear.scatter [tilespmem:s19], [sflag:$0x3], $0x8000, $0x38;
	[tilespmem:$0x10500] =	vst v63  }
0x265: {  	_ =	swait.ge [sflag:s26], $0x8000  }
0x266: {  	[sflag:s26] =	ssyncset.done $0x0  }
0x267: {  	[sflag:s26] =	ssyncadd.s32 $0xFFFF8000  }
0x268: {  	v5 =	vld [tilespmem:$0x460];
	_ =	sdelay $0x4  }
0x269: {  	v6 =	vshll.u32 v5, $0x3  }
0x26a: {  	v5 =	vand.u32 $0x7, v5;
	v6 =	vand.u32 $0xFFFFFFC0, v6  }
0x26b: {  	v5 =	vor.u32 v5, v6  }
0x26c: {  	v6 =	vperm.xlane v5, v2;
	_ =	sdelay $0x1  }
0x26d: {  	v6 =	vadd.s32 v3, v6;
	_ =	sdelay $0x4  }
0x26e: {  	[tilespmem:s19], [sflag:$0x2] =	stream.indirect_vreg.gather [hbm4b:s3+s4], $0x80, v6, vm0, $0xb8;
	[tilespmem:$0x10500] =	vst v63  }
0x26f: {  	s1 =	simm.s32 $0x8D00;
	v5 =	vperm.xlane v5, v4  }
0x270: {  	[tilespmem:s1], [sflag:$0x2] =	stream.indirect_vreg.gather [hbm4b:s6+s4], $0x80, v6, vm0, $0xb8;
	[tilespmem:$0x10500] =	vst v63  }
0x271: {  	s0 =	simm.s32 $0x9500;
	v5 =	vadd.s32 v3, v5  }
0x272: {  	[tilespmem:s0], [sflag:$0x2] =	stream.indirect_vreg.gather [hbm4b:s7+s4], $0x80, v6, vm0, $0xb8;
	[tilespmem:$0x10500] =	vst v63  }
0x273: {  	s15 =	simm.s32 $0x9D00  }
0x274: {  	[tilespmem:s15], [sflag:$0x2] =	stream.indirect_vreg.gather [hbm4b:s9+s4], $0x80, v6, vm0, $0xb8;
	[tilespmem:$0x10500] =	vst v63  }
0x275: {  	s24 =	simm.s32 $0xA500  }
0x276: {  	[tilespmem:s24], [sflag:$0x2] =	stream.indirect_vreg.gather [hbm4b:s3+s4], $0x80, v5, vm0, $0xb8;
	[tilespmem:$0x10500] =	vst v63  }
0x277: {  	s30 =	simm.s32 $0xAD00  }
0x278: {  	[tilespmem:s30], [sflag:$0x2] =	stream.indirect_vreg.gather [hbm4b:s6+s4], $0x80, v5, vm0, $0xb8;
	[tilespmem:$0x10500] =	vst v63  }
0x279: {  	s31 =	simm.s32 $0xB500  }
0x27a: {  	[tilespmem:s31], [sflag:$0x2] =	stream.indirect_vreg.gather [hbm4b:s7+s4], $0x80, v5, vm0, $0xb8;
	[tilespmem:$0x10500] =	vst v63  }
0x27b: {  	s15 =	simm.s32 $0xBD00  }
0x27c: {  	[tilespmem:s15], [sflag:$0x2] =	stream.indirect_vreg.gather [hbm4b:s9+s4], $0x80, v5, vm0, $0xb8;
	[tilespmem:$0x10500] =	vst v63  }
0x27d: {  	v5 =	vld [tilespmem:$0x470];
	_ =	sdelay $0x4  }
0x27e: {  	v6 =	vshll.u32 v5, $0x3  }
0x27f: {  	v5 =	vand.u32 $0x7, v5;
	v6 =	vand.u32 $0xFFFFFFC0, v6  }
0x280: {  	v5 =	vor.u32 v5, v6  }
0x281: {  	v6 =	vperm.xlane v5, v2;
	_ =	sdelay $0x1  }
0x282: {  	v6 =	vadd.s32 v3, v6;
	_ =	sdelay $0x3  }
0x283: {  	s15 =	simm.s32 $0xC500  }
0x284: {  	[tilespmem:s15], [sflag:$0x2] =	stream.indirect_vreg.gather [hbm4b:s3+s4], $0x80, v6, vm0, $0xb8;
	[tilespmem:$0x10500] =	vst v63  }
0x285: {  	v5 =	vperm.xlane v5, v4;
	s15 =	simm.s32 $0xCD00  }
0x286: {  	[tilespmem:s15], [sflag:$0x2] =	stream.indirect_vreg.gather [hbm4b:s6+s4], $0x80, v6, vm0, $0xb8;
	[tilespmem:$0x10500] =	vst v63  }
0x287: {  	s20 =	simm.s32 $0xD500;
	v5 =	vadd.s32 v3, v5  }
0x288: {  	[tilespmem:s20], [sflag:$0x2] =	stream.indirect_vreg.gather [hbm4b:s7+s4], $0x80, v6, vm0, $0xb8;
	[tilespmem:$0x10500] =	vst v63  }
0x289: {  	s21 =	simm.s32 $0xDD00  }
0x28a: {  	[tilespmem:s21], [sflag:$0x2] =	stream.indirect_vreg.gather [hbm4b:s9+s4], $0x80, v6, vm0, $0xb8;
	[tilespmem:$0x10500] =	vst v63  }
0x28b: {  	s23 =	simm.s32 $0xE500  }
0x28c: {  	[tilespmem:s23], [sflag:$0x2] =	stream.indirect_vreg.gather [hbm4b:s3+s4], $0x80, v5, vm0, $0xb8;
	[tilespmem:$0x10500] =	vst v63  }
0x28d: {  	s15 =	simm.s32 $0xED00  }
0x28e: {  	[tilespmem:s15], [sflag:$0x2] =	stream.indirect_vreg.gather [hbm4b:s6+s4], $0x80, v5, vm0, $0xb8;
	[tilespmem:$0x10500] =	vst v63  }
0x28f: {  	s20 =	simm.s32 $0xF500  }
0x290: {  	[tilespmem:s20], [sflag:$0x2] =	stream.indirect_vreg.gather [hbm4b:s7+s4], $0x80, v5, vm0, $0xb8;
	[tilespmem:$0x10500] =	vst v63  }
0x291: {  	s22 =	simm.s32 $0xFD00  }
0x292: {  	[tilespmem:s22], [sflag:$0x2] =	stream.indirect_vreg.gather [hbm4b:s9+s4], $0x80, v5, vm0, $0xb8;
	[tilespmem:$0x10500] =	vst v63  }
0x293: {  	_ =	swait.ge [sflag:s12], $0x8000  }
0x294: {  	[sflag:s12] =	ssyncset.done $0x0  }
0x295: {  	s0 =	rddreg [dreg:$0x10];
	[sflag:s12] =	ssyncadd.s32 $0xFFFF8000  }
0x296: {  	[hbm4b:s0+s4] =	stream.linear.scatter [tilespmem:s29], [sflag:$0x3], $0x8000, $0x38;
	[tilespmem:$0x10500] =	vst v63  }
0x297: {  	_ =	swait.ge [sflag:s26], $0x8000  }
0x298: {  	[sflag:s26] =	ssyncset.done $0x0  }
0x299: {  	[sflag:s26] =	ssyncadd.s32 $0xFFFF8000  }
0x29a: {  	v5 =	vld [tilespmem:$0x480];
	_ =	sdelay $0x4  }
0x29b: {  	v6 =	vshll.u32 v5, $0x3  }
0x29c: {  	v5 =	vand.u32 $0x7, v5;
	v6 =	vand.u32 $0xFFFFFFC0, v6  }
0x29d: {  	v5 =	vor.u32 v5, v6  }
0x29e: {  	v6 =	vperm.xlane v5, v2;
	_ =	sdelay $0x1  }
0x29f: {  	v6 =	vadd.s32 v3, v6;
	_ =	sdelay $0x4  }
0x2a0: {  	[tilespmem:s29], [sflag:$0x1] =	stream.indirect_vreg.gather [hbm4b:s3+s4], $0x80, v6, vm0, $0xb8;
	[tilespmem:$0x10500] =	vst v63  }
0x2a1: {  	s20 =	simm.s32 $0xD00;
	v5 =	vperm.xlane v5, v4  }
0x2a2: {  	[tilespmem:s20], [sflag:$0x1] =	stream.indirect_vreg.gather [hbm4b:s6+s4], $0x80, v6, vm0, $0xb8;
	[tilespmem:$0x10500] =	vst v63  }
0x2a3: {  	s22 =	simm.s32 $0x1500;
	v5 =	vadd.s32 v3, v5  }
0x2a4: {  	[tilespmem:s22], [sflag:$0x1] =	stream.indirect_vreg.gather [hbm4b:s7+s4], $0x80, v6, vm0, $0xb8;
	[tilespmem:$0x10500] =	vst v63  }
0x2a5: {  	s14 =	simm.s32 $0x1D00  }
0x2a6: {  	[tilespmem:s14], [sflag:$0x1] =	stream.indirect_vreg.gather [hbm4b:s9+s4], $0x80, v6, vm0, $0xb8;
	[tilespmem:$0x10500] =	vst v63  }
0x2a7: {  	s2 =	simm.s32 $0x2500  }
0x2a8: {  	[tilespmem:s2], [sflag:$0x1] =	stream.indirect_vreg.gather [hbm4b:s3+s4], $0x80, v5, vm0, $0xb8;
	[tilespmem:$0x10500] =	vst v63  }
0x2a9: {  	s5 =	simm.s32 $0x2D00  }
0x2aa: {  	[tilespmem:s5], [sflag:$0x1] =	stream.indirect_vreg.gather [hbm4b:s6+s4], $0x80, v5, vm0, $0xb8;
	[tilespmem:$0x10500] =	vst v63  }
0x2ab: {  	s8 =	simm.s32 $0x3500  }
0x2ac: {  	[tilespmem:s8], [sflag:$0x1] =	stream.indirect_vreg.gather [hbm4b:s7+s4], $0x80, v5, vm0, $0xb8;
	[tilespmem:$0x10500] =	vst v63  }
0x2ad: {  	s15 =	simm.s32 $0x3D00  }
0x2ae: {  	[tilespmem:s15], [sflag:$0x1] =	stream.indirect_vreg.gather [hbm4b:s9+s4], $0x80, v5, vm0, $0xb8;
	[tilespmem:$0x10500] =	vst v63  }
0x2af: {  	v5 =	vld [tilespmem:$0x490];
	_ =	sdelay $0x4  }
0x2b0: {  	v6 =	vshll.u32 v5, $0x3  }
0x2b1: {  	v5 =	vand.u32 $0x7, v5;
	v6 =	vand.u32 $0xFFFFFFC0, v6  }
0x2b2: {  	v5 =	vor.u32 v5, v6  }
0x2b3: {  	v6 =	vperm.xlane v5, v2;
	_ =	sdelay $0x1  }
0x2b4: {  	v6 =	vadd.s32 v3, v6;
	_ =	sdelay $0x3  }
0x2b5: {  	s17 =	simm.s32 $0x4500  }
0x2b6: {  	[tilespmem:s17], [sflag:$0x1] =	stream.indirect_vreg.gather [hbm4b:s3+s4], $0x80, v6, vm0, $0xb8;
	[tilespmem:$0x10500] =	vst v63  }
0x2b7: {  	s20 =	simm.s32 $0x4D00;
	v5 =	vperm.xlane v5, v4  }
0x2b8: {  	[tilespmem:s20], [sflag:$0x1] =	stream.indirect_vreg.gather [hbm4b:s6+s4], $0x80, v6, vm0, $0xb8;
	[tilespmem:$0x10500] =	vst v63  }
0x2b9: {  	s10 =	simm.s32 $0x5500;
	v5 =	vadd.s32 v3, v5  }
0x2ba: {  	[tilespmem:s10], [sflag:$0x1] =	stream.indirect_vreg.gather [hbm4b:s7+s4], $0x80, v6, vm0, $0xb8;
	[tilespmem:$0x10500] =	vst v63  }
0x2bb: {  	s10 =	simm.s32 $0x5D00  }
0x2bc: {  	[tilespmem:s10], [sflag:$0x1] =	stream.indirect_vreg.gather [hbm4b:s9+s4], $0x80, v6, vm0, $0xb8;
	[tilespmem:$0x10500] =	vst v63  }
0x2bd: {  	s15 =	simm.s32 $0x6500  }
0x2be: {  	[tilespmem:s15], [sflag:$0x1] =	stream.indirect_vreg.gather [hbm4b:s3+s4], $0x80, v5, vm0, $0xb8;
	[tilespmem:$0x10500] =	vst v63  }
0x2bf: {  	s11 =	simm.s32 $0x6D00  }
0x2c0: {  	[tilespmem:s11], [sflag:$0x1] =	stream.indirect_vreg.gather [hbm4b:s6+s4], $0x80, v5, vm0, $0xb8;
	[tilespmem:$0x10500] =	vst v63  }
0x2c1: {  	s16 =	simm.s32 $0x7500  }
0x2c2: {  	[tilespmem:s16], [sflag:$0x1] =	stream.indirect_vreg.gather [hbm4b:s7+s4], $0x80, v5, vm0, $0xb8;
	[tilespmem:$0x10500] =	vst v63  }
0x2c3: {  	s16 =	simm.s32 $0x7D00  }
0x2c4: {  	[tilespmem:s16], [sflag:$0x1] =	stream.indirect_vreg.gather [hbm4b:s9+s4], $0x80, v5, vm0, $0xb8;
	[tilespmem:$0x10500] =	vst v63  }
0x2c5: {  	_ =	swait.ge [sflag:s13], $0x8000  }
0x2c6: {  	[sflag:s13] =	ssyncset.done $0x0  }
0x2c7: {  	s8 =	rddreg [dreg:$0x11];
	[sflag:s13] =	ssyncadd.s32 $0xFFFF8000  }
0x2c8: {  	[hbm4b:s8+s4] =	stream.linear.scatter [tilespmem:s19], [sflag:$0x3], $0x8000, $0x38;
	[tilespmem:$0x10500] =	vst v63  }
0x2c9: {  	_ =	swait.ge [sflag:s26], $0x8000  }
0x2ca: {  	[sflag:s26] =	ssyncset.done $0x0  }
0x2cb: {  	[sflag:s26] =	ssyncadd.s32 $0xFFFF8000  }
0x2cc: {  	v5 =	vld [tilespmem:$0x4A0];
	_ =	sdelay $0x4  }
0x2cd: {  	v6 =	vshll.u32 v5, $0x3  }
0x2ce: {  	v5 =	vand.u32 $0x7, v5;
	v6 =	vand.u32 $0xFFFFFFC0, v6  }
0x2cf: {  	v5 =	vor.u32 v5, v6  }
0x2d0: {  	v6 =	vperm.xlane v5, v2;
	_ =	sdelay $0x1  }
0x2d1: {  	v6 =	vadd.s32 v3, v6;
	_ =	sdelay $0x4  }
0x2d2: {  	[tilespmem:s19], [sflag:$0x2] =	stream.indirect_vreg.gather [hbm4b:s3+s4], $0x80, v6, vm0, $0xb8;
	[tilespmem:$0x10500] =	vst v63  }
0x2d3: {  	s1 =	simm.s32 $0x8D00;
	v5 =	vperm.xlane v5, v4  }
0x2d4: {  	[tilespmem:s1], [sflag:$0x2] =	stream.indirect_vreg.gather [hbm4b:s6+s4], $0x80, v6, vm0, $0xb8;
	[tilespmem:$0x10500] =	vst v63  }
0x2d5: {  	s18 =	simm.s32 $0x9500;
	v5 =	vadd.s32 v3, v5  }
0x2d6: {  	[tilespmem:s18], [sflag:$0x2] =	stream.indirect_vreg.gather [hbm4b:s7+s4], $0x80, v6, vm0, $0xb8;
	[tilespmem:$0x10500] =	vst v63  }
0x2d7: {  	s18 =	simm.s32 $0x9D00  }
0x2d8: {  	[tilespmem:s18], [sflag:$0x2] =	stream.indirect_vreg.gather [hbm4b:s9+s4], $0x80, v6, vm0, $0xb8;
	[tilespmem:$0x10500] =	vst v63  }
0x2d9: {  	s24 =	simm.s32 $0xA500  }
0x2da: {  	[tilespmem:s24], [sflag:$0x2] =	stream.indirect_vreg.gather [hbm4b:s3+s4], $0x80, v5, vm0, $0xb8;
	[tilespmem:$0x10500] =	vst v63  }
0x2db: {  	s30 =	simm.s32 $0xAD00  }
0x2dc: {  	[tilespmem:s30], [sflag:$0x2] =	stream.indirect_vreg.gather [hbm4b:s6+s4], $0x80, v5, vm0, $0xb8;
	[tilespmem:$0x10500] =	vst v63  }
0x2dd: {  	s31 =	simm.s32 $0xB500  }
0x2de: {  	[tilespmem:s31], [sflag:$0x2] =	stream.indirect_vreg.gather [hbm4b:s7+s4], $0x80, v5, vm0, $0xb8;
	[tilespmem:$0x10500] =	vst v63  }
0x2df: {  	s31 =	simm.s32 $0xBD00  }
0x2e0: {  	[tilespmem:s31], [sflag:$0x2] =	stream.indirect_vreg.gather [hbm4b:s9+s4], $0x80, v5, vm0, $0xb8;
	[tilespmem:$0x10500] =	vst v63  }
0x2e1: {  	v5 =	vld [tilespmem:$0x4B0];
	_ =	sdelay $0x4  }
0x2e2: {  	v6 =	vshll.u32 v5, $0x3  }
0x2e3: {  	v5 =	vand.u32 $0x7, v5;
	v6 =	vand.u32 $0xFFFFFFC0, v6  }
0x2e4: {  	v5 =	vor.u32 v5, v6  }
0x2e5: {  	v6 =	vperm.xlane v5, v2;
	_ =	sdelay $0x1  }
0x2e6: {  	v6 =	vadd.s32 v3, v6;
	_ =	sdelay $0x3  }
0x2e7: {  	s31 =	simm.s32 $0xC500  }
0x2e8: {  	[tilespmem:s31], [sflag:$0x2] =	stream.indirect_vreg.gather [hbm4b:s3+s4], $0x80, v6, vm0, $0xb8;
	[tilespmem:$0x10500] =	vst v63  }
0x2e9: {  	v5 =	vperm.xlane v5, v4;
	s31 =	simm.s32 $0xCD00  }
0x2ea: {  	[tilespmem:s31], [sflag:$0x2] =	stream.indirect_vreg.gather [hbm4b:s6+s4], $0x80, v6, vm0, $0xb8;
	[tilespmem:$0x10500] =	vst v63  }
0x2eb: {  	v5 =	vadd.s32 v3, v5;
	s31 =	simm.s32 $0xD500  }
0x2ec: {  	[tilespmem:s31], [sflag:$0x2] =	stream.indirect_vreg.gather [hbm4b:s7+s4], $0x80, v6, vm0, $0xb8;
	[tilespmem:$0x10500] =	vst v63  }
0x2ed: {  	s21 =	simm.s32 $0xDD00  }
0x2ee: {  	[tilespmem:s21], [sflag:$0x2] =	stream.indirect_vreg.gather [hbm4b:s9+s4], $0x80, v6, vm0, $0xb8;
	[tilespmem:$0x10500] =	vst v63  }
0x2ef: {  	s23 =	simm.s32 $0xE500  }
0x2f0: {  	[tilespmem:s23], [sflag:$0x2] =	stream.indirect_vreg.gather [hbm4b:s3+s4], $0x80, v5, vm0, $0xb8;
	[tilespmem:$0x10500] =	vst v63  }
0x2f1: {  	s15 =	simm.s32 $0xED00  }
0x2f2: {  	[tilespmem:s15], [sflag:$0x2] =	stream.indirect_vreg.gather [hbm4b:s6+s4], $0x80, v5, vm0, $0xb8;
	[tilespmem:$0x10500] =	vst v63  }
0x2f3: {  	s15 =	simm.s32 $0xF500  }
0x2f4: {  	[tilespmem:s15], [sflag:$0x2] =	stream.indirect_vreg.gather [hbm4b:s7+s4], $0x80, v5, vm0, $0xb8;
	[tilespmem:$0x10500] =	vst v63  }
0x2f5: {  	s15 =	simm.s32 $0xFD00  }
0x2f6: {  	[tilespmem:s15], [sflag:$0x2] =	stream.indirect_vreg.gather [hbm4b:s9+s4], $0x80, v5, vm0, $0xb8;
	[tilespmem:$0x10500] =	vst v63  }
0x2f7: {  	_ =	swait.ge [sflag:s12], $0x8000  }
0x2f8: {  	[sflag:s12] =	ssyncset.done $0x0  }
0x2f9: {  	s15 =	rddreg [dreg:$0x12];
	[sflag:s12] =	ssyncadd.s32 $0xFFFF8000  }
0x2fa: {  	[hbm4b:s15+s4] =	stream.linear.scatter [tilespmem:s29], [sflag:$0x3], $0x8000, $0x38;
	[tilespmem:$0x10500] =	vst v63  }
0x2fb: {  	_ =	swait.ge [sflag:s26], $0x8000  }
0x2fc: {  	[sflag:s26] =	ssyncset.done $0x0  }
0x2fd: {  	[sflag:s26] =	ssyncadd.s32 $0xFFFF8000  }
0x2fe: {  	v5 =	vld [tilespmem:$0x4C0];
	_ =	sdelay $0x4  }
0x2ff: {  	v6 =	vshll.u32 v5, $0x3  }
0x300: {  	v5 =	vand.u32 $0x7, v5;
	v6 =	vand.u32 $0xFFFFFFC0, v6  }
0x301: {  	v5 =	vor.u32 v5, v6  }
0x302: {  	v6 =	vperm.xlane v5, v2;
	_ =	sdelay $0x1  }
0x303: {  	v6 =	vadd.s32 v3, v6;
	_ =	sdelay $0x4  }
0x304: {  	[tilespmem:s29], [sflag:$0x1] =	stream.indirect_vreg.gather [hbm4b:s3+s4], $0x80, v6, vm0, $0xb8;
	[tilespmem:$0x10500] =	vst v63  }
0x305: {  	s15 =	simm.s32 $0xD00;
	v5 =	vperm.xlane v5, v4  }
0x306: {  	[tilespmem:s15], [sflag:$0x1] =	stream.indirect_vreg.gather [hbm4b:s6+s4], $0x80, v6, vm0, $0xb8;
	[tilespmem:$0x10500] =	vst v63  }
0x307: {  	v5 =	vadd.s32 v3, v5;
	s15 =	simm.s32 $0x1500  }
0x308: {  	[tilespmem:s15], [sflag:$0x1] =	stream.indirect_vreg.gather [hbm4b:s7+s4], $0x80, v6, vm0, $0xb8;
	[tilespmem:$0x10500] =	vst v63  }
0x309: {  	s22 =	simm.s32 $0x1D00  }
0x30a: {  	[tilespmem:s22], [sflag:$0x1] =	stream.indirect_vreg.gather [hbm4b:s9+s4], $0x80, v6, vm0, $0xb8;
	[tilespmem:$0x10500] =	vst v63  }
0x30b: {  	s14 =	simm.s32 $0x2500  }
0x30c: {  	[tilespmem:s14], [sflag:$0x1] =	stream.indirect_vreg.gather [hbm4b:s3+s4], $0x80, v5, vm0, $0xb8;
	[tilespmem:$0x10500] =	vst v63  }
0x30d: {  	s2 =	simm.s32 $0x2D00  }
0x30e: {  	[tilespmem:s2], [sflag:$0x1] =	stream.indirect_vreg.gather [hbm4b:s6+s4], $0x80, v5, vm0, $0xb8;
	[tilespmem:$0x10500] =	vst v63  }
0x30f: {  	s5 =	simm.s32 $0x3500  }
0x310: {  	[tilespmem:s5], [sflag:$0x1] =	stream.indirect_vreg.gather [hbm4b:s7+s4], $0x80, v5, vm0, $0xb8;
	[tilespmem:$0x10500] =	vst v63  }
0x311: {  	s22 =	simm.s32 $0x3D00  }
0x312: {  	[tilespmem:s22], [sflag:$0x1] =	stream.indirect_vreg.gather [hbm4b:s9+s4], $0x80, v5, vm0, $0xb8;
	[tilespmem:$0x10500] =	vst v63  }
0x313: {  	v5 =	vld [tilespmem:$0x4D0];
	_ =	sdelay $0x4  }
0x314: {  	v6 =	vshll.u32 v5, $0x3  }
0x315: {  	v5 =	vand.u32 $0x7, v5;
	v6 =	vand.u32 $0xFFFFFFC0, v6  }
0x316: {  	v5 =	vor.u32 v5, v6  }
0x317: {  	v6 =	vperm.xlane v5, v2;
	_ =	sdelay $0x1  }
0x318: {  	v6 =	vadd.s32 v3, v6;
	_ =	sdelay $0x3  }
0x319: {  	s0 =	simm.s32 $0x4500  }
0x31a: {  	[tilespmem:s0], [sflag:$0x1] =	stream.indirect_vreg.gather [hbm4b:s3+s4], $0x80, v6, vm0, $0xb8;
	[tilespmem:$0x10500] =	vst v63  }
0x31b: {  	s2 =	simm.s32 $0x4D00;
	v5 =	vperm.xlane v5, v4  }
0x31c: {  	[tilespmem:s2], [sflag:$0x1] =	stream.indirect_vreg.gather [hbm4b:s6+s4], $0x80, v6, vm0, $0xb8;
	[tilespmem:$0x10500] =	vst v63  }
0x31d: {  	s17 =	simm.s32 $0x5500;
	v5 =	vadd.s32 v3, v5  }
0x31e: {  	[tilespmem:s17], [sflag:$0x1] =	stream.indirect_vreg.gather [hbm4b:s7+s4], $0x80, v6, vm0, $0xb8;
	[tilespmem:$0x10500] =	vst v63  }
0x31f: {  	s5 =	simm.s32 $0x5D00  }
0x320: {  	[tilespmem:s5], [sflag:$0x1] =	stream.indirect_vreg.gather [hbm4b:s9+s4], $0x80, v6, vm0, $0xb8;
	[tilespmem:$0x10500] =	vst v63  }
0x321: {  	s20 =	simm.s32 $0x6500  }
0x322: {  	[tilespmem:s20], [sflag:$0x1] =	stream.indirect_vreg.gather [hbm4b:s3+s4], $0x80, v5, vm0, $0xb8;
	[tilespmem:$0x10500] =	vst v63  }
0x323: {  	s10 =	simm.s32 $0x6D00  }
0x324: {  	[tilespmem:s10], [sflag:$0x1] =	stream.indirect_vreg.gather [hbm4b:s6+s4], $0x80, v5, vm0, $0xb8;
	[tilespmem:$0x10500] =	vst v63  }
0x325: {  	s11 =	simm.s32 $0x7500  }
0x326: {  	[tilespmem:s11], [sflag:$0x1] =	stream.indirect_vreg.gather [hbm4b:s7+s4], $0x80, v5, vm0, $0xb8;
	[tilespmem:$0x10500] =	vst v63  }
0x327: {  	s16 =	simm.s32 $0x7D00  }
0x328: {  	[tilespmem:s16], [sflag:$0x1] =	stream.indirect_vreg.gather [hbm4b:s9+s4], $0x80, v5, vm0, $0xb8;
	[tilespmem:$0x10500] =	vst v63  }
0x329: {  	_ =	swait.ge [sflag:s13], $0x8000  }
0x32a: {  	[sflag:s13] =	ssyncset.done $0x0  }
0x32b: {  	s14 =	rddreg [dreg:$0x13];
	[sflag:s13] =	ssyncadd.s32 $0xFFFF8000  }
0x32c: {  	[hbm4b:s14+s4] =	stream.linear.scatter [tilespmem:s19], [sflag:$0x3], $0x8000, $0x38;
	[tilespmem:$0x10500] =	vst v63  }
0x32d: {  	_ =	swait.ge [sflag:s26], $0x8000  }
0x32e: {  	[sflag:s26] =	ssyncset.done $0x0  }
0x32f: {  	[sflag:s26] =	ssyncadd.s32 $0xFFFF8000  }
0x330: {  	v5 =	vld [tilespmem:$0x4E0];
	_ =	sdelay $0x4  }
0x331: {  	v6 =	vshll.u32 v5, $0x3  }
0x332: {  	v5 =	vand.u32 $0x7, v5;
	v6 =	vand.u32 $0xFFFFFFC0, v6  }
0x333: {  	v5 =	vor.u32 v5, v6  }
0x334: {  	v6 =	vperm.xlane v5, v2;
	_ =	sdelay $0x1  }
0x335: {  	v6 =	vadd.s32 v3, v6;
	_ =	sdelay $0x4  }
0x336: {  	[tilespmem:s19], [sflag:$0x2] =	stream.indirect_vreg.gather [hbm4b:s3+s4], $0x80, v6, vm0, $0xb8;
	[tilespmem:$0x10500] =	vst v63  }
0x337: {  	s8 =	simm.s32 $0x8D00;
	v5 =	vperm.xlane v5, v4  }
0x338: {  	[tilespmem:s8], [sflag:$0x2] =	stream.indirect_vreg.gather [hbm4b:s6+s4], $0x80, v6, vm0, $0xb8;
	[tilespmem:$0x10500] =	vst v63  }
0x339: {  	s1 =	simm.s32 $0x9500;
	v5 =	vadd.s32 v3, v5  }
0x33a: {  	[tilespmem:s1], [sflag:$0x2] =	stream.indirect_vreg.gather [hbm4b:s7+s4], $0x80, v6, vm0, $0xb8;
	[tilespmem:$0x10500] =	vst v63  }
0x33b: {  	s16 =	simm.s32 $0x9D00  }
0x33c: {  	[tilespmem:s16], [sflag:$0x2] =	stream.indirect_vreg.gather [hbm4b:s9+s4], $0x80, v6, vm0, $0xb8;
	[tilespmem:$0x10500] =	vst v63  }
0x33d: {  	s18 =	simm.s32 $0xA500  }
0x33e: {  	[tilespmem:s18], [sflag:$0x2] =	stream.indirect_vreg.gather [hbm4b:s3+s4], $0x80, v5, vm0, $0xb8;
	[tilespmem:$0x10500] =	vst v63  }
0x33f: {  	s24 =	simm.s32 $0xAD00  }
0x340: {  	[tilespmem:s24], [sflag:$0x2] =	stream.indirect_vreg.gather [hbm4b:s6+s4], $0x80, v5, vm0, $0xb8;
	[tilespmem:$0x10500] =	vst v63  }
0x341: {  	s30 =	simm.s32 $0xB500  }
0x342: {  	[tilespmem:s30], [sflag:$0x2] =	stream.indirect_vreg.gather [hbm4b:s7+s4], $0x80, v5, vm0, $0xb8;
	[tilespmem:$0x10500] =	vst v63  }
0x343: {  	s17 =	simm.s32 $0xBD00  }
0x344: {  	[tilespmem:s17], [sflag:$0x2] =	stream.indirect_vreg.gather [hbm4b:s9+s4], $0x80, v5, vm0, $0xb8;
	[tilespmem:$0x10500] =	vst v63  }
0x345: {  	v5 =	vld [tilespmem:$0x4F0];
	_ =	sdelay $0x4  }
0x346: {  	v6 =	vshll.u32 v5, $0x3  }
0x347: {  	v5 =	vand.u32 $0x7, v5;
	v6 =	vand.u32 $0xFFFFFFC0, v6  }
0x348: {  	v5 =	vor.u32 v5, v6  }
0x349: {  	v6 =	vperm.xlane v5, v2;
	_ =	sdelay $0x1  }
0x34a: {  	v6 =	vadd.s32 v3, v6;
	_ =	sdelay $0x3  }
0x34b: {  	s18 =	simm.s32 $0xC500  }
0x34c: {  	[tilespmem:s18], [sflag:$0x2] =	stream.indirect_vreg.gather [hbm4b:s3+s4], $0x80, v6, vm0, $0xb8;
	[tilespmem:$0x10500] =	vst v63  }
0x34d: {  	s20 =	simm.s32 $0xCD00;
	v5 =	vperm.xlane v5, v4  }
0x34e: {  	[tilespmem:s20], [sflag:$0x2] =	stream.indirect_vreg.gather [hbm4b:s6+s4], $0x80, v6, vm0, $0xb8;
	[tilespmem:$0x10500] =	vst v63  }
0x34f: {  	s31 =	simm.s32 $0xD500;
	v5 =	vadd.s32 v3, v5  }
0x350: {  	[tilespmem:s31], [sflag:$0x2] =	stream.indirect_vreg.gather [hbm4b:s7+s4], $0x80, v6, vm0, $0xb8;
	[tilespmem:$0x10500] =	vst v63  }
0x351: {  	s21 =	simm.s32 $0xDD00  }
0x352: {  	[tilespmem:s21], [sflag:$0x2] =	stream.indirect_vreg.gather [hbm4b:s9+s4], $0x80, v6, vm0, $0xb8;
	[tilespmem:$0x10500] =	vst v63  }
0x353: {  	s23 =	simm.s32 $0xE500  }
0x354: {  	[tilespmem:s23], [sflag:$0x2] =	stream.indirect_vreg.gather [hbm4b:s3+s4], $0x80, v5, vm0, $0xb8;
	[tilespmem:$0x10500] =	vst v63  }
0x355: {  	s21 =	simm.s32 $0xED00  }
0x356: {  	[tilespmem:s21], [sflag:$0x2] =	stream.indirect_vreg.gather [hbm4b:s6+s4], $0x80, v5, vm0, $0xb8;
	[tilespmem:$0x10500] =	vst v63  }
0x357: {  	s22 =	simm.s32 $0xF500  }
0x358: {  	[tilespmem:s22], [sflag:$0x2] =	stream.indirect_vreg.gather [hbm4b:s7+s4], $0x80, v5, vm0, $0xb8;
	[tilespmem:$0x10500] =	vst v63  }
0x359: {  	s23 =	simm.s32 $0xFD00  }
0x35a: {  	[tilespmem:s23], [sflag:$0x2] =	stream.indirect_vreg.gather [hbm4b:s9+s4], $0x80, v5, vm0, $0xb8;
	[tilespmem:$0x10500] =	vst v63  }
0x35b: {  	_ =	swait.ge [sflag:s12], $0x8000  }
0x35c: {  	[sflag:s12] =	ssyncset.done $0x0  }
0x35d: {  	s24 =	rddreg [dreg:$0x14];
	[sflag:s12] =	ssyncadd.s32 $0xFFFF8000  }
0x35e: {  	[hbm4b:s24+s4] =	stream.linear.scatter [tilespmem:s29], [sflag:$0x3], $0x8000, $0x38;
	[tilespmem:$0x10500] =	vst v63  }
0x35f: {  	_ =	swait.ge [sflag:s26], $0x8000  }
0x360: {  	[sflag:s26] =	ssyncset.done $0x0  }
0x361: {  	[sflag:s26] =	ssyncadd.s32 $0xFFFF8000  }
0x362: {  	_ =	swait.ge [sflag:s13], $0x8000  }
0x363: {  	[sflag:s13] =	ssyncset.done $0x0  }
0x364: {  	s30 =	rddreg [dreg:$0x15];
	[sflag:s13] =	ssyncadd.s32 $0xFFFF8000  }
0x365: {  	[hbm4b:s30+s4] =	stream.linear.scatter [tilespmem:s19], [sflag:$0x3], $0x8000, $0x38;
	[tilespmem:$0x10500] =	vst v63  }
0x366: {  	_ =	swait.ge [sflag:s26], $0x8000  }
0x367: {  	s25 =	sadd.s32 $0x1, s25;
	s31 =	rddreg [dreg:$0x16]  }
0x368: {  	p0 =	sne.s32 s25, s31  }
.Ltmp1:
0x369: {  	_ = 	snop;
	(pc) =	sbr.rel @p0 .LBB2_1-.Ltmp1, $3  }
0x36a: {  	_ =	sdelay $0x1  }
0x36b: {  	[sflag:s26] =	ssyncset.done $0x0  }
0x36c: {  	[sflag:s26] =	ssyncadd.s32 $0xFFFF8000  }
0x36d: {  	_ =	sfence.sel $0x180000  }
0x36e: {  	[bflag:$0x0] =	sbarrier.arrive $0xFFFF  }
0x36f: {  	_ =	strace $0x90000047  }
0x370: {  	s0 =	stileid.u32;
	[bflag:$0x2] =	sbarrier.arrive $0xFFFF  }
0x371: {  	p0 =	sne.s32 s0, $0x0;
	s0 =	rddreg [dreg:$0x4]  }
0x372: {  	s0 =	sadd.s32 @!p0 $0x100000, s0  }
0x373: {  	[sflag:s0] =	ssyncadd.tile.s32 @!p0 $0x1;
	_ =	shalt  }
.Lfunc_end2:
_tile_overlayer_lowered:
.L_overlay_start_2:
0x374: {  	(tag) =	ssettag $0x2  }
0x375: {  	s0 =	rddreg [dreg:$0x0];
	s2 =	stileid.u32  }
0x376: {  	s1 =	rddreg [dreg:$0x1];
	p0 =	sne.s32 s2, $0x0  }
0x377: {  	s3 =	rddreg [dreg:$0x2];
	[bflag:$0x3] =	sbarrier.arrive $0xFFFF;
	s2 =	simm.s32 @!p0 $0x1C03  }
0x378: {  	[timem:s3], [sflag:s2] =	dma.local @!p0 [hbm:s0], s1  }
0x379: {  	s0 =	simm.s32 @!p0 $0x3  }
0x37a: {  	_ =	swait.ge @!p0 [sflag:s0], s1  }
0x37b: {  	s1 =	ssub.s32 @!p0 $0x0, s1;
	[sflag:s0] =	ssyncset.done @!p0 $0x0  }
0x37c: {  	[sflag:s0] =	ssyncadd.s32 @!p0 s1  }
0x37d: {  	[bflag:$0x3] =	sbarrier.arrive $0xFFFF  }
0x37e: {  	_ =	shalt  }

</sc_bundles>
